<compile_context>
chip_gen: v7x
topology: tpu7x:2x2x1
jax: 0.10.2.dev20260603
libtpu: 0.0.44.dev20260713+nightly
codegen_flags: <defaults>
</compile_context>

<pallas_src>
import functools

import jax
import jax.numpy as jnp
from jax import lax
from jax.experimental import pallas as pl
from jax.experimental.pallas import tpu as pltpu
from jax.experimental.pallas import tpu_sc as plsc

N_RULE = 1000
N_ROWS = 200 * 1024
HIDDEN = 64
CHUNK = 128
NC = 2
NS = 16
NW = NC * NS
ROWS_PER_W = N_ROWS // NW
CHUNKS_PER_W = ROWS_PER_W // CHUNK
N_CHUNKS = N_ROWS // CHUNK
LANES = 16
NSLOT = 4


def _body(r_idx_hbm, t_idx_hbm, rule_hbm, tok_hbm, out_hbm, *refs):
    idx_r_all, idx_t_all = refs[0], refs[1]
    idx_r = refs[2:2 + NSLOT]
    idx_t = refs[6:6 + NSLOT]
    buf_r = refs[10:10 + NSLOT]
    g_r = refs[14:14 + NSLOT]
    g_t = refs[18:18 + NSLOT]
    wb = refs[22:22 + NSLOT]

    wid = lax.axis_index("s") * NC + lax.axis_index("c")
    first = wid * CHUNKS_PER_W
    last = CHUNKS_PER_W - 1

    pltpu.sync_copy(r_idx_hbm.at[pl.ds(first * CHUNK, ROWS_PER_W)], idx_r_all)
    pltpu.sync_copy(t_idx_hbm.at[pl.ds(first * CHUNK, ROWS_PER_W)], idx_t_all)

    def idx_copy(c, s):
        for k in range(CHUNK // LANES):
            sl = pl.ds(k * LANES, LANES)
            idx_r[s][sl] = idx_r_all[pl.ds(c * CHUNK + k * LANES, LANES)]
            idx_t[s][sl] = idx_t_all[pl.ds(c * CHUNK + k * LANES, LANES)]

    def rule_issue(s):
        pltpu.async_copy(rule_hbm.at[idx_r[s]], buf_r[s], g_r[s])

    def rule_wait(s):
        pltpu.make_async_copy(rule_hbm.at[idx_r[s]], buf_r[s], g_r[s]).wait()

    def tok_issue(s):
        pltpu.async_copy(tok_hbm.at[idx_t[s]], buf_r[s], g_t[s], add=True)

    def tok_wait(s):
        pltpu.make_async_copy(tok_hbm.at[idx_t[s]], buf_r[s], g_t[s]).wait()

    def wb_wait(s):
        pltpu.make_async_copy(buf_r[s], out_hbm.at[first], wb[s]).wait()

    def out_chunk(c):
        m = first + c
        lt = m // 64
        rem = m - lt * 64
        bt = rem // 8
        ls = rem - bt * 8
        return (lt * 8 + ls) * 8 + bt

    def proc(c, s, prime=False):
        s1 = (s + 1) % NSLOT
        s2 = (s + 2) % NSLOT
        nxt = jnp.minimum(c + 2, last)
        idx_copy(nxt, s2)
        if not prime:
            wb_wait(s2)
        rule_issue(s2)
        rule_wait(s1)
        tok_issue(s1)
        tok_wait(s)
        pltpu.async_copy(buf_r[s], out_hbm.at[out_chunk(c)], wb[s])

    idx_copy(jnp.int32(0), 0)
    rule_issue(0)
    idx_copy(jnp.int32(1), 1)
    rule_issue(1)
    rule_wait(0)
    tok_issue(0)
    proc(jnp.int32(0), 0, prime=True)
    proc(jnp.int32(1), 1, prime=True)

    def quad_body(i, carry):
        c = 4 * i + 2
        proc(c, 2)
        proc(c + 1, 3)
        proc(c + 2, 0)
        proc(c + 3, 1)
        return carry

    lax.fori_loop(0, (CHUNKS_PER_W - 2) // NSLOT, quad_body, 0)

    tok_wait(2)
    rule_wait(3)
    wb_wait(0)
    wb_wait(1)


@jax.jit
def _run(r_idx, t_idx, rule_hot, tok_hot):
    kfn = pl.kernel(
        _body,
        out_type=jax.ShapeDtypeStruct((N_CHUNKS, CHUNK, HIDDEN), jnp.float32),
        mesh=plsc.VectorSubcoreMesh(core_axis_name="c", subcore_axis_name="s"),
        compiler_params=pltpu.CompilerParams(use_tc_tiling_on_sc=False),
        scratch_types=(
            [pltpu.VMEM((ROWS_PER_W,), jnp.int32)] * 2
            + [pltpu.VMEM((CHUNK,), jnp.int32)] * (2 * NSLOT)
            + [pltpu.VMEM((CHUNK, HIDDEN), jnp.float32)] * NSLOT
            + [pltpu.SemaphoreType.DMA] * (3 * NSLOT)
        ),
    )
    return kfn(r_idx, t_idx, rule_hot, tok_hot)


def kernel(previous_actions, mask, rule_table, token_table):
    L, B, _ = previous_actions.shape
    prev = previous_actions.astype(jnp.int32)
    r_idx = (prev[:, :, 0].reshape(25, 8, 8, 128)
             .transpose(0, 2, 1, 3).reshape(N_ROWS))
    t_idx = (prev[:, :, 1].reshape(25, 8, 8, 128)
             .transpose(0, 2, 1, 3).reshape(N_ROWS))
    rule_hot = rule_table[:N_RULE]
    tok_hot = token_table[:N_RULE]
    out = _run(r_idx, t_idx, rule_hot, tok_hot)
    return out.reshape(L, B, HIDDEN), mask

# --- scband reference (transcript-rebuilt; emitter-appended) ---
"""Pipeline reference for scband-action-sequence-reader-7473243095646 (READ-ONLY COPY).

The authoritative reference and input builder live on the scoring server;
editing this copy changes nothing except your own understanding.
"""

import jax, jax.numpy as jnp
import numpy as np

N_RULE = 1000
N_TOKEN = 100000
HIDDEN = 64
L, B = 200, 1024


def setup_inputs(seed: int = 0) -> dict:
    key = jax.random.key(seed)
    k1, k2, k3, k4 = jax.random.split(key, 4)
    previous_actions = jax.random.randint(k1, (L, B, 3), 0, N_RULE, dtype=jnp.int64) if jax.config.jax_enable_x64 else jax.random.randint(k1, (L, B, 3), 0, N_RULE, dtype=jnp.int32)
    mask = jnp.ones((L, B), dtype=jnp.float32)
    # EmbeddingWithMask(num_embeddings, dim, mask_idx): table has num_embeddings+1 rows,
    # index == mask_idx (== num_embeddings) yields a zero vector.
    rule_table = jax.random.normal(k2, (N_RULE + 1, HIDDEN), dtype=jnp.float32) * 0.02
    token_table = jax.random.normal(k3, (N_TOKEN + 1, HIDDEN), dtype=jnp.float32) * 0.02
    return {"previous_actions": previous_actions, "mask": mask, "rule_table": rule_table, "token_table": token_table}


def reference(previous_actions, mask, rule_table, token_table):
    L_a, B_a, _ = previous_actions.shape
    prev_rules = previous_actions[:, :, 0]
    prev_tokens = previous_actions[:, :, 1]
    n_rule = rule_table.shape[0] - 1
    n_token = token_table.shape[0] - 1
    # padding value -1 -> mask index
    prev_rules = jnp.where(prev_rules == -1, n_rule, prev_rules).reshape(L_a, B_a)
    prev_tokens = jnp.where(prev_tokens == -1, n_token, prev_tokens).reshape(L_a, B_a)
    # EmbeddingWithMask: gather, then zero out rows at mask index
    rule_feat = jnp.take(rule_table, prev_rules, axis=0) * (prev_rules != n_rule).astype(rule_table.dtype)[:, :, None]
    token_feat = jnp.take(token_table, prev_tokens, axis=0) * (prev_tokens != n_token).astype(token_table.dtype)[:, :, None]
    feature = rule_feat + token_feat
    return feature, mask

if __name__ == "__main__":
    import jax
    _d = setup_inputs()
    print(jax.jit(kernel)(*tuple(_d.values())))

</pallas_src>

<mosaic_0001>
#map = affine_map<(d0, d1) -> (0)>
#map1 = affine_map<(d0, d1) -> (0, 0)>
#map2 = affine_map<(d0, d1) -> (0, 0, 0)>
module attributes {stable_mosaic.version = 14 : i64} {
  func.func @_body(%arg0: i32, %arg1: i32, %arg2: memref<204800xi32, #tpu.memory_space<hbm>>, %arg3: memref<204800xi32, #tpu.memory_space<hbm>>, %arg4: memref<1000x64xf32, #tpu.memory_space<hbm>>, %arg5: memref<1000x64xf32, #tpu.memory_space<hbm>>, %arg6: memref<1600x128x64xf32, #tpu.memory_space<hbm>>, %arg7: memref<6400xi32, #tpu.memory_space<vmem>>, %arg8: memref<6400xi32, #tpu.memory_space<vmem>>, %arg9: memref<128xi32, #tpu.memory_space<vmem>>, %arg10: memref<128xi32, #tpu.memory_space<vmem>>, %arg11: memref<128xi32, #tpu.memory_space<vmem>>, %arg12: memref<128xi32, #tpu.memory_space<vmem>>, %arg13: memref<128xi32, #tpu.memory_space<vmem>>, %arg14: memref<128xi32, #tpu.memory_space<vmem>>, %arg15: memref<128xi32, #tpu.memory_space<vmem>>, %arg16: memref<128xi32, #tpu.memory_space<vmem>>, %arg17: memref<128x64xf32, #tpu.memory_space<vmem>>, %arg18: memref<128x64xf32, #tpu.memory_space<vmem>>, %arg19: memref<128x64xf32, #tpu.memory_space<vmem>>, %arg20: memref<128x64xf32, #tpu.memory_space<vmem>>, %arg21: memref<!tpu.dma_semaphore, #tpu.memory_space<semaphore_mem>>, %arg22: memref<!tpu.dma_semaphore, #tpu.memory_space<semaphore_mem>>, %arg23: memref<!tpu.dma_semaphore, #tpu.memory_space<semaphore_mem>>, %arg24: memref<!tpu.dma_semaphore, #tpu.memory_space<semaphore_mem>>, %arg25: memref<!tpu.dma_semaphore, #tpu.memory_space<semaphore_mem>>, %arg26: memref<!tpu.dma_semaphore, #tpu.memory_space<semaphore_mem>>, %arg27: memref<!tpu.dma_semaphore, #tpu.memory_space<semaphore_mem>>, %arg28: memref<!tpu.dma_semaphore, #tpu.memory_space<semaphore_mem>>, %arg29: memref<!tpu.dma_semaphore, #tpu.memory_space<semaphore_mem>>, %arg30: memref<!tpu.dma_semaphore, #tpu.memory_space<semaphore_mem>>, %arg31: memref<!tpu.dma_semaphore, #tpu.memory_space<semaphore_mem>>, %arg32: memref<!tpu.dma_semaphore, #tpu.memory_space<semaphore_mem>>) attributes {dimension_semantics = [#tpu.dimension_semantics<core_parallel>, #tpu.dimension_semantics<subcore_parallel>], iteration_bounds = array<i64: 2, 16>, scalar_prefetch = 0 : i64, scratch_operands = 26 : i64, tpu.core_type = #tpu.core_type<sc_vector_subcore>, window_params = [{transform_indices = #map}, {transform_indices = #map}, {transform_indices = #map1}, {transform_indices = #map1}, {transform_indices = #map2}]} {
    %mul3A = arith.constant 2 : i32
    %mul3A_0 = arith.muli %arg1, %mul3A : i32
    %add3A = arith.addi %mul3A_0, %arg0 : i32
    %mul3A_1 = arith.constant 50 : i32
    %mul3A_2 = arith.muli %add3A, %mul3A_1 : i32
    %mul3A_3 = arith.constant 128 : i32
    %mul3A_4 = arith.muli %mul3A_2, %mul3A_3 : i32
    "tpu.region"() ({
      %run_scoped3A = tpu.sem_alloc : memref<!tpu.dma_semaphore, #tpu.memory_space<semaphore_mem>>
      %dma_start3A_943 = tpu.memref_slice %arg2[%mul3A_4] : memref<204800xi32, #tpu.memory_space<hbm>> -> memref<6400xi32, #tpu.memory_space<hbm>>
      %dma_start3A_944 = tpu.memref_slice %arg2[%mul3A_4] : memref<204800xi32, #tpu.memory_space<hbm>> -> memref<6400xi32, #tpu.memory_space<hbm>>
      tpu.enqueue_dma source(%dma_start3A_944 : memref<6400xi32, #tpu.memory_space<hbm>>) target(%arg7 : memref<6400xi32, #tpu.memory_space<vmem>>) target_semaphore(%run_scoped3A : memref<!tpu.dma_semaphore, #tpu.memory_space<semaphore_mem>>)
      %dma_wait3A_945 = tpu.memref_slice %arg2[%mul3A_4] : memref<204800xi32, #tpu.memory_space<hbm>> -> memref<6400xi32, #tpu.memory_space<hbm>>
      %dma_wait3A_946 = tpu.memref_slice %arg2[%mul3A_4] : memref<204800xi32, #tpu.memory_space<hbm>> -> memref<6400xi32, #tpu.memory_space<hbm>>
      tpu.wait_dma2 semaphore(%run_scoped3A : memref<!tpu.dma_semaphore, #tpu.memory_space<semaphore_mem>>) src(%dma_wait3A_946 : memref<6400xi32, #tpu.memory_space<hbm>>) dst(%arg7 : memref<6400xi32, #tpu.memory_space<vmem>>)
      tpu.yield
    }) : () -> ()
    %mul3A_5 = arith.constant 128 : i32
    %mul3A_6 = arith.muli %mul3A_2, %mul3A_5 : i32
    "tpu.region"() ({
      %run_scoped3A = tpu.sem_alloc : memref<!tpu.dma_semaphore, #tpu.memory_space<semaphore_mem>>
      %dma_start3A_943 = tpu.memref_slice %arg3[%mul3A_6] : memref<204800xi32, #tpu.memory_space<hbm>> -> memref<6400xi32, #tpu.memory_space<hbm>>
      %dma_start3A_944 = tpu.memref_slice %arg3[%mul3A_6] : memref<204800xi32, #tpu.memory_space<hbm>> -> memref<6400xi32, #tpu.memory_space<hbm>>
      tpu.enqueue_dma source(%dma_start3A_944 : memref<6400xi32, #tpu.memory_space<hbm>>) target(%arg8 : memref<6400xi32, #tpu.memory_space<vmem>>) target_semaphore(%run_scoped3A : memref<!tpu.dma_semaphore, #tpu.memory_space<semaphore_mem>>)
      %dma_wait3A_945 = tpu.memref_slice %arg3[%mul3A_6] : memref<204800xi32, #tpu.memory_space<hbm>> -> memref<6400xi32, #tpu.memory_space<hbm>>
      %dma_wait3A_946 = tpu.memref_slice %arg3[%mul3A_6] : memref<204800xi32, #tpu.memory_space<hbm>> -> memref<6400xi32, #tpu.memory_space<hbm>>
      tpu.wait_dma2 semaphore(%run_scoped3A : memref<!tpu.dma_semaphore, #tpu.memory_space<semaphore_mem>>) src(%dma_wait3A_946 : memref<6400xi32, #tpu.memory_space<hbm>>) dst(%arg8 : memref<6400xi32, #tpu.memory_space<vmem>>)
      tpu.yield
    }) : () -> ()
    %mul3A_7 = arith.constant 0 : i32
    %mul3A_8 = arith.constant 128 : i32
    %mul3A_9 = arith.muli %mul3A_7, %mul3A_8 : i32
    %add3A_10 = arith.constant 0 : i32
    %add3A_11 = arith.addi %mul3A_9, %add3A_10 : i32
    %get3A = arith.index_cast %add3A_11 : i32 to index
    %get3A_12 = tpu.vector_load %arg7[%get3A] {strides = array<i32>} : memref<6400xi32, #tpu.memory_space<vmem>>, vector<16xi32>,
    %get3A_13 = vector.shape_cast %get3A_12 : vector<16xi32> to vector<16xi32>
    %swap3A = arith.constant 0 : index
    %swap3A_14 = tpu.vector_load %arg9[%swap3A] {strides = array<i32>} : memref<128xi32, #tpu.memory_space<vmem>>, vector<16xi32>,
    %swap3A_15 = vector.shape_cast %swap3A_14 : vector<16xi32> to vector<16xi32>
    %swap3A_16 = vector.shape_cast %get3A_13 : vector<16xi32> to vector<16xi32>
    tpu.vector_store %arg9[%swap3A], %swap3A_16 {strides = array<i32>} : memref<128xi32, #tpu.memory_space<vmem>>, vector<16xi32>,
    %mul3A_17 = arith.constant 0 : i32
    %mul3A_18 = arith.constant 128 : i32
    %mul3A_19 = arith.muli %mul3A_17, %mul3A_18 : i32
    %add3A_20 = arith.constant 0 : i32
    %add3A_21 = arith.addi %mul3A_19, %add3A_20 : i32
    %get3A_22 = arith.index_cast %add3A_21 : i32 to index
    %get3A_23 = tpu.vector_load %arg8[%get3A_22] {strides = array<i32>} : memref<6400xi32, #tpu.memory_space<vmem>>, vector<16xi32>,
    %get3A_24 = vector.shape_cast %get3A_23 : vector<16xi32> to vector<16xi32>
    %swap3A_25 = arith.constant 0 : index
    %swap3A_26 = tpu.vector_load %arg13[%swap3A_25] {strides = array<i32>} : memref<128xi32, #tpu.memory_space<vmem>>, vector<16xi32>,
    %swap3A_27 = vector.shape_cast %swap3A_26 : vector<16xi32> to vector<16xi32>
    %swap3A_28 = vector.shape_cast %get3A_24 : vector<16xi32> to vector<16xi32>
    tpu.vector_store %arg13[%swap3A_25], %swap3A_28 {strides = array<i32>} : memref<128xi32, #tpu.memory_space<vmem>>, vector<16xi32>,
    %mul3A_29 = arith.constant 0 : i32
    %mul3A_30 = arith.constant 128 : i32
    %mul3A_31 = arith.muli %mul3A_29, %mul3A_30 : i32
    %add3A_32 = arith.constant 16 : i32
    %add3A_33 = arith.addi %mul3A_31, %add3A_32 : i32
    %get3A_34 = arith.index_cast %add3A_33 : i32 to index
    %get3A_35 = tpu.vector_load %arg7[%get3A_34] {strides = array<i32>} : memref<6400xi32, #tpu.memory_space<vmem>>, vector<16xi32>,
    %get3A_36 = vector.shape_cast %get3A_35 : vector<16xi32> to vector<16xi32>
    %swap3A_37 = arith.constant 16 : index
    %swap3A_38 = tpu.vector_load %arg9[%swap3A_37] {strides = array<i32>} : memref<128xi32, #tpu.memory_space<vmem>>, vector<16xi32>,
    %swap3A_39 = vector.shape_cast %swap3A_38 : vector<16xi32> to vector<16xi32>
    %swap3A_40 = vector.shape_cast %get3A_36 : vector<16xi32> to vector<16xi32>
    tpu.vector_store %arg9[%swap3A_37], %swap3A_40 {strides = array<i32>} : memref<128xi32, #tpu.memory_space<vmem>>, vector<16xi32>,
    %mul3A_41 = arith.constant 0 : i32
    %mul3A_42 = arith.constant 128 : i32
    %mul3A_43 = arith.muli %mul3A_41, %mul3A_42 : i32
    %add3A_44 = arith.constant 16 : i32
    %add3A_45 = arith.addi %mul3A_43, %add3A_44 : i32
    %get3A_46 = arith.index_cast %add3A_45 : i32 to index
    %get3A_47 = tpu.vector_load %arg8[%get3A_46] {strides = array<i32>} : memref<6400xi32, #tpu.memory_space<vmem>>, vector<16xi32>,
    %get3A_48 = vector.shape_cast %get3A_47 : vector<16xi32> to vector<16xi32>
    %swap3A_49 = arith.constant 16 : index
    %swap3A_50 = tpu.vector_load %arg13[%swap3A_49] {strides = array<i32>} : memref<128xi32, #tpu.memory_space<vmem>>, vector<16xi32>,
    %swap3A_51 = vector.shape_cast %swap3A_50 : vector<16xi32> to vector<16xi32>
    %swap3A_52 = vector.shape_cast %get3A_48 : vector<16xi32> to vector<16xi32>
    tpu.vector_store %arg13[%swap3A_49], %swap3A_52 {strides = array<i32>} : memref<128xi32, #tpu.memory_space<vmem>>, vector<16xi32>,
    %mul3A_53 = arith.constant 0 : i32
    %mul3A_54 = arith.constant 128 : i32
    %mul3A_55 = arith.muli %mul3A_53, %mul3A_54 : i32
    %add3A_56 = arith.constant 32 : i32
    %add3A_57 = arith.addi %mul3A_55, %add3A_56 : i32
    %get3A_58 = arith.index_cast %add3A_57 : i32 to index
    %get3A_59 = tpu.vector_load %arg7[%get3A_58] {strides = array<i32>} : memref<6400xi32, #tpu.memory_space<vmem>>, vector<16xi32>,
    %get3A_60 = vector.shape_cast %get3A_59 : vector<16xi32> to vector<16xi32>
    %swap3A_61 = arith.constant 32 : index
    %swap3A_62 = tpu.vector_load %arg9[%swap3A_61] {strides = array<i32>} : memref<128xi32, #tpu.memory_space<vmem>>, vector<16xi32>,
    %swap3A_63 = vector.shape_cast %swap3A_62 : vector<16xi32> to vector<16xi32>
    %swap3A_64 = vector.shape_cast %get3A_60 : vector<16xi32> to vector<16xi32>
    tpu.vector_store %arg9[%swap3A_61], %swap3A_64 {strides = array<i32>} : memref<128xi32, #tpu.memory_space<vmem>>, vector<16xi32>,
    %mul3A_65 = arith.constant 0 : i32
    %mul3A_66 = arith.constant 128 : i32
    %mul3A_67 = arith.muli %mul3A_65, %mul3A_66 : i32
    %add3A_68 = arith.constant 32 : i32
    %add3A_69 = arith.addi %mul3A_67, %add3A_68 : i32
    %get3A_70 = arith.index_cast %add3A_69 : i32 to index
    %get3A_71 = tpu.vector_load %arg8[%get3A_70] {strides = array<i32>} : memref<6400xi32, #tpu.memory_space<vmem>>, vector<16xi32>,
    %get3A_72 = vector.shape_cast %get3A_71 : vector<16xi32> to vector<16xi32>
    %swap3A_73 = arith.constant 32 : index
    %swap3A_74 = tpu.vector_load %arg13[%swap3A_73] {strides = array<i32>} : memref<128xi32, #tpu.memory_space<vmem>>, vector<16xi32>,
    %swap3A_75 = vector.shape_cast %swap3A_74 : vector<16xi32> to vector<16xi32>
    %swap3A_76 = vector.shape_cast %get3A_72 : vector<16xi32> to vector<16xi32>
    tpu.vector_store %arg13[%swap3A_73], %swap3A_76 {strides = array<i32>} : memref<128xi32, #tpu.memory_space<vmem>>, vector<16xi32>,
    %mul3A_77 = arith.constant 0 : i32
    %mul3A_78 = arith.constant 128 : i32
    %mul3A_79 = arith.muli %mul3A_77, %mul3A_78 : i32
    %add3A_80 = arith.constant 48 : i32
    %add3A_81 = arith.addi %mul3A_79, %add3A_80 : i32
    %get3A_82 = arith.index_cast %add3A_81 : i32 to index
    %get3A_83 = tpu.vector_load %arg7[%get3A_82] {strides = array<i32>} : memref<6400xi32, #tpu.memory_space<vmem>>, vector<16xi32>,
    %get3A_84 = vector.shape_cast %get3A_83 : vector<16xi32> to vector<16xi32>
    %swap3A_85 = arith.constant 48 : index
    %swap3A_86 = tpu.vector_load %arg9[%swap3A_85] {strides = array<i32>} : memref<128xi32, #tpu.memory_space<vmem>>, vector<16xi32>,
    %swap3A_87 = vector.shape_cast %swap3A_86 : vector<16xi32> to vector<16xi32>
    %swap3A_88 = vector.shape_cast %get3A_84 : vector<16xi32> to vector<16xi32>
    tpu.vector_store %arg9[%swap3A_85], %swap3A_88 {strides = array<i32>} : memref<128xi32, #tpu.memory_space<vmem>>, vector<16xi32>,
    %mul3A_89 = arith.constant 0 : i32
    %mul3A_90 = arith.constant 128 : i32
    %mul3A_91 = arith.muli %mul3A_89, %mul3A_90 : i32
    %add3A_92 = arith.constant 48 : i32
    %add3A_93 = arith.addi %mul3A_91, %add3A_92 : i32
    %get3A_94 = arith.index_cast %add3A_93 : i32 to index
    %get3A_95 = tpu.vector_load %arg8[%get3A_94] {strides = array<i32>} : memref<6400xi32, #tpu.memory_space<vmem>>, vector<16xi32>,
    %get3A_96 = vector.shape_cast %get3A_95 : vector<16xi32> to vector<16xi32>
    %swap3A_97 = arith.constant 48 : index
    %swap3A_98 = tpu.vector_load %arg13[%swap3A_97] {strides = array<i32>} : memref<128xi32, #tpu.memory_space<vmem>>, vector<16xi32>,
    %swap3A_99 = vector.shape_cast %swap3A_98 : vector<16xi32> to vector<16xi32>
    %swap3A_100 = vector.shape_cast %get3A_96 : vector<16xi32> to vector<16xi32>
    tpu.vector_store %arg13[%swap3A_97], %swap3A_100 {strides = array<i32>} : memref<128xi32, #tpu.memory_space<vmem>>, vector<16xi32>,
    %mul3A_101 = arith.constant 0 : i32
    %mul3A_102 = arith.constant 128 : i32
    %mul3A_103 = arith.muli %mul3A_101, %mul3A_102 : i32
    %add3A_104 = arith.constant 64 : i32
    %add3A_105 = arith.addi %mul3A_103, %add3A_104 : i32
    %get3A_106 = arith.index_cast %add3A_105 : i32 to index
    %get3A_107 = tpu.vector_load %arg7[%get3A_106] {strides = array<i32>} : memref<6400xi32, #tpu.memory_space<vmem>>, vector<16xi32>,
    %get3A_108 = vector.shape_cast %get3A_107 : vector<16xi32> to vector<16xi32>
    %swap3A_109 = arith.constant 64 : index
    %swap3A_110 = tpu.vector_load %arg9[%swap3A_109] {strides = array<i32>} : memref<128xi32, #tpu.memory_space<vmem>>, vector<16xi32>,
    %swap3A_111 = vector.shape_cast %swap3A_110 : vector<16xi32> to vector<16xi32>
    %swap3A_112 = vector.shape_cast %get3A_108 : vector<16xi32> to vector<16xi32>
    tpu.vector_store %arg9[%swap3A_109], %swap3A_112 {strides = array<i32>} : memref<128xi32, #tpu.memory_space<vmem>>, vector<16xi32>,
    %mul3A_113 = arith.constant 0 : i32
    %mul3A_114 = arith.constant 128 : i32
    %mul3A_115 = arith.muli %mul3A_113, %mul3A_114 : i32
    %add3A_116 = arith.constant 64 : i32
    %add3A_117 = arith.addi %mul3A_115, %add3A_116 : i32
    %get3A_118 = arith.index_cast %add3A_117 : i32 to index
    %get3A_119 = tpu.vector_load %arg8[%get3A_118] {strides = array<i32>} : memref<6400xi32, #tpu.memory_space<vmem>>, vector<16xi32>,
    %get3A_120 = vector.shape_cast %get3A_119 : vector<16xi32> to vector<16xi32>
    %swap3A_121 = arith.constant 64 : index
    %swap3A_122 = tpu.vector_load %arg13[%swap3A_121] {strides = array<i32>} : memref<128xi32, #tpu.memory_space<vmem>>, vector<16xi32>,
    %swap3A_123 = vector.shape_cast %swap3A_122 : vector<16xi32> to vector<16xi32>
    %swap3A_124 = vector.shape_cast %get3A_120 : vector<16xi32> to vector<16xi32>
    tpu.vector_store %arg13[%swap3A_121], %swap3A_124 {strides = array<i32>} : memref<128xi32, #tpu.memory_space<vmem>>, vector<16xi32>,
    %mul3A_125 = arith.constant 0 : i32
    %mul3A_126 = arith.constant 128 : i32
    %mul3A_127 = arith.muli %mul3A_125, %mul3A_126 : i32
    %add3A_128 = arith.constant 80 : i32
    %add3A_129 = arith.addi %mul3A_127, %add3A_128 : i32
    %get3A_130 = arith.index_cast %add3A_129 : i32 to index
    %get3A_131 = tpu.vector_load %arg7[%get3A_130] {strides = array<i32>} : memref<6400xi32, #tpu.memory_space<vmem>>, vector<16xi32>,
    %get3A_132 = vector.shape_cast %get3A_131 : vector<16xi32> to vector<16xi32>
    %swap3A_133 = arith.constant 80 : index
    %swap3A_134 = tpu.vector_load %arg9[%swap3A_133] {strides = array<i32>} : memref<128xi32, #tpu.memory_space<vmem>>, vector<16xi32>,
    %swap3A_135 = vector.shape_cast %swap3A_134 : vector<16xi32> to vector<16xi32>
    %swap3A_136 = vector.shape_cast %get3A_132 : vector<16xi32> to vector<16xi32>
    tpu.vector_store %arg9[%swap3A_133], %swap3A_136 {strides = array<i32>} : memref<128xi32, #tpu.memory_space<vmem>>, vector<16xi32>,
    %mul3A_137 = arith.constant 0 : i32
    %mul3A_138 = arith.constant 128 : i32
    %mul3A_139 = arith.muli %mul3A_137, %mul3A_138 : i32
    %add3A_140 = arith.constant 80 : i32
    %add3A_141 = arith.addi %mul3A_139, %add3A_140 : i32
    %get3A_142 = arith.index_cast %add3A_141 : i32 to index
    %get3A_143 = tpu.vector_load %arg8[%get3A_142] {strides = array<i32>} : memref<6400xi32, #tpu.memory_space<vmem>>, vector<16xi32>,
    %get3A_144 = vector.shape_cast %get3A_143 : vector<16xi32> to vector<16xi32>
    %swap3A_145 = arith.constant 80 : index
    %swap3A_146 = tpu.vector_load %arg13[%swap3A_145] {strides = array<i32>} : memref<128xi32, #tpu.memory_space<vmem>>, vector<16xi32>,
    %swap3A_147 = vector.shape_cast %swap3A_146 : vector<16xi32> to vector<16xi32>
    %swap3A_148 = vector.shape_cast %get3A_144 : vector<16xi32> to vector<16xi32>
    tpu.vector_store %arg13[%swap3A_145], %swap3A_148 {strides = array<i32>} : memref<128xi32, #tpu.memory_space<vmem>>, vector<16xi32>,
    %mul3A_149 = arith.constant 0 : i32
    %mul3A_150 = arith.constant 128 : i32
    %mul3A_151 = arith.muli %mul3A_149, %mul3A_150 : i32
    %add3A_152 = arith.constant 96 : i32
    %add3A_153 = arith.addi %mul3A_151, %add3A_152 : i32
    %get3A_154 = arith.index_cast %add3A_153 : i32 to index
    %get3A_155 = tpu.vector_load %arg7[%get3A_154] {strides = array<i32>} : memref<6400xi32, #tpu.memory_space<vmem>>, vector<16xi32>,
    %get3A_156 = vector.shape_cast %get3A_155 : vector<16xi32> to vector<16xi32>
    %swap3A_157 = arith.constant 96 : index
    %swap3A_158 = tpu.vector_load %arg9[%swap3A_157] {strides = array<i32>} : memref<128xi32, #tpu.memory_space<vmem>>, vector<16xi32>,
    %swap3A_159 = vector.shape_cast %swap3A_158 : vector<16xi32> to vector<16xi32>
    %swap3A_160 = vector.shape_cast %get3A_156 : vector<16xi32> to vector<16xi32>
    tpu.vector_store %arg9[%swap3A_157], %swap3A_160 {strides = array<i32>} : memref<128xi32, #tpu.memory_space<vmem>>, vector<16xi32>,
    %mul3A_161 = arith.constant 0 : i32
    %mul3A_162 = arith.constant 128 : i32
    %mul3A_163 = arith.muli %mul3A_161, %mul3A_162 : i32
    %add3A_164 = arith.constant 96 : i32
    %add3A_165 = arith.addi %mul3A_163, %add3A_164 : i32
    %get3A_166 = arith.index_cast %add3A_165 : i32 to index
    %get3A_167 = tpu.vector_load %arg8[%get3A_166] {strides = array<i32>} : memref<6400xi32, #tpu.memory_space<vmem>>, vector<16xi32>,
    %get3A_168 = vector.shape_cast %get3A_167 : vector<16xi32> to vector<16xi32>
    %swap3A_169 = arith.constant 96 : index
    %swap3A_170 = tpu.vector_load %arg13[%swap3A_169] {strides = array<i32>} : memref<128xi32, #tpu.memory_space<vmem>>, vector<16xi32>,
    %swap3A_171 = vector.shape_cast %swap3A_170 : vector<16xi32> to vector<16xi32>
    %swap3A_172 = vector.shape_cast %get3A_168 : vector<16xi32> to vector<16xi32>
    tpu.vector_store %arg13[%swap3A_169], %swap3A_172 {strides = array<i32>} : memref<128xi32, #tpu.memory_space<vmem>>, vector<16xi32>,
    %mul3A_173 = arith.constant 0 : i32
    %mul3A_174 = arith.constant 128 : i32
    %mul3A_175 = arith.muli %mul3A_173, %mul3A_174 : i32
    %add3A_176 = arith.constant 112 : i32
    %add3A_177 = arith.addi %mul3A_175, %add3A_176 : i32
    %get3A_178 = arith.index_cast %add3A_177 : i32 to index
    %get3A_179 = tpu.vector_load %arg7[%get3A_178] {strides = array<i32>} : memref<6400xi32, #tpu.memory_space<vmem>>, vector<16xi32>,
    %get3A_180 = vector.shape_cast %get3A_179 : vector<16xi32> to vector<16xi32>
    %swap3A_181 = arith.constant 112 : index
    %swap3A_182 = tpu.vector_load %arg9[%swap3A_181] {strides = array<i32>} : memref<128xi32, #tpu.memory_space<vmem>>, vector<16xi32>,
    %swap3A_183 = vector.shape_cast %swap3A_182 : vector<16xi32> to vector<16xi32>
    %swap3A_184 = vector.shape_cast %get3A_180 : vector<16xi32> to vector<16xi32>
    tpu.vector_store %arg9[%swap3A_181], %swap3A_184 {strides = array<i32>} : memref<128xi32, #tpu.memory_space<vmem>>, vector<16xi32>,
    %mul3A_185 = arith.constant 0 : i32
    %mul3A_186 = arith.constant 128 : i32
    %mul3A_187 = arith.muli %mul3A_185, %mul3A_186 : i32
    %add3A_188 = arith.constant 112 : i32
    %add3A_189 = arith.addi %mul3A_187, %add3A_188 : i32
    %get3A_190 = arith.index_cast %add3A_189 : i32 to index
    %get3A_191 = tpu.vector_load %arg8[%get3A_190] {strides = array<i32>} : memref<6400xi32, #tpu.memory_space<vmem>>, vector<16xi32>,
    %get3A_192 = vector.shape_cast %get3A_191 : vector<16xi32> to vector<16xi32>
    %swap3A_193 = arith.constant 112 : index
    %swap3A_194 = tpu.vector_load %arg13[%swap3A_193] {strides = array<i32>} : memref<128xi32, #tpu.memory_space<vmem>>, vector<16xi32>,
    %swap3A_195 = vector.shape_cast %swap3A_194 : vector<16xi32> to vector<16xi32>
    %swap3A_196 = vector.shape_cast %get3A_192 : vector<16xi32> to vector<16xi32>
    tpu.vector_store %arg13[%swap3A_193], %swap3A_196 {strides = array<i32>} : memref<128xi32, #tpu.memory_space<vmem>>, vector<16xi32>,
    %dma_start3A = arith.constant 0 : i32
    %dma_start3A_197 = arith.constant 0 : i32
    %dma_start3A_198 = tpu.memref_slice %arg4[%dma_start3A, %dma_start3A_197] : memref<1000x64xf32, #tpu.memory_space<hbm>> -> memref<1000x64xf32, #tpu.memory_space<hbm>>
    tpu.enqueue_indirect_dma source(%dma_start3A_198 : memref<1000x64xf32, #tpu.memory_space<hbm>>) target(%arg17 : memref<128x64xf32, #tpu.memory_space<vmem>>) offsets(%arg9 : memref<128xi32, #tpu.memory_space<vmem>>) semaphore(%arg21 : memref<!tpu.dma_semaphore, #tpu.memory_space<semaphore_mem>>)
    %mul3A_199 = arith.constant 1 : i32
    %mul3A_200 = arith.constant 128 : i32
    %mul3A_201 = arith.muli %mul3A_199, %mul3A_200 : i32
    %add3A_202 = arith.constant 0 : i32
    %add3A_203 = arith.addi %mul3A_201, %add3A_202 : i32
    %get3A_204 = arith.index_cast %add3A_203 : i32 to index
    %get3A_205 = tpu.vector_load %arg7[%get3A_204] {strides = array<i32>} : memref<6400xi32, #tpu.memory_space<vmem>>, vector<16xi32>,
    %get3A_206 = vector.shape_cast %get3A_205 : vector<16xi32> to vector<16xi32>
    %swap3A_207 = arith.constant 0 : index
    %swap3A_208 = tpu.vector_load %arg10[%swap3A_207] {strides = array<i32>} : memref<128xi32, #tpu.memory_space<vmem>>, vector<16xi32>,
    %swap3A_209 = vector.shape_cast %swap3A_208 : vector<16xi32> to vector<16xi32>
    %swap3A_210 = vector.shape_cast %get3A_206 : vector<16xi32> to vector<16xi32>
    tpu.vector_store %arg10[%swap3A_207], %swap3A_210 {strides = array<i32>} : memref<128xi32, #tpu.memory_space<vmem>>, vector<16xi32>,
    %mul3A_211 = arith.constant 1 : i32
    %mul3A_212 = arith.constant 128 : i32
    %mul3A_213 = arith.muli %mul3A_211, %mul3A_212 : i32
    %add3A_214 = arith.constant 0 : i32
    %add3A_215 = arith.addi %mul3A_213, %add3A_214 : i32
    %get3A_216 = arith.index_cast %add3A_215 : i32 to index
    %get3A_217 = tpu.vector_load %arg8[%get3A_216] {strides = array<i32>} : memref<6400xi32, #tpu.memory_space<vmem>>, vector<16xi32>,
    %get3A_218 = vector.shape_cast %get3A_217 : vector<16xi32> to vector<16xi32>
    %swap3A_219 = arith.constant 0 : index
    %swap3A_220 = tpu.vector_load %arg14[%swap3A_219] {strides = array<i32>} : memref<128xi32, #tpu.memory_space<vmem>>, vector<16xi32>,
    %swap3A_221 = vector.shape_cast %swap3A_220 : vector<16xi32> to vector<16xi32>
    %swap3A_222 = vector.shape_cast %get3A_218 : vector<16xi32> to vector<16xi32>
    tpu.vector_store %arg14[%swap3A_219], %swap3A_222 {strides = array<i32>} : memref<128xi32, #tpu.memory_space<vmem>>, vector<16xi32>,
    %mul3A_223 = arith.constant 1 : i32
    %mul3A_224 = arith.constant 128 : i32
    %mul3A_225 = arith.muli %mul3A_223, %mul3A_224 : i32
    %add3A_226 = arith.constant 16 : i32
    %add3A_227 = arith.addi %mul3A_225, %add3A_226 : i32
    %get3A_228 = arith.index_cast %add3A_227 : i32 to index
    %get3A_229 = tpu.vector_load %arg7[%get3A_228] {strides = array<i32>} : memref<6400xi32, #tpu.memory_space<vmem>>, vector<16xi32>,
    %get3A_230 = vector.shape_cast %get3A_229 : vector<16xi32> to vector<16xi32>
    %swap3A_231 = arith.constant 16 : index
    %swap3A_232 = tpu.vector_load %arg10[%swap3A_231] {strides = array<i32>} : memref<128xi32, #tpu.memory_space<vmem>>, vector<16xi32>,
    %swap3A_233 = vector.shape_cast %swap3A_232 : vector<16xi32> to vector<16xi32>
    %swap3A_234 = vector.shape_cast %get3A_230 : vector<16xi32> to vector<16xi32>
    tpu.vector_store %arg10[%swap3A_231], %swap3A_234 {strides = array<i32>} : memref<128xi32, #tpu.memory_space<vmem>>, vector<16xi32>,
    %mul3A_235 = arith.constant 1 : i32
    %mul3A_236 = arith.constant 128 : i32
    %mul3A_237 = arith.muli %mul3A_235, %mul3A_236 : i32
    %add3A_238 = arith.constant 16 : i32
    %add3A_239 = arith.addi %mul3A_237, %add3A_238 : i32
    %get3A_240 = arith.index_cast %add3A_239 : i32 to index
    %get3A_241 = tpu.vector_load %arg8[%get3A_240] {strides = array<i32>} : memref<6400xi32, #tpu.memory_space<vmem>>, vector<16xi32>,
    %get3A_242 = vector.shape_cast %get3A_241 : vector<16xi32> to vector<16xi32>
    %swap3A_243 = arith.constant 16 : index
    %swap3A_244 = tpu.vector_load %arg14[%swap3A_243] {strides = array<i32>} : memref<128xi32, #tpu.memory_space<vmem>>, vector<16xi32>,
    %swap3A_245 = vector.shape_cast %swap3A_244 : vector<16xi32> to vector<16xi32>
    %swap3A_246 = vector.shape_cast %get3A_242 : vector<16xi32> to vector<16xi32>
    tpu.vector_store %arg14[%swap3A_243], %swap3A_246 {strides = array<i32>} : memref<128xi32, #tpu.memory_space<vmem>>, vector<16xi32>,
    %mul3A_247 = arith.constant 1 : i32
    %mul3A_248 = arith.constant 128 : i32
    %mul3A_249 = arith.muli %mul3A_247, %mul3A_248 : i32
    %add3A_250 = arith.constant 32 : i32
    %add3A_251 = arith.addi %mul3A_249, %add3A_250 : i32
    %get3A_252 = arith.index_cast %add3A_251 : i32 to index
    %get3A_253 = tpu.vector_load %arg7[%get3A_252] {strides = array<i32>} : memref<6400xi32, #tpu.memory_space<vmem>>, vector<16xi32>,
    %get3A_254 = vector.shape_cast %get3A_253 : vector<16xi32> to vector<16xi32>
    %swap3A_255 = arith.constant 32 : index
    %swap3A_256 = tpu.vector_load %arg10[%swap3A_255] {strides = array<i32>} : memref<128xi32, #tpu.memory_space<vmem>>, vector<16xi32>,
    %swap3A_257 = vector.shape_cast %swap3A_256 : vector<16xi32> to vector<16xi32>
    %swap3A_258 = vector.shape_cast %get3A_254 : vector<16xi32> to vector<16xi32>
    tpu.vector_store %arg10[%swap3A_255], %swap3A_258 {strides = array<i32>} : memref<128xi32, #tpu.memory_space<vmem>>, vector<16xi32>,
    %mul3A_259 = arith.constant 1 : i32
    %mul3A_260 = arith.constant 128 : i32
    %mul3A_261 = arith.muli %mul3A_259, %mul3A_260 : i32
    %add3A_262 = arith.constant 32 : i32
    %add3A_263 = arith.addi %mul3A_261, %add3A_262 : i32
    %get3A_264 = arith.index_cast %add3A_263 : i32 to index
    %get3A_265 = tpu.vector_load %arg8[%get3A_264] {strides = array<i32>} : memref<6400xi32, #tpu.memory_space<vmem>>, vector<16xi32>,
    %get3A_266 = vector.shape_cast %get3A_265 : vector<16xi32> to vector<16xi32>
    %swap3A_267 = arith.constant 32 : index
    %swap3A_268 = tpu.vector_load %arg14[%swap3A_267] {strides = array<i32>} : memref<128xi32, #tpu.memory_space<vmem>>, vector<16xi32>,
    %swap3A_269 = vector.shape_cast %swap3A_268 : vector<16xi32> to vector<16xi32>
    %swap3A_270 = vector.shape_cast %get3A_266 : vector<16xi32> to vector<16xi32>
    tpu.vector_store %arg14[%swap3A_267], %swap3A_270 {strides = array<i32>} : memref<128xi32, #tpu.memory_space<vmem>>, vector<16xi32>,
    %mul3A_271 = arith.constant 1 : i32
    %mul3A_272 = arith.constant 128 : i32
    %mul3A_273 = arith.muli %mul3A_271, %mul3A_272 : i32
    %add3A_274 = arith.constant 48 : i32
    %add3A_275 = arith.addi %mul3A_273, %add3A_274 : i32
    %get3A_276 = arith.index_cast %add3A_275 : i32 to index
    %get3A_277 = tpu.vector_load %arg7[%get3A_276] {strides = array<i32>} : memref<6400xi32, #tpu.memory_space<vmem>>, vector<16xi32>,
    %get3A_278 = vector.shape_cast %get3A_277 : vector<16xi32> to vector<16xi32>
    %swap3A_279 = arith.constant 48 : index
    %swap3A_280 = tpu.vector_load %arg10[%swap3A_279] {strides = array<i32>} : memref<128xi32, #tpu.memory_space<vmem>>, vector<16xi32>,
    %swap3A_281 = vector.shape_cast %swap3A_280 : vector<16xi32> to vector<16xi32>
    %swap3A_282 = vector.shape_cast %get3A_278 : vector<16xi32> to vector<16xi32>
    tpu.vector_store %arg10[%swap3A_279], %swap3A_282 {strides = array<i32>} : memref<128xi32, #tpu.memory_space<vmem>>, vector<16xi32>,
    %mul3A_283 = arith.constant 1 : i32
    %mul3A_284 = arith.constant 128 : i32
    %mul3A_285 = arith.muli %mul3A_283, %mul3A_284 : i32
    %add3A_286 = arith.constant 48 : i32
    %add3A_287 = arith.addi %mul3A_285, %add3A_286 : i32
    %get3A_288 = arith.index_cast %add3A_287 : i32 to index
    %get3A_289 = tpu.vector_load %arg8[%get3A_288] {strides = array<i32>} : memref<6400xi32, #tpu.memory_space<vmem>>, vector<16xi32>,
    %get3A_290 = vector.shape_cast %get3A_289 : vector<16xi32> to vector<16xi32>
    %swap3A_291 = arith.constant 48 : index
    %swap3A_292 = tpu.vector_load %arg14[%swap3A_291] {strides = array<i32>} : memref<128xi32, #tpu.memory_space<vmem>>, vector<16xi32>,
    %swap3A_293 = vector.shape_cast %swap3A_292 : vector<16xi32> to vector<16xi32>
    %swap3A_294 = vector.shape_cast %get3A_290 : vector<16xi32> to vector<16xi32>
    tpu.vector_store %arg14[%swap3A_291], %swap3A_294 {strides = array<i32>} : memref<128xi32, #tpu.memory_space<vmem>>, vector<16xi32>,
    %mul3A_295 = arith.constant 1 : i32
    %mul3A_296 = arith.constant 128 : i32
    %mul3A_297 = arith.muli %mul3A_295, %mul3A_296 : i32
    %add3A_298 = arith.constant 64 : i32
    %add3A_299 = arith.addi %mul3A_297, %add3A_298 : i32
    %get3A_300 = arith.index_cast %add3A_299 : i32 to index
    %get3A_301 = tpu.vector_load %arg7[%get3A_300] {strides = array<i32>} : memref<6400xi32, #tpu.memory_space<vmem>>, vector<16xi32>,
    %get3A_302 = vector.shape_cast %get3A_301 : vector<16xi32> to vector<16xi32>
    %swap3A_303 = arith.constant 64 : index
    %swap3A_304 = tpu.vector_load %arg10[%swap3A_303] {strides = array<i32>} : memref<128xi32, #tpu.memory_space<vmem>>, vector<16xi32>,
    %swap3A_305 = vector.shape_cast %swap3A_304 : vector<16xi32> to vector<16xi32>
    %swap3A_306 = vector.shape_cast %get3A_302 : vector<16xi32> to vector<16xi32>
    tpu.vector_store %arg10[%swap3A_303], %swap3A_306 {strides = array<i32>} : memref<128xi32, #tpu.memory_space<vmem>>, vector<16xi32>,
    %mul3A_307 = arith.constant 1 : i32
    %mul3A_308 = arith.constant 128 : i32
    %mul3A_309 = arith.muli %mul3A_307, %mul3A_308 : i32
    %add3A_310 = arith.constant 64 : i32
    %add3A_311 = arith.addi %mul3A_309, %add3A_310 : i32
    %get3A_312 = arith.index_cast %add3A_311 : i32 to index
    %get3A_313 = tpu.vector_load %arg8[%get3A_312] {strides = array<i32>} : memref<6400xi32, #tpu.memory_space<vmem>>, vector<16xi32>,
    %get3A_314 = vector.shape_cast %get3A_313 : vector<16xi32> to vector<16xi32>
    %swap3A_315 = arith.constant 64 : index
    %swap3A_316 = tpu.vector_load %arg14[%swap3A_315] {strides = array<i32>} : memref<128xi32, #tpu.memory_space<vmem>>, vector<16xi32>,
    %swap3A_317 = vector.shape_cast %swap3A_316 : vector<16xi32> to vector<16xi32>
    %swap3A_318 = vector.shape_cast %get3A_314 : vector<16xi32> to vector<16xi32>
    tpu.vector_store %arg14[%swap3A_315], %swap3A_318 {strides = array<i32>} : memref<128xi32, #tpu.memory_space<vmem>>, vector<16xi32>,
    %mul3A_319 = arith.constant 1 : i32
    %mul3A_320 = arith.constant 128 : i32
    %mul3A_321 = arith.muli %mul3A_319, %mul3A_320 : i32
    %add3A_322 = arith.constant 80 : i32
    %add3A_323 = arith.addi %mul3A_321, %add3A_322 : i32
    %get3A_324 = arith.index_cast %add3A_323 : i32 to index
    %get3A_325 = tpu.vector_load %arg7[%get3A_324] {strides = array<i32>} : memref<6400xi32, #tpu.memory_space<vmem>>, vector<16xi32>,
    %get3A_326 = vector.shape_cast %get3A_325 : vector<16xi32> to vector<16xi32>
    %swap3A_327 = arith.constant 80 : index
    %swap3A_328 = tpu.vector_load %arg10[%swap3A_327] {strides = array<i32>} : memref<128xi32, #tpu.memory_space<vmem>>, vector<16xi32>,
    %swap3A_329 = vector.shape_cast %swap3A_328 : vector<16xi32> to vector<16xi32>
    %swap3A_330 = vector.shape_cast %get3A_326 : vector<16xi32> to vector<16xi32>
    tpu.vector_store %arg10[%swap3A_327], %swap3A_330 {strides = array<i32>} : memref<128xi32, #tpu.memory_space<vmem>>, vector<16xi32>,
    %mul3A_331 = arith.constant 1 : i32
    %mul3A_332 = arith.constant 128 : i32
    %mul3A_333 = arith.muli %mul3A_331, %mul3A_332 : i32
    %add3A_334 = arith.constant 80 : i32
    %add3A_335 = arith.addi %mul3A_333, %add3A_334 : i32
    %get3A_336 = arith.index_cast %add3A_335 : i32 to index
    %get3A_337 = tpu.vector_load %arg8[%get3A_336] {strides = array<i32>} : memref<6400xi32, #tpu.memory_space<vmem>>, vector<16xi32>,
    %get3A_338 = vector.shape_cast %get3A_337 : vector<16xi32> to vector<16xi32>
    %swap3A_339 = arith.constant 80 : index
    %swap3A_340 = tpu.vector_load %arg14[%swap3A_339] {strides = array<i32>} : memref<128xi32, #tpu.memory_space<vmem>>, vector<16xi32>,
    %swap3A_341 = vector.shape_cast %swap3A_340 : vector<16xi32> to vector<16xi32>
    %swap3A_342 = vector.shape_cast %get3A_338 : vector<16xi32> to vector<16xi32>
    tpu.vector_store %arg14[%swap3A_339], %swap3A_342 {strides = array<i32>} : memref<128xi32, #tpu.memory_space<vmem>>, vector<16xi32>,
    %mul3A_343 = arith.constant 1 : i32
    %mul3A_344 = arith.constant 128 : i32
    %mul3A_345 = arith.muli %mul3A_343, %mul3A_344 : i32
    %add3A_346 = arith.constant 96 : i32
    %add3A_347 = arith.addi %mul3A_345, %add3A_346 : i32
    %get3A_348 = arith.index_cast %add3A_347 : i32 to index
    %get3A_349 = tpu.vector_load %arg7[%get3A_348] {strides = array<i32>} : memref<6400xi32, #tpu.memory_space<vmem>>, vector<16xi32>,
    %get3A_350 = vector.shape_cast %get3A_349 : vector<16xi32> to vector<16xi32>
    %swap3A_351 = arith.constant 96 : index
    %swap3A_352 = tpu.vector_load %arg10[%swap3A_351] {strides = array<i32>} : memref<128xi32, #tpu.memory_space<vmem>>, vector<16xi32>,
    %swap3A_353 = vector.shape_cast %swap3A_352 : vector<16xi32> to vector<16xi32>
    %swap3A_354 = vector.shape_cast %get3A_350 : vector<16xi32> to vector<16xi32>
    tpu.vector_store %arg10[%swap3A_351], %swap3A_354 {strides = array<i32>} : memref<128xi32, #tpu.memory_space<vmem>>, vector<16xi32>,
    %mul3A_355 = arith.constant 1 : i32
    %mul3A_356 = arith.constant 128 : i32
    %mul3A_357 = arith.muli %mul3A_355, %mul3A_356 : i32
    %add3A_358 = arith.constant 96 : i32
    %add3A_359 = arith.addi %mul3A_357, %add3A_358 : i32
    %get3A_360 = arith.index_cast %add3A_359 : i32 to index
    %get3A_361 = tpu.vector_load %arg8[%get3A_360] {strides = array<i32>} : memref<6400xi32, #tpu.memory_space<vmem>>, vector<16xi32>,
    %get3A_362 = vector.shape_cast %get3A_361 : vector<16xi32> to vector<16xi32>
    %swap3A_363 = arith.constant 96 : index
    %swap3A_364 = tpu.vector_load %arg14[%swap3A_363] {strides = array<i32>} : memref<128xi32, #tpu.memory_space<vmem>>, vector<16xi32>,
    %swap3A_365 = vector.shape_cast %swap3A_364 : vector<16xi32> to vector<16xi32>
    %swap3A_366 = vector.shape_cast %get3A_362 : vector<16xi32> to vector<16xi32>
    tpu.vector_store %arg14[%swap3A_363], %swap3A_366 {strides = array<i32>} : memref<128xi32, #tpu.memory_space<vmem>>, vector<16xi32>,
    %mul3A_367 = arith.constant 1 : i32
    %mul3A_368 = arith.constant 128 : i32
    %mul3A_369 = arith.muli %mul3A_367, %mul3A_368 : i32
    %add3A_370 = arith.constant 112 : i32
    %add3A_371 = arith.addi %mul3A_369, %add3A_370 : i32
    %get3A_372 = arith.index_cast %add3A_371 : i32 to index
    %get3A_373 = tpu.vector_load %arg7[%get3A_372] {strides = array<i32>} : memref<6400xi32, #tpu.memory_space<vmem>>, vector<16xi32>,
    %get3A_374 = vector.shape_cast %get3A_373 : vector<16xi32> to vector<16xi32>
    %swap3A_375 = arith.constant 112 : index
    %swap3A_376 = tpu.vector_load %arg10[%swap3A_375] {strides = array<i32>} : memref<128xi32, #tpu.memory_space<vmem>>, vector<16xi32>,
    %swap3A_377 = vector.shape_cast %swap3A_376 : vector<16xi32> to vector<16xi32>
    %swap3A_378 = vector.shape_cast %get3A_374 : vector<16xi32> to vector<16xi32>
    tpu.vector_store %arg10[%swap3A_375], %swap3A_378 {strides = array<i32>} : memref<128xi32, #tpu.memory_space<vmem>>, vector<16xi32>,
    %mul3A_379 = arith.constant 1 : i32
    %mul3A_380 = arith.constant 128 : i32
    %mul3A_381 = arith.muli %mul3A_379, %mul3A_380 : i32
    %add3A_382 = arith.constant 112 : i32
    %add3A_383 = arith.addi %mul3A_381, %add3A_382 : i32
    %get3A_384 = arith.index_cast %add3A_383 : i32 to index
    %get3A_385 = tpu.vector_load %arg8[%get3A_384] {strides = array<i32>} : memref<6400xi32, #tpu.memory_space<vmem>>, vector<16xi32>,
    %get3A_386 = vector.shape_cast %get3A_385 : vector<16xi32> to vector<16xi32>
    %swap3A_387 = arith.constant 112 : index
    %swap3A_388 = tpu.vector_load %arg14[%swap3A_387] {strides = array<i32>} : memref<128xi32, #tpu.memory_space<vmem>>, vector<16xi32>,
    %swap3A_389 = vector.shape_cast %swap3A_388 : vector<16xi32> to vector<16xi32>
    %swap3A_390 = vector.shape_cast %get3A_386 : vector<16xi32> to vector<16xi32>
    tpu.vector_store %arg14[%swap3A_387], %swap3A_390 {strides = array<i32>} : memref<128xi32, #tpu.memory_space<vmem>>, vector<16xi32>,
    %dma_start3A_391 = arith.constant 0 : i32
    %dma_start3A_392 = arith.constant 0 : i32
    %dma_start3A_393 = tpu.memref_slice %arg4[%dma_start3A_391, %dma_start3A_392] : memref<1000x64xf32, #tpu.memory_space<hbm>> -> memref<1000x64xf32, #tpu.memory_space<hbm>>
    tpu.enqueue_indirect_dma source(%dma_start3A_393 : memref<1000x64xf32, #tpu.memory_space<hbm>>) target(%arg18 : memref<128x64xf32, #tpu.memory_space<vmem>>) offsets(%arg10 : memref<128xi32, #tpu.memory_space<vmem>>) semaphore(%arg22 : memref<!tpu.dma_semaphore, #tpu.memory_space<semaphore_mem>>)
    %dma_wait3A = arith.constant 0 : i32
    %dma_wait3A_394 = arith.constant 0 : i32
    %dma_wait3A_395 = tpu.memref_slice %arg4[%dma_wait3A, %dma_wait3A_394] : memref<1000x64xf32, #tpu.memory_space<hbm>> -> memref<1000x64xf32, #tpu.memory_space<hbm>>
    tpu.wait_indirect_dma semaphore(%arg21 : memref<!tpu.dma_semaphore, #tpu.memory_space<semaphore_mem>>) src(%dma_wait3A_395 : memref<1000x64xf32, #tpu.memory_space<hbm>>) dst(%arg17 : memref<128x64xf32, #tpu.memory_space<vmem>>)
    %dma_start3A_396 = arith.constant 0 : i32
    %dma_start3A_397 = arith.constant 0 : i32
    %dma_start3A_398 = tpu.memref_slice %arg5[%dma_start3A_396, %dma_start3A_397] : memref<1000x64xf32, #tpu.memory_space<hbm>> -> memref<1000x64xf32, #tpu.memory_space<hbm>>
    tpu.enqueue_indirect_dma source(%dma_start3A_398 : memref<1000x64xf32, #tpu.memory_space<hbm>>) target(%arg17 : memref<128x64xf32, #tpu.memory_space<vmem>>) offsets(%arg13 : memref<128xi32, #tpu.memory_space<vmem>>) semaphore(%arg25 : memref<!tpu.dma_semaphore, #tpu.memory_space<semaphore_mem>>) {add = true}
    %add3A_399 = arith.constant 0 : i32
    %add3A_400 = arith.constant 2 : i32
    %add3A_401 = arith.addi %add3A_399, %add3A_400 : i32
    %min3A = arith.constant 49 : i32
    %min3A_402 = arith.minsi %add3A_401, %min3A : i32
    %mul3A_403 = arith.constant 128 : i32
    %mul3A_404 = arith.muli %min3A_402, %mul3A_403 : i32
    %add3A_405 = arith.constant 0 : i32
    %add3A_406 = arith.addi %mul3A_404, %add3A_405 : i32
    %get3A_407 = arith.index_cast %add3A_406 : i32 to index
    %get3A_408 = tpu.vector_load %arg7[%get3A_407] {strides = array<i32>} : memref<6400xi32, #tpu.memory_space<vmem>>, vector<16xi32>,
    %get3A_409 = vector.shape_cast %get3A_408 : vector<16xi32> to vector<16xi32>
    %swap3A_410 = arith.constant 0 : index
    %swap3A_411 = tpu.vector_load %arg11[%swap3A_410] {strides = array<i32>} : memref<128xi32, #tpu.memory_space<vmem>>, vector<16xi32>,
    %swap3A_412 = vector.shape_cast %swap3A_411 : vector<16xi32> to vector<16xi32>
    %swap3A_413 = vector.shape_cast %get3A_409 : vector<16xi32> to vector<16xi32>
    tpu.vector_store %arg11[%swap3A_410], %swap3A_413 {strides = array<i32>} : memref<128xi32, #tpu.memory_space<vmem>>, vector<16xi32>,
    %mul3A_414 = arith.constant 128 : i32
    %mul3A_415 = arith.muli %min3A_402, %mul3A_414 : i32
    %add3A_416 = arith.constant 0 : i32
    %add3A_417 = arith.addi %mul3A_415, %add3A_416 : i32
    %get3A_418 = arith.index_cast %add3A_417 : i32 to index
    %get3A_419 = tpu.vector_load %arg8[%get3A_418] {strides = array<i32>} : memref<6400xi32, #tpu.memory_space<vmem>>, vector<16xi32>,
    %get3A_420 = vector.shape_cast %get3A_419 : vector<16xi32> to vector<16xi32>
    %swap3A_421 = arith.constant 0 : index
    %swap3A_422 = tpu.vector_load %arg15[%swap3A_421] {strides = array<i32>} : memref<128xi32, #tpu.memory_space<vmem>>, vector<16xi32>,
    %swap3A_423 = vector.shape_cast %swap3A_422 : vector<16xi32> to vector<16xi32>
    %swap3A_424 = vector.shape_cast %get3A_420 : vector<16xi32> to vector<16xi32>
    tpu.vector_store %arg15[%swap3A_421], %swap3A_424 {strides = array<i32>} : memref<128xi32, #tpu.memory_space<vmem>>, vector<16xi32>,
    %mul3A_425 = arith.constant 128 : i32
    %mul3A_426 = arith.muli %min3A_402, %mul3A_425 : i32
    %add3A_427 = arith.constant 16 : i32
    %add3A_428 = arith.addi %mul3A_426, %add3A_427 : i32
    %get3A_429 = arith.index_cast %add3A_428 : i32 to index
    %get3A_430 = tpu.vector_load %arg7[%get3A_429] {strides = array<i32>} : memref<6400xi32, #tpu.memory_space<vmem>>, vector<16xi32>,
    %get3A_431 = vector.shape_cast %get3A_430 : vector<16xi32> to vector<16xi32>
    %swap3A_432 = arith.constant 16 : index
    %swap3A_433 = tpu.vector_load %arg11[%swap3A_432] {strides = array<i32>} : memref<128xi32, #tpu.memory_space<vmem>>, vector<16xi32>,
    %swap3A_434 = vector.shape_cast %swap3A_433 : vector<16xi32> to vector<16xi32>
    %swap3A_435 = vector.shape_cast %get3A_431 : vector<16xi32> to vector<16xi32>
    tpu.vector_store %arg11[%swap3A_432], %swap3A_435 {strides = array<i32>} : memref<128xi32, #tpu.memory_space<vmem>>, vector<16xi32>,
    %mul3A_436 = arith.constant 128 : i32
    %mul3A_437 = arith.muli %min3A_402, %mul3A_436 : i32
    %add3A_438 = arith.constant 16 : i32
    %add3A_439 = arith.addi %mul3A_437, %add3A_438 : i32
    %get3A_440 = arith.index_cast %add3A_439 : i32 to index
    %get3A_441 = tpu.vector_load %arg8[%get3A_440] {strides = array<i32>} : memref<6400xi32, #tpu.memory_space<vmem>>, vector<16xi32>,
    %get3A_442 = vector.shape_cast %get3A_441 : vector<16xi32> to vector<16xi32>
    %swap3A_443 = arith.constant 16 : index
    %swap3A_444 = tpu.vector_load %arg15[%swap3A_443] {strides = array<i32>} : memref<128xi32, #tpu.memory_space<vmem>>, vector<16xi32>,
    %swap3A_445 = vector.shape_cast %swap3A_444 : vector<16xi32> to vector<16xi32>
    %swap3A_446 = vector.shape_cast %get3A_442 : vector<16xi32> to vector<16xi32>
    tpu.vector_store %arg15[%swap3A_443], %swap3A_446 {strides = array<i32>} : memref<128xi32, #tpu.memory_space<vmem>>, vector<16xi32>,
    %mul3A_447 = arith.constant 128 : i32
    %mul3A_448 = arith.muli %min3A_402, %mul3A_447 : i32
    %add3A_449 = arith.constant 32 : i32
    %add3A_450 = arith.addi %mul3A_448, %add3A_449 : i32
    %get3A_451 = arith.index_cast %add3A_450 : i32 to index
    %get3A_452 = tpu.vector_load %arg7[%get3A_451] {strides = array<i32>} : memref<6400xi32, #tpu.memory_space<vmem>>, vector<16xi32>,
    %get3A_453 = vector.shape_cast %get3A_452 : vector<16xi32> to vector<16xi32>
    %swap3A_454 = arith.constant 32 : index
    %swap3A_455 = tpu.vector_load %arg11[%swap3A_454] {strides = array<i32>} : memref<128xi32, #tpu.memory_space<vmem>>, vector<16xi32>,
    %swap3A_456 = vector.shape_cast %swap3A_455 : vector<16xi32> to vector<16xi32>
    %swap3A_457 = vector.shape_cast %get3A_453 : vector<16xi32> to vector<16xi32>
    tpu.vector_store %arg11[%swap3A_454], %swap3A_457 {strides = array<i32>} : memref<128xi32, #tpu.memory_space<vmem>>, vector<16xi32>,
    %mul3A_458 = arith.constant 128 : i32
    %mul3A_459 = arith.muli %min3A_402, %mul3A_458 : i32
    %add3A_460 = arith.constant 32 : i32
    %add3A_461 = arith.addi %mul3A_459, %add3A_460 : i32
    %get3A_462 = arith.index_cast %add3A_461 : i32 to index
    %get3A_463 = tpu.vector_load %arg8[%get3A_462] {strides = array<i32>} : memref<6400xi32, #tpu.memory_space<vmem>>, vector<16xi32>,
    %get3A_464 = vector.shape_cast %get3A_463 : vector<16xi32> to vector<16xi32>
    %swap3A_465 = arith.constant 32 : index
    %swap3A_466 = tpu.vector_load %arg15[%swap3A_465] {strides = array<i32>} : memref<128xi32, #tpu.memory_space<vmem>>, vector<16xi32>,
    %swap3A_467 = vector.shape_cast %swap3A_466 : vector<16xi32> to vector<16xi32>
    %swap3A_468 = vector.shape_cast %get3A_464 : vector<16xi32> to vector<16xi32>
    tpu.vector_store %arg15[%swap3A_465], %swap3A_468 {strides = array<i32>} : memref<128xi32, #tpu.memory_space<vmem>>, vector<16xi32>,
    %mul3A_469 = arith.constant 128 : i32
    %mul3A_470 = arith.muli %min3A_402, %mul3A_469 : i32
    %add3A_471 = arith.constant 48 : i32
    %add3A_472 = arith.addi %mul3A_470, %add3A_471 : i32
    %get3A_473 = arith.index_cast %add3A_472 : i32 to index
    %get3A_474 = tpu.vector_load %arg7[%get3A_473] {strides = array<i32>} : memref<6400xi32, #tpu.memory_space<vmem>>, vector<16xi32>,
    %get3A_475 = vector.shape_cast %get3A_474 : vector<16xi32> to vector<16xi32>
    %swap3A_476 = arith.constant 48 : index
    %swap3A_477 = tpu.vector_load %arg11[%swap3A_476] {strides = array<i32>} : memref<128xi32, #tpu.memory_space<vmem>>, vector<16xi32>,
    %swap3A_478 = vector.shape_cast %swap3A_477 : vector<16xi32> to vector<16xi32>
    %swap3A_479 = vector.shape_cast %get3A_475 : vector<16xi32> to vector<16xi32>
    tpu.vector_store %arg11[%swap3A_476], %swap3A_479 {strides = array<i32>} : memref<128xi32, #tpu.memory_space<vmem>>, vector<16xi32>,
    %mul3A_480 = arith.constant 128 : i32
    %mul3A_481 = arith.muli %min3A_402, %mul3A_480 : i32
    %add3A_482 = arith.constant 48 : i32
    %add3A_483 = arith.addi %mul3A_481, %add3A_482 : i32
    %get3A_484 = arith.index_cast %add3A_483 : i32 to index
    %get3A_485 = tpu.vector_load %arg8[%get3A_484] {strides = array<i32>} : memref<6400xi32, #tpu.memory_space<vmem>>, vector<16xi32>,
    %get3A_486 = vector.shape_cast %get3A_485 : vector<16xi32> to vector<16xi32>
    %swap3A_487 = arith.constant 48 : index
    %swap3A_488 = tpu.vector_load %arg15[%swap3A_487] {strides = array<i32>} : memref<128xi32, #tpu.memory_space<vmem>>, vector<16xi32>,
    %swap3A_489 = vector.shape_cast %swap3A_488 : vector<16xi32> to vector<16xi32>
    %swap3A_490 = vector.shape_cast %get3A_486 : vector<16xi32> to vector<16xi32>
    tpu.vector_store %arg15[%swap3A_487], %swap3A_490 {strides = array<i32>} : memref<128xi32, #tpu.memory_space<vmem>>, vector<16xi32>,
    %mul3A_491 = arith.constant 128 : i32
    %mul3A_492 = arith.muli %min3A_402, %mul3A_491 : i32
    %add3A_493 = arith.constant 64 : i32
    %add3A_494 = arith.addi %mul3A_492, %add3A_493 : i32
    %get3A_495 = arith.index_cast %add3A_494 : i32 to index
    %get3A_496 = tpu.vector_load %arg7[%get3A_495] {strides = array<i32>} : memref<6400xi32, #tpu.memory_space<vmem>>, vector<16xi32>,
    %get3A_497 = vector.shape_cast %get3A_496 : vector<16xi32> to vector<16xi32>
    %swap3A_498 = arith.constant 64 : index
    %swap3A_499 = tpu.vector_load %arg11[%swap3A_498] {strides = array<i32>} : memref<128xi32, #tpu.memory_space<vmem>>, vector<16xi32>,
    %swap3A_500 = vector.shape_cast %swap3A_499 : vector<16xi32> to vector<16xi32>
    %swap3A_501 = vector.shape_cast %get3A_497 : vector<16xi32> to vector<16xi32>
    tpu.vector_store %arg11[%swap3A_498], %swap3A_501 {strides = array<i32>} : memref<128xi32, #tpu.memory_space<vmem>>, vector<16xi32>,
    %mul3A_502 = arith.constant 128 : i32
    %mul3A_503 = arith.muli %min3A_402, %mul3A_502 : i32
    %add3A_504 = arith.constant 64 : i32
    %add3A_505 = arith.addi %mul3A_503, %add3A_504 : i32
    %get3A_506 = arith.index_cast %add3A_505 : i32 to index
    %get3A_507 = tpu.vector_load %arg8[%get3A_506] {strides = array<i32>} : memref<6400xi32, #tpu.memory_space<vmem>>, vector<16xi32>,
    %get3A_508 = vector.shape_cast %get3A_507 : vector<16xi32> to vector<16xi32>
    %swap3A_509 = arith.constant 64 : index
    %swap3A_510 = tpu.vector_load %arg15[%swap3A_509] {strides = array<i32>} : memref<128xi32, #tpu.memory_space<vmem>>, vector<16xi32>,
    %swap3A_511 = vector.shape_cast %swap3A_510 : vector<16xi32> to vector<16xi32>
    %swap3A_512 = vector.shape_cast %get3A_508 : vector<16xi32> to vector<16xi32>
    tpu.vector_store %arg15[%swap3A_509], %swap3A_512 {strides = array<i32>} : memref<128xi32, #tpu.memory_space<vmem>>, vector<16xi32>,
    %mul3A_513 = arith.constant 128 : i32
    %mul3A_514 = arith.muli %min3A_402, %mul3A_513 : i32
    %add3A_515 = arith.constant 80 : i32
    %add3A_516 = arith.addi %mul3A_514, %add3A_515 : i32
    %get3A_517 = arith.index_cast %add3A_516 : i32 to index
    %get3A_518 = tpu.vector_load %arg7[%get3A_517] {strides = array<i32>} : memref<6400xi32, #tpu.memory_space<vmem>>, vector<16xi32>,
    %get3A_519 = vector.shape_cast %get3A_518 : vector<16xi32> to vector<16xi32>
    %swap3A_520 = arith.constant 80 : index
    %swap3A_521 = tpu.vector_load %arg11[%swap3A_520] {strides = array<i32>} : memref<128xi32, #tpu.memory_space<vmem>>, vector<16xi32>,
    %swap3A_522 = vector.shape_cast %swap3A_521 : vector<16xi32> to vector<16xi32>
    %swap3A_523 = vector.shape_cast %get3A_519 : vector<16xi32> to vector<16xi32>
    tpu.vector_store %arg11[%swap3A_520], %swap3A_523 {strides = array<i32>} : memref<128xi32, #tpu.memory_space<vmem>>, vector<16xi32>,
    %mul3A_524 = arith.constant 128 : i32
    %mul3A_525 = arith.muli %min3A_402, %mul3A_524 : i32
    %add3A_526 = arith.constant 80 : i32
    %add3A_527 = arith.addi %mul3A_525, %add3A_526 : i32
    %get3A_528 = arith.index_cast %add3A_527 : i32 to index
    %get3A_529 = tpu.vector_load %arg8[%get3A_528] {strides = array<i32>} : memref<6400xi32, #tpu.memory_space<vmem>>, vector<16xi32>,
    %get3A_530 = vector.shape_cast %get3A_529 : vector<16xi32> to vector<16xi32>
    %swap3A_531 = arith.constant 80 : index
    %swap3A_532 = tpu.vector_load %arg15[%swap3A_531] {strides = array<i32>} : memref<128xi32, #tpu.memory_space<vmem>>, vector<16xi32>,
    %swap3A_533 = vector.shape_cast %swap3A_532 : vector<16xi32> to vector<16xi32>
    %swap3A_534 = vector.shape_cast %get3A_530 : vector<16xi32> to vector<16xi32>
    tpu.vector_store %arg15[%swap3A_531], %swap3A_534 {strides = array<i32>} : memref<128xi32, #tpu.memory_space<vmem>>, vector<16xi32>,
    %mul3A_535 = arith.constant 128 : i32
    %mul3A_536 = arith.muli %min3A_402, %mul3A_535 : i32
    %add3A_537 = arith.constant 96 : i32
    %add3A_538 = arith.addi %mul3A_536, %add3A_537 : i32
    %get3A_539 = arith.index_cast %add3A_538 : i32 to index
    %get3A_540 = tpu.vector_load %arg7[%get3A_539] {strides = array<i32>} : memref<6400xi32, #tpu.memory_space<vmem>>, vector<16xi32>,
    %get3A_541 = vector.shape_cast %get3A_540 : vector<16xi32> to vector<16xi32>
    %swap3A_542 = arith.constant 96 : index
    %swap3A_543 = tpu.vector_load %arg11[%swap3A_542] {strides = array<i32>} : memref<128xi32, #tpu.memory_space<vmem>>, vector<16xi32>,
    %swap3A_544 = vector.shape_cast %swap3A_543 : vector<16xi32> to vector<16xi32>
    %swap3A_545 = vector.shape_cast %get3A_541 : vector<16xi32> to vector<16xi32>
    tpu.vector_store %arg11[%swap3A_542], %swap3A_545 {strides = array<i32>} : memref<128xi32, #tpu.memory_space<vmem>>, vector<16xi32>,
    %mul3A_546 = arith.constant 128 : i32
    %mul3A_547 = arith.muli %min3A_402, %mul3A_546 : i32
    %add3A_548 = arith.constant 96 : i32
    %add3A_549 = arith.addi %mul3A_547, %add3A_548 : i32
    %get3A_550 = arith.index_cast %add3A_549 : i32 to index
    %get3A_551 = tpu.vector_load %arg8[%get3A_550] {strides = array<i32>} : memref<6400xi32, #tpu.memory_space<vmem>>, vector<16xi32>,
    %get3A_552 = vector.shape_cast %get3A_551 : vector<16xi32> to vector<16xi32>
    %swap3A_553 = arith.constant 96 : index
    %swap3A_554 = tpu.vector_load %arg15[%swap3A_553] {strides = array<i32>} : memref<128xi32, #tpu.memory_space<vmem>>, vector<16xi32>,
    %swap3A_555 = vector.shape_cast %swap3A_554 : vector<16xi32> to vector<16xi32>
    %swap3A_556 = vector.shape_cast %get3A_552 : vector<16xi32> to vector<16xi32>
    tpu.vector_store %arg15[%swap3A_553], %swap3A_556 {strides = array<i32>} : memref<128xi32, #tpu.memory_space<vmem>>, vector<16xi32>,
    %mul3A_557 = arith.constant 128 : i32
    %mul3A_558 = arith.muli %min3A_402, %mul3A_557 : i32
    %add3A_559 = arith.constant 112 : i32
    %add3A_560 = arith.addi %mul3A_558, %add3A_559 : i32
    %get3A_561 = arith.index_cast %add3A_560 : i32 to index
    %get3A_562 = tpu.vector_load %arg7[%get3A_561] {strides = array<i32>} : memref<6400xi32, #tpu.memory_space<vmem>>, vector<16xi32>,
    %get3A_563 = vector.shape_cast %get3A_562 : vector<16xi32> to vector<16xi32>
    %swap3A_564 = arith.constant 112 : index
    %swap3A_565 = tpu.vector_load %arg11[%swap3A_564] {strides = array<i32>} : memref<128xi32, #tpu.memory_space<vmem>>, vector<16xi32>,
    %swap3A_566 = vector.shape_cast %swap3A_565 : vector<16xi32> to vector<16xi32>
    %swap3A_567 = vector.shape_cast %get3A_563 : vector<16xi32> to vector<16xi32>
    tpu.vector_store %arg11[%swap3A_564], %swap3A_567 {strides = array<i32>} : memref<128xi32, #tpu.memory_space<vmem>>, vector<16xi32>,
    %mul3A_568 = arith.constant 128 : i32
    %mul3A_569 = arith.muli %min3A_402, %mul3A_568 : i32
    %add3A_570 = arith.constant 112 : i32
    %add3A_571 = arith.addi %mul3A_569, %add3A_570 : i32
    %get3A_572 = arith.index_cast %add3A_571 : i32 to index
    %get3A_573 = tpu.vector_load %arg8[%get3A_572] {strides = array<i32>} : memref<6400xi32, #tpu.memory_space<vmem>>, vector<16xi32>,
    %get3A_574 = vector.shape_cast %get3A_573 : vector<16xi32> to vector<16xi32>
    %swap3A_575 = arith.constant 112 : index
    %swap3A_576 = tpu.vector_load %arg15[%swap3A_575] {strides = array<i32>} : memref<128xi32, #tpu.memory_space<vmem>>, vector<16xi32>,
    %swap3A_577 = vector.shape_cast %swap3A_576 : vector<16xi32> to vector<16xi32>
    %swap3A_578 = vector.shape_cast %get3A_574 : vector<16xi32> to vector<16xi32>
    tpu.vector_store %arg15[%swap3A_575], %swap3A_578 {strides = array<i32>} : memref<128xi32, #tpu.memory_space<vmem>>, vector<16xi32>,
    %dma_start3A_579 = arith.constant 0 : i32
    %dma_start3A_580 = arith.constant 0 : i32
    %dma_start3A_581 = tpu.memref_slice %arg4[%dma_start3A_579, %dma_start3A_580] : memref<1000x64xf32, #tpu.memory_space<hbm>> -> memref<1000x64xf32, #tpu.memory_space<hbm>>
    tpu.enqueue_indirect_dma source(%dma_start3A_581 : memref<1000x64xf32, #tpu.memory_space<hbm>>) target(%arg19 : memref<128x64xf32, #tpu.memory_space<vmem>>) offsets(%arg11 : memref<128xi32, #tpu.memory_space<vmem>>) semaphore(%arg23 : memref<!tpu.dma_semaphore, #tpu.memory_space<semaphore_mem>>)
    %dma_wait3A_582 = arith.constant 0 : i32
    %dma_wait3A_583 = arith.constant 0 : i32
    %dma_wait3A_584 = tpu.memref_slice %arg4[%dma_wait3A_582, %dma_wait3A_583] : memref<1000x64xf32, #tpu.memory_space<hbm>> -> memref<1000x64xf32, #tpu.memory_space<hbm>>
    tpu.wait_indirect_dma semaphore(%arg22 : memref<!tpu.dma_semaphore, #tpu.memory_space<semaphore_mem>>) src(%dma_wait3A_584 : memref<1000x64xf32, #tpu.memory_space<hbm>>) dst(%arg18 : memref<128x64xf32, #tpu.memory_space<vmem>>)
    %dma_start3A_585 = arith.constant 0 : i32
    %dma_start3A_586 = arith.constant 0 : i32
    %dma_start3A_587 = tpu.memref_slice %arg5[%dma_start3A_585, %dma_start3A_586] : memref<1000x64xf32, #tpu.memory_space<hbm>> -> memref<1000x64xf32, #tpu.memory_space<hbm>>
    tpu.enqueue_indirect_dma source(%dma_start3A_587 : memref<1000x64xf32, #tpu.memory_space<hbm>>) target(%arg18 : memref<128x64xf32, #tpu.memory_space<vmem>>) offsets(%arg14 : memref<128xi32, #tpu.memory_space<vmem>>) semaphore(%arg26 : memref<!tpu.dma_semaphore, #tpu.memory_space<semaphore_mem>>) {add = true}
    %dma_wait3A_588 = arith.constant 0 : i32
    %dma_wait3A_589 = arith.constant 0 : i32
    %dma_wait3A_590 = tpu.memref_slice %arg5[%dma_wait3A_588, %dma_wait3A_589] : memref<1000x64xf32, #tpu.memory_space<hbm>> -> memref<1000x64xf32, #tpu.memory_space<hbm>>
    tpu.wait_indirect_dma semaphore(%arg25 : memref<!tpu.dma_semaphore, #tpu.memory_space<semaphore_mem>>) src(%dma_wait3A_590 : memref<1000x64xf32, #tpu.memory_space<hbm>>) dst(%arg17 : memref<128x64xf32, #tpu.memory_space<vmem>>)
    %add3A_591 = arith.constant 0 : i32
    %add3A_592 = arith.addi %mul3A_2, %add3A_591 : i32
    %jit3A = arith.constant 64 : i32
    %div3A = arith.divsi %add3A_592, %jit3A : i32
    %sign3A = arith.constant 0 : i32
    %sign3A_593 = arith.cmpi sgt, %add3A_592, %sign3A : i32
    %sign3A_594 = arith.extui %sign3A_593 : i1 to i32
    %sign3A_595 = arith.constant 0 : i32
    %sign3A_596 = arith.cmpi slt, %add3A_592, %sign3A_595 : i32
    %sign3A_597 = arith.extui %sign3A_596 : i1 to i32
    %sign3A_598 = arith.subi %sign3A_594, %sign3A_597 : i32
    %sign3A_599 = arith.constant 0 : i32
    %sign3A_600 = arith.cmpi sgt, %jit3A, %sign3A_599 : i32
    %sign3A_601 = arith.extui %sign3A_600 : i1 to i32
    %sign3A_602 = arith.constant 0 : i32
    %sign3A_603 = arith.cmpi slt, %jit3A, %sign3A_602 : i32
    %sign3A_604 = arith.extui %sign3A_603 : i1 to i32
    %sign3A_605 = arith.subi %sign3A_601, %sign3A_604 : i32
    %ne3A = arith.cmpi ne, %sign3A_598, %sign3A_605 : i32
    %rem3A = arith.remsi %add3A_592, %jit3A : i32
    %ne3A_606 = arith.constant 0 : i32
    %ne3A_607 = arith.cmpi ne, %rem3A, %ne3A_606 : i32
    %and3A = arith.andi %ne3A, %ne3A_607 : i1
    %sub3A = arith.constant 1 : i32
    %sub3A_608 = arith.subi %div3A, %sub3A : i32
    %select_n3A = arith.select %and3A, %sub3A_608, %div3A : i32
    %mul3A_609 = arith.constant 64 : i32
    %mul3A_610 = arith.muli %select_n3A, %mul3A_609 : i32
    %sub3A_611 = arith.subi %add3A_592, %mul3A_610 : i32
    %jit3A_612 = arith.constant 8 : i32
    %div3A_613 = arith.divsi %sub3A_611, %jit3A_612 : i32
    %sign3A_614 = arith.constant 0 : i32
    %sign3A_615 = arith.cmpi sgt, %sub3A_611, %sign3A_614 : i32
    %sign3A_616 = arith.extui %sign3A_615 : i1 to i32
    %sign3A_617 = arith.constant 0 : i32
    %sign3A_618 = arith.cmpi slt, %sub3A_611, %sign3A_617 : i32
    %sign3A_619 = arith.extui %sign3A_618 : i1 to i32
    %sign3A_620 = arith.subi %sign3A_616, %sign3A_619 : i32
    %sign3A_621 = arith.constant 0 : i32
    %sign3A_622 = arith.cmpi sgt, %jit3A_612, %sign3A_621 : i32
    %sign3A_623 = arith.extui %sign3A_622 : i1 to i32
    %sign3A_624 = arith.constant 0 : i32
    %sign3A_625 = arith.cmpi slt, %jit3A_612, %sign3A_624 : i32
    %sign3A_626 = arith.extui %sign3A_625 : i1 to i32
    %sign3A_627 = arith.subi %sign3A_623, %sign3A_626 : i32
    %ne3A_628 = arith.cmpi ne, %sign3A_620, %sign3A_627 : i32
    %rem3A_629 = arith.remsi %sub3A_611, %jit3A_612 : i32
    %ne3A_630 = arith.constant 0 : i32
    %ne3A_631 = arith.cmpi ne, %rem3A_629, %ne3A_630 : i32
    %and3A_632 = arith.andi %ne3A_628, %ne3A_631 : i1
    %sub3A_633 = arith.constant 1 : i32
    %sub3A_634 = arith.subi %div3A_613, %sub3A_633 : i32
    %select_n3A_635 = arith.select %and3A_632, %sub3A_634, %div3A_613 : i32
    %mul3A_636 = arith.constant 8 : i32
    %mul3A_637 = arith.muli %select_n3A_635, %mul3A_636 : i32
    %sub3A_638 = arith.subi %sub3A_611, %mul3A_637 : i32
    %mul3A_639 = arith.constant 8 : i32
    %mul3A_640 = arith.muli %select_n3A, %mul3A_639 : i32
    %add3A_641 = arith.addi %mul3A_640, %sub3A_638 : i32
    %mul3A_642 = arith.constant 8 : i32
    %mul3A_643 = arith.muli %add3A_641, %mul3A_642 : i32
    %add3A_644 = arith.addi %mul3A_643, %select_n3A_635 : i32
    %dma_start3A_645 = arith.constant 0 : i32
    %dma_start3A_646 = arith.constant 0 : i32
    %dma_start3A_647 = tpu.memref_slice %arg6[%add3A_644, %dma_start3A_645, %dma_start3A_646] : memref<1600x128x64xf32, #tpu.memory_space<hbm>> -> memref<1x128x64xf32, #tpu.memory_space<hbm>>
    %dma_start3A_648 = tpu.memref_squeeze %dma_start3A_647 : memref<1x128x64xf32, #tpu.memory_space<hbm>> -> memref<128x64xf32, #tpu.memory_space<hbm>>
    %dma_start3A_649 = arith.constant 0 : i32
    %dma_start3A_650 = arith.constant 0 : i32
    %dma_start3A_651 = tpu.memref_slice %arg6[%add3A_644, %dma_start3A_649, %dma_start3A_650] : memref<1600x128x64xf32, #tpu.memory_space<hbm>> -> memref<1x128x64xf32, #tpu.memory_space<hbm>>
    %dma_start3A_652 = tpu.memref_squeeze %dma_start3A_651 : memref<1x128x64xf32, #tpu.memory_space<hbm>> -> memref<128x64xf32, #tpu.memory_space<hbm>>
    tpu.enqueue_dma source(%arg17 : memref<128x64xf32, #tpu.memory_space<vmem>>) target(%dma_start3A_652 : memref<128x64xf32, #tpu.memory_space<hbm>>) target_semaphore(%arg29 : memref<!tpu.dma_semaphore, #tpu.memory_space<semaphore_mem>>)
    %add3A_653 = arith.constant 1 : i32
    %add3A_654 = arith.constant 2 : i32
    %add3A_655 = arith.addi %add3A_653, %add3A_654 : i32
    %min3A_656 = arith.constant 49 : i32
    %min3A_657 = arith.minsi %add3A_655, %min3A_656 : i32
    %mul3A_658 = arith.constant 128 : i32
    %mul3A_659 = arith.muli %min3A_657, %mul3A_658 : i32
    %add3A_660 = arith.constant 0 : i32
    %add3A_661 = arith.addi %mul3A_659, %add3A_660 : i32
    %get3A_662 = arith.index_cast %add3A_661 : i32 to index
    %get3A_663 = tpu.vector_load %arg7[%get3A_662] {strides = array<i32>} : memref<6400xi32, #tpu.memory_space<vmem>>, vector<16xi32>,
    %get3A_664 = vector.shape_cast %get3A_663 : vector<16xi32> to vector<16xi32>
    %swap3A_665 = arith.constant 0 : index
    %swap3A_666 = tpu.vector_load %arg12[%swap3A_665] {strides = array<i32>} : memref<128xi32, #tpu.memory_space<vmem>>, vector<16xi32>,
    %swap3A_667 = vector.shape_cast %swap3A_666 : vector<16xi32> to vector<16xi32>
    %swap3A_668 = vector.shape_cast %get3A_664 : vector<16xi32> to vector<16xi32>
    tpu.vector_store %arg12[%swap3A_665], %swap3A_668 {strides = array<i32>} : memref<128xi32, #tpu.memory_space<vmem>>, vector<16xi32>,
    %mul3A_669 = arith.constant 128 : i32
    %mul3A_670 = arith.muli %min3A_657, %mul3A_669 : i32
    %add3A_671 = arith.constant 0 : i32
    %add3A_672 = arith.addi %mul3A_670, %add3A_671 : i32
    %get3A_673 = arith.index_cast %add3A_672 : i32 to index
    %get3A_674 = tpu.vector_load %arg8[%get3A_673] {strides = array<i32>} : memref<6400xi32, #tpu.memory_space<vmem>>, vector<16xi32>,
    %get3A_675 = vector.shape_cast %get3A_674 : vector<16xi32> to vector<16xi32>
    %swap3A_676 = arith.constant 0 : index
    %swap3A_677 = tpu.vector_load %arg16[%swap3A_676] {strides = array<i32>} : memref<128xi32, #tpu.memory_space<vmem>>, vector<16xi32>,
    %swap3A_678 = vector.shape_cast %swap3A_677 : vector<16xi32> to vector<16xi32>
    %swap3A_679 = vector.shape_cast %get3A_675 : vector<16xi32> to vector<16xi32>
    tpu.vector_store %arg16[%swap3A_676], %swap3A_679 {strides = array<i32>} : memref<128xi32, #tpu.memory_space<vmem>>, vector<16xi32>,
    %mul3A_680 = arith.constant 128 : i32
    %mul3A_681 = arith.muli %min3A_657, %mul3A_680 : i32
    %add3A_682 = arith.constant 16 : i32
    %add3A_683 = arith.addi %mul3A_681, %add3A_682 : i32
    %get3A_684 = arith.index_cast %add3A_683 : i32 to index
    %get3A_685 = tpu.vector_load %arg7[%get3A_684] {strides = array<i32>} : memref<6400xi32, #tpu.memory_space<vmem>>, vector<16xi32>,
    %get3A_686 = vector.shape_cast %get3A_685 : vector<16xi32> to vector<16xi32>
    %swap3A_687 = arith.constant 16 : index
    %swap3A_688 = tpu.vector_load %arg12[%swap3A_687] {strides = array<i32>} : memref<128xi32, #tpu.memory_space<vmem>>, vector<16xi32>,
    %swap3A_689 = vector.shape_cast %swap3A_688 : vector<16xi32> to vector<16xi32>
    %swap3A_690 = vector.shape_cast %get3A_686 : vector<16xi32> to vector<16xi32>
    tpu.vector_store %arg12[%swap3A_687], %swap3A_690 {strides = array<i32>} : memref<128xi32, #tpu.memory_space<vmem>>, vector<16xi32>,
    %mul3A_691 = arith.constant 128 : i32
    %mul3A_692 = arith.muli %min3A_657, %mul3A_691 : i32
    %add3A_693 = arith.constant 16 : i32
    %add3A_694 = arith.addi %mul3A_692, %add3A_693 : i32
    %get3A_695 = arith.index_cast %add3A_694 : i32 to index
    %get3A_696 = tpu.vector_load %arg8[%get3A_695] {strides = array<i32>} : memref<6400xi32, #tpu.memory_space<vmem>>, vector<16xi32>,
    %get3A_697 = vector.shape_cast %get3A_696 : vector<16xi32> to vector<16xi32>
    %swap3A_698 = arith.constant 16 : index
    %swap3A_699 = tpu.vector_load %arg16[%swap3A_698] {strides = array<i32>} : memref<128xi32, #tpu.memory_space<vmem>>, vector<16xi32>,
    %swap3A_700 = vector.shape_cast %swap3A_699 : vector<16xi32> to vector<16xi32>
    %swap3A_701 = vector.shape_cast %get3A_697 : vector<16xi32> to vector<16xi32>
    tpu.vector_store %arg16[%swap3A_698], %swap3A_701 {strides = array<i32>} : memref<128xi32, #tpu.memory_space<vmem>>, vector<16xi32>,
    %mul3A_702 = arith.constant 128 : i32
    %mul3A_703 = arith.muli %min3A_657, %mul3A_702 : i32
    %add3A_704 = arith.constant 32 : i32
    %add3A_705 = arith.addi %mul3A_703, %add3A_704 : i32
    %get3A_706 = arith.index_cast %add3A_705 : i32 to index
    %get3A_707 = tpu.vector_load %arg7[%get3A_706] {strides = array<i32>} : memref<6400xi32, #tpu.memory_space<vmem>>, vector<16xi32>,
    %get3A_708 = vector.shape_cast %get3A_707 : vector<16xi32> to vector<16xi32>
    %swap3A_709 = arith.constant 32 : index
    %swap3A_710 = tpu.vector_load %arg12[%swap3A_709] {strides = array<i32>} : memref<128xi32, #tpu.memory_space<vmem>>, vector<16xi32>,
    %swap3A_711 = vector.shape_cast %swap3A_710 : vector<16xi32> to vector<16xi32>
    %swap3A_712 = vector.shape_cast %get3A_708 : vector<16xi32> to vector<16xi32>
    tpu.vector_store %arg12[%swap3A_709], %swap3A_712 {strides = array<i32>} : memref<128xi32, #tpu.memory_space<vmem>>, vector<16xi32>,
    %mul3A_713 = arith.constant 128 : i32
    %mul3A_714 = arith.muli %min3A_657, %mul3A_713 : i32
    %add3A_715 = arith.constant 32 : i32
    %add3A_716 = arith.addi %mul3A_714, %add3A_715 : i32
    %get3A_717 = arith.index_cast %add3A_716 : i32 to index
    %get3A_718 = tpu.vector_load %arg8[%get3A_717] {strides = array<i32>} : memref<6400xi32, #tpu.memory_space<vmem>>, vector<16xi32>,
    %get3A_719 = vector.shape_cast %get3A_718 : vector<16xi32> to vector<16xi32>
    %swap3A_720 = arith.constant 32 : index
    %swap3A_721 = tpu.vector_load %arg16[%swap3A_720] {strides = array<i32>} : memref<128xi32, #tpu.memory_space<vmem>>, vector<16xi32>,
    %swap3A_722 = vector.shape_cast %swap3A_721 : vector<16xi32> to vector<16xi32>
    %swap3A_723 = vector.shape_cast %get3A_719 : vector<16xi32> to vector<16xi32>
    tpu.vector_store %arg16[%swap3A_720], %swap3A_723 {strides = array<i32>} : memref<128xi32, #tpu.memory_space<vmem>>, vector<16xi32>,
    %mul3A_724 = arith.constant 128 : i32
    %mul3A_725 = arith.muli %min3A_657, %mul3A_724 : i32
    %add3A_726 = arith.constant 48 : i32
    %add3A_727 = arith.addi %mul3A_725, %add3A_726 : i32
    %get3A_728 = arith.index_cast %add3A_727 : i32 to index
    %get3A_729 = tpu.vector_load %arg7[%get3A_728] {strides = array<i32>} : memref<6400xi32, #tpu.memory_space<vmem>>, vector<16xi32>,
    %get3A_730 = vector.shape_cast %get3A_729 : vector<16xi32> to vector<16xi32>
    %swap3A_731 = arith.constant 48 : index
    %swap3A_732 = tpu.vector_load %arg12[%swap3A_731] {strides = array<i32>} : memref<128xi32, #tpu.memory_space<vmem>>, vector<16xi32>,
    %swap3A_733 = vector.shape_cast %swap3A_732 : vector<16xi32> to vector<16xi32>
    %swap3A_734 = vector.shape_cast %get3A_730 : vector<16xi32> to vector<16xi32>
    tpu.vector_store %arg12[%swap3A_731], %swap3A_734 {strides = array<i32>} : memref<128xi32, #tpu.memory_space<vmem>>, vector<16xi32>,
    %mul3A_735 = arith.constant 128 : i32
    %mul3A_736 = arith.muli %min3A_657, %mul3A_735 : i32
    %add3A_737 = arith.constant 48 : i32
    %add3A_738 = arith.addi %mul3A_736, %add3A_737 : i32
    %get3A_739 = arith.index_cast %add3A_738 : i32 to index
    %get3A_740 = tpu.vector_load %arg8[%get3A_739] {strides = array<i32>} : memref<6400xi32, #tpu.memory_space<vmem>>, vector<16xi32>,
    %get3A_741 = vector.shape_cast %get3A_740 : vector<16xi32> to vector<16xi32>
    %swap3A_742 = arith.constant 48 : index
    %swap3A_743 = tpu.vector_load %arg16[%swap3A_742] {strides = array<i32>} : memref<128xi32, #tpu.memory_space<vmem>>, vector<16xi32>,
    %swap3A_744 = vector.shape_cast %swap3A_743 : vector<16xi32> to vector<16xi32>
    %swap3A_745 = vector.shape_cast %get3A_741 : vector<16xi32> to vector<16xi32>
    tpu.vector_store %arg16[%swap3A_742], %swap3A_745 {strides = array<i32>} : memref<128xi32, #tpu.memory_space<vmem>>, vector<16xi32>,
    %mul3A_746 = arith.constant 128 : i32
    %mul3A_747 = arith.muli %min3A_657, %mul3A_746 : i32
    %add3A_748 = arith.constant 64 : i32
    %add3A_749 = arith.addi %mul3A_747, %add3A_748 : i32
    %get3A_750 = arith.index_cast %add3A_749 : i32 to index
    %get3A_751 = tpu.vector_load %arg7[%get3A_750] {strides = array<i32>} : memref<6400xi32, #tpu.memory_space<vmem>>, vector<16xi32>,
    %get3A_752 = vector.shape_cast %get3A_751 : vector<16xi32> to vector<16xi32>
    %swap3A_753 = arith.constant 64 : index
    %swap3A_754 = tpu.vector_load %arg12[%swap3A_753] {strides = array<i32>} : memref<128xi32, #tpu.memory_space<vmem>>, vector<16xi32>,
    %swap3A_755 = vector.shape_cast %swap3A_754 : vector<16xi32> to vector<16xi32>
    %swap3A_756 = vector.shape_cast %get3A_752 : vector<16xi32> to vector<16xi32>
    tpu.vector_store %arg12[%swap3A_753], %swap3A_756 {strides = array<i32>} : memref<128xi32, #tpu.memory_space<vmem>>, vector<16xi32>,
    %mul3A_757 = arith.constant 128 : i32
    %mul3A_758 = arith.muli %min3A_657, %mul3A_757 : i32
    %add3A_759 = arith.constant 64 : i32
    %add3A_760 = arith.addi %mul3A_758, %add3A_759 : i32
    %get3A_761 = arith.index_cast %add3A_760 : i32 to index
    %get3A_762 = tpu.vector_load %arg8[%get3A_761] {strides = array<i32>} : memref<6400xi32, #tpu.memory_space<vmem>>, vector<16xi32>,
    %get3A_763 = vector.shape_cast %get3A_762 : vector<16xi32> to vector<16xi32>
    %swap3A_764 = arith.constant 64 : index
    %swap3A_765 = tpu.vector_load %arg16[%swap3A_764] {strides = array<i32>} : memref<128xi32, #tpu.memory_space<vmem>>, vector<16xi32>,
    %swap3A_766 = vector.shape_cast %swap3A_765 : vector<16xi32> to vector<16xi32>
    %swap3A_767 = vector.shape_cast %get3A_763 : vector<16xi32> to vector<16xi32>
    tpu.vector_store %arg16[%swap3A_764], %swap3A_767 {strides = array<i32>} : memref<128xi32, #tpu.memory_space<vmem>>, vector<16xi32>,
    %mul3A_768 = arith.constant 128 : i32
    %mul3A_769 = arith.muli %min3A_657, %mul3A_768 : i32
    %add3A_770 = arith.constant 80 : i32
    %add3A_771 = arith.addi %mul3A_769, %add3A_770 : i32
    %get3A_772 = arith.index_cast %add3A_771 : i32 to index
    %get3A_773 = tpu.vector_load %arg7[%get3A_772] {strides = array<i32>} : memref<6400xi32, #tpu.memory_space<vmem>>, vector<16xi32>,
    %get3A_774 = vector.shape_cast %get3A_773 : vector<16xi32> to vector<16xi32>
    %swap3A_775 = arith.constant 80 : index
    %swap3A_776 = tpu.vector_load %arg12[%swap3A_775] {strides = array<i32>} : memref<128xi32, #tpu.memory_space<vmem>>, vector<16xi32>,
    %swap3A_777 = vector.shape_cast %swap3A_776 : vector<16xi32> to vector<16xi32>
    %swap3A_778 = vector.shape_cast %get3A_774 : vector<16xi32> to vector<16xi32>
    tpu.vector_store %arg12[%swap3A_775], %swap3A_778 {strides = array<i32>} : memref<128xi32, #tpu.memory_space<vmem>>, vector<16xi32>,
    %mul3A_779 = arith.constant 128 : i32
    %mul3A_780 = arith.muli %min3A_657, %mul3A_779 : i32
    %add3A_781 = arith.constant 80 : i32
    %add3A_782 = arith.addi %mul3A_780, %add3A_781 : i32
    %get3A_783 = arith.index_cast %add3A_782 : i32 to index
    %get3A_784 = tpu.vector_load %arg8[%get3A_783] {strides = array<i32>} : memref<6400xi32, #tpu.memory_space<vmem>>, vector<16xi32>,
    %get3A_785 = vector.shape_cast %get3A_784 : vector<16xi32> to vector<16xi32>
    %swap3A_786 = arith.constant 80 : index
    %swap3A_787 = tpu.vector_load %arg16[%swap3A_786] {strides = array<i32>} : memref<128xi32, #tpu.memory_space<vmem>>, vector<16xi32>,
    %swap3A_788 = vector.shape_cast %swap3A_787 : vector<16xi32> to vector<16xi32>
    %swap3A_789 = vector.shape_cast %get3A_785 : vector<16xi32> to vector<16xi32>
    tpu.vector_store %arg16[%swap3A_786], %swap3A_789 {strides = array<i32>} : memref<128xi32, #tpu.memory_space<vmem>>, vector<16xi32>,
    %mul3A_790 = arith.constant 128 : i32
    %mul3A_791 = arith.muli %min3A_657, %mul3A_790 : i32
    %add3A_792 = arith.constant 96 : i32
    %add3A_793 = arith.addi %mul3A_791, %add3A_792 : i32
    %get3A_794 = arith.index_cast %add3A_793 : i32 to index
    %get3A_795 = tpu.vector_load %arg7[%get3A_794] {strides = array<i32>} : memref<6400xi32, #tpu.memory_space<vmem>>, vector<16xi32>,
    %get3A_796 = vector.shape_cast %get3A_795 : vector<16xi32> to vector<16xi32>
    %swap3A_797 = arith.constant 96 : index
    %swap3A_798 = tpu.vector_load %arg12[%swap3A_797] {strides = array<i32>} : memref<128xi32, #tpu.memory_space<vmem>>, vector<16xi32>,
    %swap3A_799 = vector.shape_cast %swap3A_798 : vector<16xi32> to vector<16xi32>
    %swap3A_800 = vector.shape_cast %get3A_796 : vector<16xi32> to vector<16xi32>
    tpu.vector_store %arg12[%swap3A_797], %swap3A_800 {strides = array<i32>} : memref<128xi32, #tpu.memory_space<vmem>>, vector<16xi32>,
    %mul3A_801 = arith.constant 128 : i32
    %mul3A_802 = arith.muli %min3A_657, %mul3A_801 : i32
    %add3A_803 = arith.constant 96 : i32
    %add3A_804 = arith.addi %mul3A_802, %add3A_803 : i32
    %get3A_805 = arith.index_cast %add3A_804 : i32 to index
    %get3A_806 = tpu.vector_load %arg8[%get3A_805] {strides = array<i32>} : memref<6400xi32, #tpu.memory_space<vmem>>, vector<16xi32>,
    %get3A_807 = vector.shape_cast %get3A_806 : vector<16xi32> to vector<16xi32>
    %swap3A_808 = arith.constant 96 : index
    %swap3A_809 = tpu.vector_load %arg16[%swap3A_808] {strides = array<i32>} : memref<128xi32, #tpu.memory_space<vmem>>, vector<16xi32>,
    %swap3A_810 = vector.shape_cast %swap3A_809 : vector<16xi32> to vector<16xi32>
    %swap3A_811 = vector.shape_cast %get3A_807 : vector<16xi32> to vector<16xi32>
    tpu.vector_store %arg16[%swap3A_808], %swap3A_811 {strides = array<i32>} : memref<128xi32, #tpu.memory_space<vmem>>, vector<16xi32>,
    %mul3A_812 = arith.constant 128 : i32
    %mul3A_813 = arith.muli %min3A_657, %mul3A_812 : i32
    %add3A_814 = arith.constant 112 : i32
    %add3A_815 = arith.addi %mul3A_813, %add3A_814 : i32
    %get3A_816 = arith.index_cast %add3A_815 : i32 to index
    %get3A_817 = tpu.vector_load %arg7[%get3A_816] {strides = array<i32>} : memref<6400xi32, #tpu.memory_space<vmem>>, vector<16xi32>,
    %get3A_818 = vector.shape_cast %get3A_817 : vector<16xi32> to vector<16xi32>
    %swap3A_819 = arith.constant 112 : index
    %swap3A_820 = tpu.vector_load %arg12[%swap3A_819] {strides = array<i32>} : memref<128xi32, #tpu.memory_space<vmem>>, vector<16xi32>,
    %swap3A_821 = vector.shape_cast %swap3A_820 : vector<16xi32> to vector<16xi32>
    %swap3A_822 = vector.shape_cast %get3A_818 : vector<16xi32> to vector<16xi32>
    tpu.vector_store %arg12[%swap3A_819], %swap3A_822 {strides = array<i32>} : memref<128xi32, #tpu.memory_space<vmem>>, vector<16xi32>,
    %mul3A_823 = arith.constant 128 : i32
    %mul3A_824 = arith.muli %min3A_657, %mul3A_823 : i32
    %add3A_825 = arith.constant 112 : i32
    %add3A_826 = arith.addi %mul3A_824, %add3A_825 : i32
    %get3A_827 = arith.index_cast %add3A_826 : i32 to index
    %get3A_828 = tpu.vector_load %arg8[%get3A_827] {strides = array<i32>} : memref<6400xi32, #tpu.memory_space<vmem>>, vector<16xi32>,
    %get3A_829 = vector.shape_cast %get3A_828 : vector<16xi32> to vector<16xi32>
    %swap3A_830 = arith.constant 112 : index
    %swap3A_831 = tpu.vector_load %arg16[%swap3A_830] {strides = array<i32>} : memref<128xi32, #tpu.memory_space<vmem>>, vector<16xi32>,
    %swap3A_832 = vector.shape_cast %swap3A_831 : vector<16xi32> to vector<16xi32>
    %swap3A_833 = vector.shape_cast %get3A_829 : vector<16xi32> to vector<16xi32>
    tpu.vector_store %arg16[%swap3A_830], %swap3A_833 {strides = array<i32>} : memref<128xi32, #tpu.memory_space<vmem>>, vector<16xi32>,
    %dma_start3A_834 = arith.constant 0 : i32
    %dma_start3A_835 = arith.constant 0 : i32
    %dma_start3A_836 = tpu.memref_slice %arg4[%dma_start3A_834, %dma_start3A_835] : memref<1000x64xf32, #tpu.memory_space<hbm>> -> memref<1000x64xf32, #tpu.memory_space<hbm>>
    tpu.enqueue_indirect_dma source(%dma_start3A_836 : memref<1000x64xf32, #tpu.memory_space<hbm>>) target(%arg20 : memref<128x64xf32, #tpu.memory_space<vmem>>) offsets(%arg12 : memref<128xi32, #tpu.memory_space<vmem>>) semaphore(%arg24 : memref<!tpu.dma_semaphore, #tpu.memory_space<semaphore_mem>>)
    %dma_wait3A_837 = arith.constant 0 : i32
    %dma_wait3A_838 = arith.constant 0 : i32
    %dma_wait3A_839 = tpu.memref_slice %arg4[%dma_wait3A_837, %dma_wait3A_838] : memref<1000x64xf32, #tpu.memory_space<hbm>> -> memref<1000x64xf32, #tpu.memory_space<hbm>>
    tpu.wait_indirect_dma semaphore(%arg23 : memref<!tpu.dma_semaphore, #tpu.memory_space<semaphore_mem>>) src(%dma_wait3A_839 : memref<1000x64xf32, #tpu.memory_space<hbm>>) dst(%arg19 : memref<128x64xf32, #tpu.memory_space<vmem>>)
    %dma_start3A_840 = arith.constant 0 : i32
    %dma_start3A_841 = arith.constant 0 : i32
    %dma_start3A_842 = tpu.memref_slice %arg5[%dma_start3A_840, %dma_start3A_841] : memref<1000x64xf32, #tpu.memory_space<hbm>> -> memref<1000x64xf32, #tpu.memory_space<hbm>>
    tpu.enqueue_indirect_dma source(%dma_start3A_842 : memref<1000x64xf32, #tpu.memory_space<hbm>>) target(%arg19 : memref<128x64xf32, #tpu.memory_space<vmem>>) offsets(%arg15 : memref<128xi32, #tpu.memory_space<vmem>>) semaphore(%arg27 : memref<!tpu.dma_semaphore, #tpu.memory_space<semaphore_mem>>) {add = true}
    %dma_wait3A_843 = arith.constant 0 : i32
    %dma_wait3A_844 = arith.constant 0 : i32
    %dma_wait3A_845 = tpu.memref_slice %arg5[%dma_wait3A_843, %dma_wait3A_844] : memref<1000x64xf32, #tpu.memory_space<hbm>> -> memref<1000x64xf32, #tpu.memory_space<hbm>>
    tpu.wait_indirect_dma semaphore(%arg26 : memref<!tpu.dma_semaphore, #tpu.memory_space<semaphore_mem>>) src(%dma_wait3A_845 : memref<1000x64xf32, #tpu.memory_space<hbm>>) dst(%arg18 : memref<128x64xf32, #tpu.memory_space<vmem>>)
    %add3A_846 = arith.constant 1 : i32
    %add3A_847 = arith.addi %mul3A_2, %add3A_846 : i32
    %jit3A_848 = arith.constant 64 : i32
    %div3A_849 = arith.divsi %add3A_847, %jit3A_848 : i32
    %sign3A_850 = arith.constant 0 : i32
    %sign3A_851 = arith.cmpi sgt, %add3A_847, %sign3A_850 : i32
    %sign3A_852 = arith.extui %sign3A_851 : i1 to i32
    %sign3A_853 = arith.constant 0 : i32
    %sign3A_854 = arith.cmpi slt, %add3A_847, %sign3A_853 : i32
    %sign3A_855 = arith.extui %sign3A_854 : i1 to i32
    %sign3A_856 = arith.subi %sign3A_852, %sign3A_855 : i32
    %sign3A_857 = arith.constant 0 : i32
    %sign3A_858 = arith.cmpi sgt, %jit3A_848, %sign3A_857 : i32
    %sign3A_859 = arith.extui %sign3A_858 : i1 to i32
    %sign3A_860 = arith.constant 0 : i32
    %sign3A_861 = arith.cmpi slt, %jit3A_848, %sign3A_860 : i32
    %sign3A_862 = arith.extui %sign3A_861 : i1 to i32
    %sign3A_863 = arith.subi %sign3A_859, %sign3A_862 : i32
    %ne3A_864 = arith.cmpi ne, %sign3A_856, %sign3A_863 : i32
    %rem3A_865 = arith.remsi %add3A_847, %jit3A_848 : i32
    %ne3A_866 = arith.constant 0 : i32
    %ne3A_867 = arith.cmpi ne, %rem3A_865, %ne3A_866 : i32
    %and3A_868 = arith.andi %ne3A_864, %ne3A_867 : i1
    %sub3A_869 = arith.constant 1 : i32
    %sub3A_870 = arith.subi %div3A_849, %sub3A_869 : i32
    %select_n3A_871 = arith.select %and3A_868, %sub3A_870, %div3A_849 : i32
    %mul3A_872 = arith.constant 64 : i32
    %mul3A_873 = arith.muli %select_n3A_871, %mul3A_872 : i32
    %sub3A_874 = arith.subi %add3A_847, %mul3A_873 : i32
    %jit3A_875 = arith.constant 8 : i32
    %div3A_876 = arith.divsi %sub3A_874, %jit3A_875 : i32
    %sign3A_877 = arith.constant 0 : i32
    %sign3A_878 = arith.cmpi sgt, %sub3A_874, %sign3A_877 : i32
    %sign3A_879 = arith.extui %sign3A_878 : i1 to i32
    %sign3A_880 = arith.constant 0 : i32
    %sign3A_881 = arith.cmpi slt, %sub3A_874, %sign3A_880 : i32
    %sign3A_882 = arith.extui %sign3A_881 : i1 to i32
    %sign3A_883 = arith.subi %sign3A_879, %sign3A_882 : i32
    %sign3A_884 = arith.constant 0 : i32
    %sign3A_885 = arith.cmpi sgt, %jit3A_875, %sign3A_884 : i32
    %sign3A_886 = arith.extui %sign3A_885 : i1 to i32
    %sign3A_887 = arith.constant 0 : i32
    %sign3A_888 = arith.cmpi slt, %jit3A_875, %sign3A_887 : i32
    %sign3A_889 = arith.extui %sign3A_888 : i1 to i32
    %sign3A_890 = arith.subi %sign3A_886, %sign3A_889 : i32
    %ne3A_891 = arith.cmpi ne, %sign3A_883, %sign3A_890 : i32
    %rem3A_892 = arith.remsi %sub3A_874, %jit3A_875 : i32
    %ne3A_893 = arith.constant 0 : i32
    %ne3A_894 = arith.cmpi ne, %rem3A_892, %ne3A_893 : i32
    %and3A_895 = arith.andi %ne3A_891, %ne3A_894 : i1
    %sub3A_896 = arith.constant 1 : i32
    %sub3A_897 = arith.subi %div3A_876, %sub3A_896 : i32
    %select_n3A_898 = arith.select %and3A_895, %sub3A_897, %div3A_876 : i32
    %mul3A_899 = arith.constant 8 : i32
    %mul3A_900 = arith.muli %select_n3A_898, %mul3A_899 : i32
    %sub3A_901 = arith.subi %sub3A_874, %mul3A_900 : i32
    %mul3A_902 = arith.constant 8 : i32
    %mul3A_903 = arith.muli %select_n3A_871, %mul3A_902 : i32
    %add3A_904 = arith.addi %mul3A_903, %sub3A_901 : i32
    %mul3A_905 = arith.constant 8 : i32
    %mul3A_906 = arith.muli %add3A_904, %mul3A_905 : i32
    %add3A_907 = arith.addi %mul3A_906, %select_n3A_898 : i32
    %dma_start3A_908 = arith.constant 0 : i32
    %dma_start3A_909 = arith.constant 0 : i32
    %dma_start3A_910 = tpu.memref_slice %arg6[%add3A_907, %dma_start3A_908, %dma_start3A_909] : memref<1600x128x64xf32, #tpu.memory_space<hbm>> -> memref<1x128x64xf32, #tpu.memory_space<hbm>>
    %dma_start3A_911 = tpu.memref_squeeze %dma_start3A_910 : memref<1x128x64xf32, #tpu.memory_space<hbm>> -> memref<128x64xf32, #tpu.memory_space<hbm>>
    %dma_start3A_912 = arith.constant 0 : i32
    %dma_start3A_913 = arith.constant 0 : i32
    %dma_start3A_914 = tpu.memref_slice %arg6[%add3A_907, %dma_start3A_912, %dma_start3A_913] : memref<1600x128x64xf32, #tpu.memory_space<hbm>> -> memref<1x128x64xf32, #tpu.memory_space<hbm>>
    %dma_start3A_915 = tpu.memref_squeeze %dma_start3A_914 : memref<1x128x64xf32, #tpu.memory_space<hbm>> -> memref<128x64xf32, #tpu.memory_space<hbm>>
    tpu.enqueue_dma source(%arg18 : memref<128x64xf32, #tpu.memory_space<vmem>>) target(%dma_start3A_915 : memref<128x64xf32, #tpu.memory_space<hbm>>) target_semaphore(%arg30 : memref<!tpu.dma_semaphore, #tpu.memory_space<semaphore_mem>>)
    %scan3A = arith.constant 0 : i32
    %scan3A_916 = arith.constant 0 : i32
    %scan3A_917 = arith.constant 12 : i32
    %scan3A_918 = arith.addi %scan3A_916, %scan3A_917 : i32
    %scan3A_919 = arith.constant 1 : i32
    scf.for %scan3A_943 = %scan3A_916 to %scan3A_918 step %scan3A_919  : i32 {
      %mul3A_944 = arith.constant 4 : i32
      %mul3A_945 = arith.muli %mul3A_944, %scan3A_943 : i32
      %add3A_946 = arith.constant 2 : i32
      %add3A_947 = arith.addi %mul3A_945, %add3A_946 : i32
      %add3A_948 = arith.constant 2 : i32
      %add3A_949 = arith.addi %add3A_947, %add3A_948 : i32
      %min3A_950 = arith.constant 49 : i32
      %min3A_951 = arith.minsi %add3A_949, %min3A_950 : i32
      %mul3A_952 = arith.constant 128 : i32
      %mul3A_953 = arith.muli %min3A_951, %mul3A_952 : i32
      %add3A_954 = arith.constant 0 : i32
      %add3A_955 = arith.addi %mul3A_953, %add3A_954 : i32
      %get3A_956 = arith.index_cast %add3A_955 : i32 to index
      %get3A_957 = tpu.vector_load %arg7[%get3A_956] {strides = array<i32>} : memref<6400xi32, #tpu.memory_space<vmem>>, vector<16xi32>,
      %get3A_958 = vector.shape_cast %get3A_957 : vector<16xi32> to vector<16xi32>
      %swap3A_959 = arith.constant 0 : index
      %swap3A_960 = tpu.vector_load %arg9[%swap3A_959] {strides = array<i32>} : memref<128xi32, #tpu.memory_space<vmem>>, vector<16xi32>,
      %swap3A_961 = vector.shape_cast %swap3A_960 : vector<16xi32> to vector<16xi32>
      %swap3A_962 = vector.shape_cast %get3A_958 : vector<16xi32> to vector<16xi32>
      tpu.vector_store %arg9[%swap3A_959], %swap3A_962 {strides = array<i32>} : memref<128xi32, #tpu.memory_space<vmem>>, vector<16xi32>,
      %mul3A_963 = arith.constant 128 : i32
      %mul3A_964 = arith.muli %min3A_951, %mul3A_963 : i32
      %add3A_965 = arith.constant 0 : i32
      %add3A_966 = arith.addi %mul3A_964, %add3A_965 : i32
      %get3A_967 = arith.index_cast %add3A_966 : i32 to index
      %get3A_968 = tpu.vector_load %arg8[%get3A_967] {strides = array<i32>} : memref<6400xi32, #tpu.memory_space<vmem>>, vector<16xi32>,
      %get3A_969 = vector.shape_cast %get3A_968 : vector<16xi32> to vector<16xi32>
      %swap3A_970 = arith.constant 0 : index
      %swap3A_971 = tpu.vector_load %arg13[%swap3A_970] {strides = array<i32>} : memref<128xi32, #tpu.memory_space<vmem>>, vector<16xi32>,
      %swap3A_972 = vector.shape_cast %swap3A_971 : vector<16xi32> to vector<16xi32>
      %swap3A_973 = vector.shape_cast %get3A_969 : vector<16xi32> to vector<16xi32>
      tpu.vector_store %arg13[%swap3A_970], %swap3A_973 {strides = array<i32>} : memref<128xi32, #tpu.memory_space<vmem>>, vector<16xi32>,
      %mul3A_974 = arith.constant 128 : i32
      %mul3A_975 = arith.muli %min3A_951, %mul3A_974 : i32
      %add3A_976 = arith.constant 16 : i32
      %add3A_977 = arith.addi %mul3A_975, %add3A_976 : i32
      %get3A_978 = arith.index_cast %add3A_977 : i32 to index
      %get3A_979 = tpu.vector_load %arg7[%get3A_978] {strides = array<i32>} : memref<6400xi32, #tpu.memory_space<vmem>>, vector<16xi32>,
      %get3A_980 = vector.shape_cast %get3A_979 : vector<16xi32> to vector<16xi32>
      %swap3A_981 = arith.constant 16 : index
      %swap3A_982 = tpu.vector_load %arg9[%swap3A_981] {strides = array<i32>} : memref<128xi32, #tpu.memory_space<vmem>>, vector<16xi32>,
      %swap3A_983 = vector.shape_cast %swap3A_982 : vector<16xi32> to vector<16xi32>
      %swap3A_984 = vector.shape_cast %get3A_980 : vector<16xi32> to vector<16xi32>
      tpu.vector_store %arg9[%swap3A_981], %swap3A_984 {strides = array<i32>} : memref<128xi32, #tpu.memory_space<vmem>>, vector<16xi32>,
      %mul3A_985 = arith.constant 128 : i32
      %mul3A_986 = arith.muli %min3A_951, %mul3A_985 : i32
      %add3A_987 = arith.constant 16 : i32
      %add3A_988 = arith.addi %mul3A_986, %add3A_987 : i32
      %get3A_989 = arith.index_cast %add3A_988 : i32 to index
      %get3A_990 = tpu.vector_load %arg8[%get3A_989] {strides = array<i32>} : memref<6400xi32, #tpu.memory_space<vmem>>, vector<16xi32>,
      %get3A_991 = vector.shape_cast %get3A_990 : vector<16xi32> to vector<16xi32>
      %swap3A_992 = arith.constant 16 : index
      %swap3A_993 = tpu.vector_load %arg13[%swap3A_992] {strides = array<i32>} : memref<128xi32, #tpu.memory_space<vmem>>, vector<16xi32>,
      %swap3A_994 = vector.shape_cast %swap3A_993 : vector<16xi32> to vector<16xi32>
      %swap3A_995 = vector.shape_cast %get3A_991 : vector<16xi32> to vector<16xi32>
      tpu.vector_store %arg13[%swap3A_992], %swap3A_995 {strides = array<i32>} : memref<128xi32, #tpu.memory_space<vmem>>, vector<16xi32>,
      %mul3A_996 = arith.constant 128 : i32
      %mul3A_997 = arith.muli %min3A_951, %mul3A_996 : i32
      %add3A_998 = arith.constant 32 : i32
      %add3A_999 = arith.addi %mul3A_997, %add3A_998 : i32
      %get3A_1000 = arith.index_cast %add3A_999 : i32 to index
      %get3A_1001 = tpu.vector_load %arg7[%get3A_1000] {strides = array<i32>} : memref<6400xi32, #tpu.memory_space<vmem>>, vector<16xi32>,
      %get3A_1002 = vector.shape_cast %get3A_1001 : vector<16xi32> to vector<16xi32>
      %swap3A_1003 = arith.constant 32 : index
      %swap3A_1004 = tpu.vector_load %arg9[%swap3A_1003] {strides = array<i32>} : memref<128xi32, #tpu.memory_space<vmem>>, vector<16xi32>,
      %swap3A_1005 = vector.shape_cast %swap3A_1004 : vector<16xi32> to vector<16xi32>
      %swap3A_1006 = vector.shape_cast %get3A_1002 : vector<16xi32> to vector<16xi32>
      tpu.vector_store %arg9[%swap3A_1003], %swap3A_1006 {strides = array<i32>} : memref<128xi32, #tpu.memory_space<vmem>>, vector<16xi32>,
      %mul3A_1007 = arith.constant 128 : i32
      %mul3A_1008 = arith.muli %min3A_951, %mul3A_1007 : i32
      %add3A_1009 = arith.constant 32 : i32
      %add3A_1010 = arith.addi %mul3A_1008, %add3A_1009 : i32
      %get3A_1011 = arith.index_cast %add3A_1010 : i32 to index
      %get3A_1012 = tpu.vector_load %arg8[%get3A_1011] {strides = array<i32>} : memref<6400xi32, #tpu.memory_space<vmem>>, vector<16xi32>,
      %get3A_1013 = vector.shape_cast %get3A_1012 : vector<16xi32> to vector<16xi32>
      %swap3A_1014 = arith.constant 32 : index
      %swap3A_1015 = tpu.vector_load %arg13[%swap3A_1014] {strides = array<i32>} : memref<128xi32, #tpu.memory_space<vmem>>, vector<16xi32>,
      %swap3A_1016 = vector.shape_cast %swap3A_1015 : vector<16xi32> to vector<16xi32>
      %swap3A_1017 = vector.shape_cast %get3A_1013 : vector<16xi32> to vector<16xi32>
      tpu.vector_store %arg13[%swap3A_1014], %swap3A_1017 {strides = array<i32>} : memref<128xi32, #tpu.memory_space<vmem>>, vector<16xi32>,
      %mul3A_1018 = arith.constant 128 : i32
      %mul3A_1019 = arith.muli %min3A_951, %mul3A_1018 : i32
      %add3A_1020 = arith.constant 48 : i32
      %add3A_1021 = arith.addi %mul3A_1019, %add3A_1020 : i32
      %get3A_1022 = arith.index_cast %add3A_1021 : i32 to index
      %get3A_1023 = tpu.vector_load %arg7[%get3A_1022] {strides = array<i32>} : memref<6400xi32, #tpu.memory_space<vmem>>, vector<16xi32>,
      %get3A_1024 = vector.shape_cast %get3A_1023 : vector<16xi32> to vector<16xi32>
      %swap3A_1025 = arith.constant 48 : index
      %swap3A_1026 = tpu.vector_load %arg9[%swap3A_1025] {strides = array<i32>} : memref<128xi32, #tpu.memory_space<vmem>>, vector<16xi32>,
      %swap3A_1027 = vector.shape_cast %swap3A_1026 : vector<16xi32> to vector<16xi32>
      %swap3A_1028 = vector.shape_cast %get3A_1024 : vector<16xi32> to vector<16xi32>
      tpu.vector_store %arg9[%swap3A_1025], %swap3A_1028 {strides = array<i32>} : memref<128xi32, #tpu.memory_space<vmem>>, vector<16xi32>,
      %mul3A_1029 = arith.constant 128 : i32
      %mul3A_1030 = arith.muli %min3A_951, %mul3A_1029 : i32
      %add3A_1031 = arith.constant 48 : i32
      %add3A_1032 = arith.addi %mul3A_1030, %add3A_1031 : i32
      %get3A_1033 = arith.index_cast %add3A_1032 : i32 to index
      %get3A_1034 = tpu.vector_load %arg8[%get3A_1033] {strides = array<i32>} : memref<6400xi32, #tpu.memory_space<vmem>>, vector<16xi32>,
      %get3A_1035 = vector.shape_cast %get3A_1034 : vector<16xi32> to vector<16xi32>
      %swap3A_1036 = arith.constant 48 : index
      %swap3A_1037 = tpu.vector_load %arg13[%swap3A_1036] {strides = array<i32>} : memref<128xi32, #tpu.memory_space<vmem>>, vector<16xi32>,
      %swap3A_1038 = vector.shape_cast %swap3A_1037 : vector<16xi32> to vector<16xi32>
      %swap3A_1039 = vector.shape_cast %get3A_1035 : vector<16xi32> to vector<16xi32>
      tpu.vector_store %arg13[%swap3A_1036], %swap3A_1039 {strides = array<i32>} : memref<128xi32, #tpu.memory_space<vmem>>, vector<16xi32>,
      %mul3A_1040 = arith.constant 128 : i32
      %mul3A_1041 = arith.muli %min3A_951, %mul3A_1040 : i32
      %add3A_1042 = arith.constant 64 : i32
      %add3A_1043 = arith.addi %mul3A_1041, %add3A_1042 : i32
      %get3A_1044 = arith.index_cast %add3A_1043 : i32 to index
      %get3A_1045 = tpu.vector_load %arg7[%get3A_1044] {strides = array<i32>} : memref<6400xi32, #tpu.memory_space<vmem>>, vector<16xi32>,
      %get3A_1046 = vector.shape_cast %get3A_1045 : vector<16xi32> to vector<16xi32>
      %swap3A_1047 = arith.constant 64 : index
      %swap3A_1048 = tpu.vector_load %arg9[%swap3A_1047] {strides = array<i32>} : memref<128xi32, #tpu.memory_space<vmem>>, vector<16xi32>,
      %swap3A_1049 = vector.shape_cast %swap3A_1048 : vector<16xi32> to vector<16xi32>
      %swap3A_1050 = vector.shape_cast %get3A_1046 : vector<16xi32> to vector<16xi32>
      tpu.vector_store %arg9[%swap3A_1047], %swap3A_1050 {strides = array<i32>} : memref<128xi32, #tpu.memory_space<vmem>>, vector<16xi32>,
      %mul3A_1051 = arith.constant 128 : i32
      %mul3A_1052 = arith.muli %min3A_951, %mul3A_1051 : i32
      %add3A_1053 = arith.constant 64 : i32
      %add3A_1054 = arith.addi %mul3A_1052, %add3A_1053 : i32
      %get3A_1055 = arith.index_cast %add3A_1054 : i32 to index
      %get3A_1056 = tpu.vector_load %arg8[%get3A_1055] {strides = array<i32>} : memref<6400xi32, #tpu.memory_space<vmem>>, vector<16xi32>,
      %get3A_1057 = vector.shape_cast %get3A_1056 : vector<16xi32> to vector<16xi32>
      %swap3A_1058 = arith.constant 64 : index
      %swap3A_1059 = tpu.vector_load %arg13[%swap3A_1058] {strides = array<i32>} : memref<128xi32, #tpu.memory_space<vmem>>, vector<16xi32>,
      %swap3A_1060 = vector.shape_cast %swap3A_1059 : vector<16xi32> to vector<16xi32>
      %swap3A_1061 = vector.shape_cast %get3A_1057 : vector<16xi32> to vector<16xi32>
      tpu.vector_store %arg13[%swap3A_1058], %swap3A_1061 {strides = array<i32>} : memref<128xi32, #tpu.memory_space<vmem>>, vector<16xi32>,
      %mul3A_1062 = arith.constant 128 : i32
      %mul3A_1063 = arith.muli %min3A_951, %mul3A_1062 : i32
      %add3A_1064 = arith.constant 80 : i32
      %add3A_1065 = arith.addi %mul3A_1063, %add3A_1064 : i32
      %get3A_1066 = arith.index_cast %add3A_1065 : i32 to index
      %get3A_1067 = tpu.vector_load %arg7[%get3A_1066] {strides = array<i32>} : memref<6400xi32, #tpu.memory_space<vmem>>, vector<16xi32>,
      %get3A_1068 = vector.shape_cast %get3A_1067 : vector<16xi32> to vector<16xi32>
      %swap3A_1069 = arith.constant 80 : index
      %swap3A_1070 = tpu.vector_load %arg9[%swap3A_1069] {strides = array<i32>} : memref<128xi32, #tpu.memory_space<vmem>>, vector<16xi32>,
      %swap3A_1071 = vector.shape_cast %swap3A_1070 : vector<16xi32> to vector<16xi32>
      %swap3A_1072 = vector.shape_cast %get3A_1068 : vector<16xi32> to vector<16xi32>
      tpu.vector_store %arg9[%swap3A_1069], %swap3A_1072 {strides = array<i32>} : memref<128xi32, #tpu.memory_space<vmem>>, vector<16xi32>,
      %mul3A_1073 = arith.constant 128 : i32
      %mul3A_1074 = arith.muli %min3A_951, %mul3A_1073 : i32
      %add3A_1075 = arith.constant 80 : i32
      %add3A_1076 = arith.addi %mul3A_1074, %add3A_1075 : i32
      %get3A_1077 = arith.index_cast %add3A_1076 : i32 to index
      %get3A_1078 = tpu.vector_load %arg8[%get3A_1077] {strides = array<i32>} : memref<6400xi32, #tpu.memory_space<vmem>>, vector<16xi32>,
      %get3A_1079 = vector.shape_cast %get3A_1078 : vector<16xi32> to vector<16xi32>
      %swap3A_1080 = arith.constant 80 : index
      %swap3A_1081 = tpu.vector_load %arg13[%swap3A_1080] {strides = array<i32>} : memref<128xi32, #tpu.memory_space<vmem>>, vector<16xi32>,
      %swap3A_1082 = vector.shape_cast %swap3A_1081 : vector<16xi32> to vector<16xi32>
      %swap3A_1083 = vector.shape_cast %get3A_1079 : vector<16xi32> to vector<16xi32>
      tpu.vector_store %arg13[%swap3A_1080], %swap3A_1083 {strides = array<i32>} : memref<128xi32, #tpu.memory_space<vmem>>, vector<16xi32>,
      %mul3A_1084 = arith.constant 128 : i32
      %mul3A_1085 = arith.muli %min3A_951, %mul3A_1084 : i32
      %add3A_1086 = arith.constant 96 : i32
      %add3A_1087 = arith.addi %mul3A_1085, %add3A_1086 : i32
      %get3A_1088 = arith.index_cast %add3A_1087 : i32 to index
      %get3A_1089 = tpu.vector_load %arg7[%get3A_1088] {strides = array<i32>} : memref<6400xi32, #tpu.memory_space<vmem>>, vector<16xi32>,
      %get3A_1090 = vector.shape_cast %get3A_1089 : vector<16xi32> to vector<16xi32>
      %swap3A_1091 = arith.constant 96 : index
      %swap3A_1092 = tpu.vector_load %arg9[%swap3A_1091] {strides = array<i32>} : memref<128xi32, #tpu.memory_space<vmem>>, vector<16xi32>,
      %swap3A_1093 = vector.shape_cast %swap3A_1092 : vector<16xi32> to vector<16xi32>
      %swap3A_1094 = vector.shape_cast %get3A_1090 : vector<16xi32> to vector<16xi32>
      tpu.vector_store %arg9[%swap3A_1091], %swap3A_1094 {strides = array<i32>} : memref<128xi32, #tpu.memory_space<vmem>>, vector<16xi32>,
      %mul3A_1095 = arith.constant 128 : i32
      %mul3A_1096 = arith.muli %min3A_951, %mul3A_1095 : i32
      %add3A_1097 = arith.constant 96 : i32
      %add3A_1098 = arith.addi %mul3A_1096, %add3A_1097 : i32
      %get3A_1099 = arith.index_cast %add3A_1098 : i32 to index
      %get3A_1100 = tpu.vector_load %arg8[%get3A_1099] {strides = array<i32>} : memref<6400xi32, #tpu.memory_space<vmem>>, vector<16xi32>,
      %get3A_1101 = vector.shape_cast %get3A_1100 : vector<16xi32> to vector<16xi32>
      %swap3A_1102 = arith.constant 96 : index
      %swap3A_1103 = tpu.vector_load %arg13[%swap3A_1102] {strides = array<i32>} : memref<128xi32, #tpu.memory_space<vmem>>, vector<16xi32>,
      %swap3A_1104 = vector.shape_cast %swap3A_1103 : vector<16xi32> to vector<16xi32>
      %swap3A_1105 = vector.shape_cast %get3A_1101 : vector<16xi32> to vector<16xi32>
      tpu.vector_store %arg13[%swap3A_1102], %swap3A_1105 {strides = array<i32>} : memref<128xi32, #tpu.memory_space<vmem>>, vector<16xi32>,
      %mul3A_1106 = arith.constant 128 : i32
      %mul3A_1107 = arith.muli %min3A_951, %mul3A_1106 : i32
      %add3A_1108 = arith.constant 112 : i32
      %add3A_1109 = arith.addi %mul3A_1107, %add3A_1108 : i32
      %get3A_1110 = arith.index_cast %add3A_1109 : i32 to index
      %get3A_1111 = tpu.vector_load %arg7[%get3A_1110] {strides = array<i32>} : memref<6400xi32, #tpu.memory_space<vmem>>, vector<16xi32>,
      %get3A_1112 = vector.shape_cast %get3A_1111 : vector<16xi32> to vector<16xi32>
      %swap3A_1113 = arith.constant 112 : index
      %swap3A_1114 = tpu.vector_load %arg9[%swap3A_1113] {strides = array<i32>} : memref<128xi32, #tpu.memory_space<vmem>>, vector<16xi32>,
      %swap3A_1115 = vector.shape_cast %swap3A_1114 : vector<16xi32> to vector<16xi32>
      %swap3A_1116 = vector.shape_cast %get3A_1112 : vector<16xi32> to vector<16xi32>
      tpu.vector_store %arg9[%swap3A_1113], %swap3A_1116 {strides = array<i32>} : memref<128xi32, #tpu.memory_space<vmem>>, vector<16xi32>,
      %mul3A_1117 = arith.constant 128 : i32
      %mul3A_1118 = arith.muli %min3A_951, %mul3A_1117 : i32
      %add3A_1119 = arith.constant 112 : i32
      %add3A_1120 = arith.addi %mul3A_1118, %add3A_1119 : i32
      %get3A_1121 = arith.index_cast %add3A_1120 : i32 to index
      %get3A_1122 = tpu.vector_load %arg8[%get3A_1121] {strides = array<i32>} : memref<6400xi32, #tpu.memory_space<vmem>>, vector<16xi32>,
      %get3A_1123 = vector.shape_cast %get3A_1122 : vector<16xi32> to vector<16xi32>
      %swap3A_1124 = arith.constant 112 : index
      %swap3A_1125 = tpu.vector_load %arg13[%swap3A_1124] {strides = array<i32>} : memref<128xi32, #tpu.memory_space<vmem>>, vector<16xi32>,
      %swap3A_1126 = vector.shape_cast %swap3A_1125 : vector<16xi32> to vector<16xi32>
      %swap3A_1127 = vector.shape_cast %get3A_1123 : vector<16xi32> to vector<16xi32>
      tpu.vector_store %arg13[%swap3A_1124], %swap3A_1127 {strides = array<i32>} : memref<128xi32, #tpu.memory_space<vmem>>, vector<16xi32>,
      %dma_wait3A_1128 = arith.constant 0 : i32
      %dma_wait3A_1129 = arith.constant 0 : i32
      %dma_wait3A_1130 = tpu.memref_slice %arg6[%mul3A_2, %dma_wait3A_1128, %dma_wait3A_1129] : memref<1600x128x64xf32, #tpu.memory_space<hbm>> -> memref<1x128x64xf32, #tpu.memory_space<hbm>>
      %dma_wait3A_1131 = tpu.memref_squeeze %dma_wait3A_1130 : memref<1x128x64xf32, #tpu.memory_space<hbm>> -> memref<128x64xf32, #tpu.memory_space<hbm>>
      %dma_wait3A_1132 = arith.constant 0 : i32
      %dma_wait3A_1133 = arith.constant 0 : i32
      %dma_wait3A_1134 = tpu.memref_slice %arg6[%mul3A_2, %dma_wait3A_1132, %dma_wait3A_1133] : memref<1600x128x64xf32, #tpu.memory_space<hbm>> -> memref<1x128x64xf32, #tpu.memory_space<hbm>>
      %dma_wait3A_1135 = tpu.memref_squeeze %dma_wait3A_1134 : memref<1x128x64xf32, #tpu.memory_space<hbm>> -> memref<128x64xf32, #tpu.memory_space<hbm>>
      tpu.wait_dma2 semaphore(%arg29 : memref<!tpu.dma_semaphore, #tpu.memory_space<semaphore_mem>>) src(%arg17 : memref<128x64xf32, #tpu.memory_space<vmem>>) dst(%dma_wait3A_1135 : memref<128x64xf32, #tpu.memory_space<hbm>>)
      %dma_start3A_1136 = arith.constant 0 : i32
      %dma_start3A_1137 = arith.constant 0 : i32
      %dma_start3A_1138 = tpu.memref_slice %arg4[%dma_start3A_1136, %dma_start3A_1137] : memref<1000x64xf32, #tpu.memory_space<hbm>> -> memref<1000x64xf32, #tpu.memory_space<hbm>>
      tpu.enqueue_indirect_dma source(%dma_start3A_1138 : memref<1000x64xf32, #tpu.memory_space<hbm>>) target(%arg17 : memref<128x64xf32, #tpu.memory_space<vmem>>) offsets(%arg9 : memref<128xi32, #tpu.memory_space<vmem>>) semaphore(%arg21 : memref<!tpu.dma_semaphore, #tpu.memory_space<semaphore_mem>>)
      %dma_wait3A_1139 = arith.constant 0 : i32
      %dma_wait3A_1140 = arith.constant 0 : i32
      %dma_wait3A_1141 = tpu.memref_slice %arg4[%dma_wait3A_1139, %dma_wait3A_1140] : memref<1000x64xf32, #tpu.memory_space<hbm>> -> memref<1000x64xf32, #tpu.memory_space<hbm>>
      tpu.wait_indirect_dma semaphore(%arg24 : memref<!tpu.dma_semaphore, #tpu.memory_space<semaphore_mem>>) src(%dma_wait3A_1141 : memref<1000x64xf32, #tpu.memory_space<hbm>>) dst(%arg20 : memref<128x64xf32, #tpu.memory_space<vmem>>)
      %dma_start3A_1142 = arith.constant 0 : i32
      %dma_start3A_1143 = arith.constant 0 : i32
      %dma_start3A_1144 = tpu.memref_slice %arg5[%dma_start3A_1142, %dma_start3A_1143] : memref<1000x64xf32, #tpu.memory_space<hbm>> -> memref<1000x64xf32, #tpu.memory_space<hbm>>
      tpu.enqueue_indirect_dma source(%dma_start3A_1144 : memref<1000x64xf32, #tpu.memory_space<hbm>>) target(%arg20 : memref<128x64xf32, #tpu.memory_space<vmem>>) offsets(%arg16 : memref<128xi32, #tpu.memory_space<vmem>>) semaphore(%arg28 : memref<!tpu.dma_semaphore, #tpu.memory_space<semaphore_mem>>) {add = true}
      %dma_wait3A_1145 = arith.constant 0 : i32
      %dma_wait3A_1146 = arith.constant 0 : i32
      %dma_wait3A_1147 = tpu.memref_slice %arg5[%dma_wait3A_1145, %dma_wait3A_1146] : memref<1000x64xf32, #tpu.memory_space<hbm>> -> memref<1000x64xf32, #tpu.memory_space<hbm>>
      tpu.wait_indirect_dma semaphore(%arg27 : memref<!tpu.dma_semaphore, #tpu.memory_space<semaphore_mem>>) src(%dma_wait3A_1147 : memref<1000x64xf32, #tpu.memory_space<hbm>>) dst(%arg19 : memref<128x64xf32, #tpu.memory_space<vmem>>)
      %add3A_1148 = arith.addi %mul3A_2, %add3A_947 : i32
      %jit3A_1149 = arith.constant 64 : i32
      %div3A_1150 = arith.divsi %add3A_1148, %jit3A_1149 : i32
      %sign3A_1151 = arith.constant 0 : i32
      %sign3A_1152 = arith.cmpi sgt, %add3A_1148, %sign3A_1151 : i32
      %sign3A_1153 = arith.extui %sign3A_1152 : i1 to i32
      %sign3A_1154 = arith.constant 0 : i32
      %sign3A_1155 = arith.cmpi slt, %add3A_1148, %sign3A_1154 : i32
      %sign3A_1156 = arith.extui %sign3A_1155 : i1 to i32
      %sign3A_1157 = arith.subi %sign3A_1153, %sign3A_1156 : i32
      %sign3A_1158 = arith.constant 0 : i32
      %sign3A_1159 = arith.cmpi sgt, %jit3A_1149, %sign3A_1158 : i32
      %sign3A_1160 = arith.extui %sign3A_1159 : i1 to i32
      %sign3A_1161 = arith.constant 0 : i32
      %sign3A_1162 = arith.cmpi slt, %jit3A_1149, %sign3A_1161 : i32
      %sign3A_1163 = arith.extui %sign3A_1162 : i1 to i32
      %sign3A_1164 = arith.subi %sign3A_1160, %sign3A_1163 : i32
      %ne3A_1165 = arith.cmpi ne, %sign3A_1157, %sign3A_1164 : i32
      %rem3A_1166 = arith.remsi %add3A_1148, %jit3A_1149 : i32
      %ne3A_1167 = arith.constant 0 : i32
      %ne3A_1168 = arith.cmpi ne, %rem3A_1166, %ne3A_1167 : i32
      %and3A_1169 = arith.andi %ne3A_1165, %ne3A_1168 : i1
      %sub3A_1170 = arith.constant 1 : i32
      %sub3A_1171 = arith.subi %div3A_1150, %sub3A_1170 : i32
      %select_n3A_1172 = arith.select %and3A_1169, %sub3A_1171, %div3A_1150 : i32
      %mul3A_1173 = arith.constant 64 : i32
      %mul3A_1174 = arith.muli %select_n3A_1172, %mul3A_1173 : i32
      %sub3A_1175 = arith.subi %add3A_1148, %mul3A_1174 : i32
      %jit3A_1176 = arith.constant 8 : i32
      %div3A_1177 = arith.divsi %sub3A_1175, %jit3A_1176 : i32
      %sign3A_1178 = arith.constant 0 : i32
      %sign3A_1179 = arith.cmpi sgt, %sub3A_1175, %sign3A_1178 : i32
      %sign3A_1180 = arith.extui %sign3A_1179 : i1 to i32
      %sign3A_1181 = arith.constant 0 : i32
      %sign3A_1182 = arith.cmpi slt, %sub3A_1175, %sign3A_1181 : i32
      %sign3A_1183 = arith.extui %sign3A_1182 : i1 to i32
      %sign3A_1184 = arith.subi %sign3A_1180, %sign3A_1183 : i32
      %sign3A_1185 = arith.constant 0 : i32
      %sign3A_1186 = arith.cmpi sgt, %jit3A_1176, %sign3A_1185 : i32
      %sign3A_1187 = arith.extui %sign3A_1186 : i1 to i32
      %sign3A_1188 = arith.constant 0 : i32
      %sign3A_1189 = arith.cmpi slt, %jit3A_1176, %sign3A_1188 : i32
      %sign3A_1190 = arith.extui %sign3A_1189 : i1 to i32
      %sign3A_1191 = arith.subi %sign3A_1187, %sign3A_1190 : i32
      %ne3A_1192 = arith.cmpi ne, %sign3A_1184, %sign3A_1191 : i32
      %rem3A_1193 = arith.remsi %sub3A_1175, %jit3A_1176 : i32
      %ne3A_1194 = arith.constant 0 : i32
      %ne3A_1195 = arith.cmpi ne, %rem3A_1193, %ne3A_1194 : i32
      %and3A_1196 = arith.andi %ne3A_1192, %ne3A_1195 : i1
      %sub3A_1197 = arith.constant 1 : i32
      %sub3A_1198 = arith.subi %div3A_1177, %sub3A_1197 : i32
      %select_n3A_1199 = arith.select %and3A_1196, %sub3A_1198, %div3A_1177 : i32
      %mul3A_1200 = arith.constant 8 : i32
      %mul3A_1201 = arith.muli %select_n3A_1199, %mul3A_1200 : i32
      %sub3A_1202 = arith.subi %sub3A_1175, %mul3A_1201 : i32
      %mul3A_1203 = arith.constant 8 : i32
      %mul3A_1204 = arith.muli %select_n3A_1172, %mul3A_1203 : i32
      %add3A_1205 = arith.addi %mul3A_1204, %sub3A_1202 : i32
      %mul3A_1206 = arith.constant 8 : i32
      %mul3A_1207 = arith.muli %add3A_1205, %mul3A_1206 : i32
      %add3A_1208 = arith.addi %mul3A_1207, %select_n3A_1199 : i32
      %dma_start3A_1209 = arith.constant 0 : i32
      %dma_start3A_1210 = arith.constant 0 : i32
      %dma_start3A_1211 = tpu.memref_slice %arg6[%add3A_1208, %dma_start3A_1209, %dma_start3A_1210] : memref<1600x128x64xf32, #tpu.memory_space<hbm>> -> memref<1x128x64xf32, #tpu.memory_space<hbm>>
      %dma_start3A_1212 = tpu.memref_squeeze %dma_start3A_1211 : memref<1x128x64xf32, #tpu.memory_space<hbm>> -> memref<128x64xf32, #tpu.memory_space<hbm>>
      %dma_start3A_1213 = arith.constant 0 : i32
      %dma_start3A_1214 = arith.constant 0 : i32
      %dma_start3A_1215 = tpu.memref_slice %arg6[%add3A_1208, %dma_start3A_1213, %dma_start3A_1214] : memref<1600x128x64xf32, #tpu.memory_space<hbm>> -> memref<1x128x64xf32, #tpu.memory_space<hbm>>
      %dma_start3A_1216 = tpu.memref_squeeze %dma_start3A_1215 : memref<1x128x64xf32, #tpu.memory_space<hbm>> -> memref<128x64xf32, #tpu.memory_space<hbm>>
      tpu.enqueue_dma source(%arg19 : memref<128x64xf32, #tpu.memory_space<vmem>>) target(%dma_start3A_1216 : memref<128x64xf32, #tpu.memory_space<hbm>>) target_semaphore(%arg31 : memref<!tpu.dma_semaphore, #tpu.memory_space<semaphore_mem>>)
      %add3A_1217 = arith.constant 1 : i32
      %add3A_1218 = arith.addi %add3A_947, %add3A_1217 : i32
      %add3A_1219 = arith.constant 2 : i32
      %add3A_1220 = arith.addi %add3A_1218, %add3A_1219 : i32
      %min3A_1221 = arith.constant 49 : i32
      %min3A_1222 = arith.minsi %add3A_1220, %min3A_1221 : i32
      %mul3A_1223 = arith.constant 128 : i32
      %mul3A_1224 = arith.muli %min3A_1222, %mul3A_1223 : i32
      %add3A_1225 = arith.constant 0 : i32
      %add3A_1226 = arith.addi %mul3A_1224, %add3A_1225 : i32
      %get3A_1227 = arith.index_cast %add3A_1226 : i32 to index
      %get3A_1228 = tpu.vector_load %arg7[%get3A_1227] {strides = array<i32>} : memref<6400xi32, #tpu.memory_space<vmem>>, vector<16xi32>,
      %get3A_1229 = vector.shape_cast %get3A_1228 : vector<16xi32> to vector<16xi32>
      %swap3A_1230 = arith.constant 0 : index
      %swap3A_1231 = tpu.vector_load %arg10[%swap3A_1230] {strides = array<i32>} : memref<128xi32, #tpu.memory_space<vmem>>, vector<16xi32>,
      %swap3A_1232 = vector.shape_cast %swap3A_1231 : vector<16xi32> to vector<16xi32>
      %swap3A_1233 = vector.shape_cast %get3A_1229 : vector<16xi32> to vector<16xi32>
      tpu.vector_store %arg10[%swap3A_1230], %swap3A_1233 {strides = array<i32>} : memref<128xi32, #tpu.memory_space<vmem>>, vector<16xi32>,
      %mul3A_1234 = arith.constant 128 : i32
      %mul3A_1235 = arith.muli %min3A_1222, %mul3A_1234 : i32
      %add3A_1236 = arith.constant 0 : i32
      %add3A_1237 = arith.addi %mul3A_1235, %add3A_1236 : i32
      %get3A_1238 = arith.index_cast %add3A_1237 : i32 to index
      %get3A_1239 = tpu.vector_load %arg8[%get3A_1238] {strides = array<i32>} : memref<6400xi32, #tpu.memory_space<vmem>>, vector<16xi32>,
      %get3A_1240 = vector.shape_cast %get3A_1239 : vector<16xi32> to vector<16xi32>
      %swap3A_1241 = arith.constant 0 : index
      %swap3A_1242 = tpu.vector_load %arg14[%swap3A_1241] {strides = array<i32>} : memref<128xi32, #tpu.memory_space<vmem>>, vector<16xi32>,
      %swap3A_1243 = vector.shape_cast %swap3A_1242 : vector<16xi32> to vector<16xi32>
      %swap3A_1244 = vector.shape_cast %get3A_1240 : vector<16xi32> to vector<16xi32>
      tpu.vector_store %arg14[%swap3A_1241], %swap3A_1244 {strides = array<i32>} : memref<128xi32, #tpu.memory_space<vmem>>, vector<16xi32>,
      %mul3A_1245 = arith.constant 128 : i32
      %mul3A_1246 = arith.muli %min3A_1222, %mul3A_1245 : i32
      %add3A_1247 = arith.constant 16 : i32
      %add3A_1248 = arith.addi %mul3A_1246, %add3A_1247 : i32
      %get3A_1249 = arith.index_cast %add3A_1248 : i32 to index
      %get3A_1250 = tpu.vector_load %arg7[%get3A_1249] {strides = array<i32>} : memref<6400xi32, #tpu.memory_space<vmem>>, vector<16xi32>,
      %get3A_1251 = vector.shape_cast %get3A_1250 : vector<16xi32> to vector<16xi32>
      %swap3A_1252 = arith.constant 16 : index
      %swap3A_1253 = tpu.vector_load %arg10[%swap3A_1252] {strides = array<i32>} : memref<128xi32, #tpu.memory_space<vmem>>, vector<16xi32>,
      %swap3A_1254 = vector.shape_cast %swap3A_1253 : vector<16xi32> to vector<16xi32>
      %swap3A_1255 = vector.shape_cast %get3A_1251 : vector<16xi32> to vector<16xi32>
      tpu.vector_store %arg10[%swap3A_1252], %swap3A_1255 {strides = array<i32>} : memref<128xi32, #tpu.memory_space<vmem>>, vector<16xi32>,
      %mul3A_1256 = arith.constant 128 : i32
      %mul3A_1257 = arith.muli %min3A_1222, %mul3A_1256 : i32
      %add3A_1258 = arith.constant 16 : i32
      %add3A_1259 = arith.addi %mul3A_1257, %add3A_1258 : i32
      %get3A_1260 = arith.index_cast %add3A_1259 : i32 to index
      %get3A_1261 = tpu.vector_load %arg8[%get3A_1260] {strides = array<i32>} : memref<6400xi32, #tpu.memory_space<vmem>>, vector<16xi32>,
      %get3A_1262 = vector.shape_cast %get3A_1261 : vector<16xi32> to vector<16xi32>
      %swap3A_1263 = arith.constant 16 : index
      %swap3A_1264 = tpu.vector_load %arg14[%swap3A_1263] {strides = array<i32>} : memref<128xi32, #tpu.memory_space<vmem>>, vector<16xi32>,
      %swap3A_1265 = vector.shape_cast %swap3A_1264 : vector<16xi32> to vector<16xi32>
      %swap3A_1266 = vector.shape_cast %get3A_1262 : vector<16xi32> to vector<16xi32>
      tpu.vector_store %arg14[%swap3A_1263], %swap3A_1266 {strides = array<i32>} : memref<128xi32, #tpu.memory_space<vmem>>, vector<16xi32>,
      %mul3A_1267 = arith.constant 128 : i32
      %mul3A_1268 = arith.muli %min3A_1222, %mul3A_1267 : i32
      %add3A_1269 = arith.constant 32 : i32
      %add3A_1270 = arith.addi %mul3A_1268, %add3A_1269 : i32
      %get3A_1271 = arith.index_cast %add3A_1270 : i32 to index
      %get3A_1272 = tpu.vector_load %arg7[%get3A_1271] {strides = array<i32>} : memref<6400xi32, #tpu.memory_space<vmem>>, vector<16xi32>,
      %get3A_1273 = vector.shape_cast %get3A_1272 : vector<16xi32> to vector<16xi32>
      %swap3A_1274 = arith.constant 32 : index
      %swap3A_1275 = tpu.vector_load %arg10[%swap3A_1274] {strides = array<i32>} : memref<128xi32, #tpu.memory_space<vmem>>, vector<16xi32>,
      %swap3A_1276 = vector.shape_cast %swap3A_1275 : vector<16xi32> to vector<16xi32>
      %swap3A_1277 = vector.shape_cast %get3A_1273 : vector<16xi32> to vector<16xi32>
      tpu.vector_store %arg10[%swap3A_1274], %swap3A_1277 {strides = array<i32>} : memref<128xi32, #tpu.memory_space<vmem>>, vector<16xi32>,
      %mul3A_1278 = arith.constant 128 : i32
      %mul3A_1279 = arith.muli %min3A_1222, %mul3A_1278 : i32
      %add3A_1280 = arith.constant 32 : i32
      %add3A_1281 = arith.addi %mul3A_1279, %add3A_1280 : i32
      %get3A_1282 = arith.index_cast %add3A_1281 : i32 to index
      %get3A_1283 = tpu.vector_load %arg8[%get3A_1282] {strides = array<i32>} : memref<6400xi32, #tpu.memory_space<vmem>>, vector<16xi32>,
      %get3A_1284 = vector.shape_cast %get3A_1283 : vector<16xi32> to vector<16xi32>
      %swap3A_1285 = arith.constant 32 : index
      %swap3A_1286 = tpu.vector_load %arg14[%swap3A_1285] {strides = array<i32>} : memref<128xi32, #tpu.memory_space<vmem>>, vector<16xi32>,
      %swap3A_1287 = vector.shape_cast %swap3A_1286 : vector<16xi32> to vector<16xi32>
      %swap3A_1288 = vector.shape_cast %get3A_1284 : vector<16xi32> to vector<16xi32>
      tpu.vector_store %arg14[%swap3A_1285], %swap3A_1288 {strides = array<i32>} : memref<128xi32, #tpu.memory_space<vmem>>, vector<16xi32>,
      %mul3A_1289 = arith.constant 128 : i32
      %mul3A_1290 = arith.muli %min3A_1222, %mul3A_1289 : i32
      %add3A_1291 = arith.constant 48 : i32
      %add3A_1292 = arith.addi %mul3A_1290, %add3A_1291 : i32
      %get3A_1293 = arith.index_cast %add3A_1292 : i32 to index
      %get3A_1294 = tpu.vector_load %arg7[%get3A_1293] {strides = array<i32>} : memref<6400xi32, #tpu.memory_space<vmem>>, vector<16xi32>,
      %get3A_1295 = vector.shape_cast %get3A_1294 : vector<16xi32> to vector<16xi32>
      %swap3A_1296 = arith.constant 48 : index
      %swap3A_1297 = tpu.vector_load %arg10[%swap3A_1296] {strides = array<i32>} : memref<128xi32, #tpu.memory_space<vmem>>, vector<16xi32>,
      %swap3A_1298 = vector.shape_cast %swap3A_1297 : vector<16xi32> to vector<16xi32>
      %swap3A_1299 = vector.shape_cast %get3A_1295 : vector<16xi32> to vector<16xi32>
      tpu.vector_store %arg10[%swap3A_1296], %swap3A_1299 {strides = array<i32>} : memref<128xi32, #tpu.memory_space<vmem>>, vector<16xi32>,
      %mul3A_1300 = arith.constant 128 : i32
      %mul3A_1301 = arith.muli %min3A_1222, %mul3A_1300 : i32
      %add3A_1302 = arith.constant 48 : i32
      %add3A_1303 = arith.addi %mul3A_1301, %add3A_1302 : i32
      %get3A_1304 = arith.index_cast %add3A_1303 : i32 to index
      %get3A_1305 = tpu.vector_load %arg8[%get3A_1304] {strides = array<i32>} : memref<6400xi32, #tpu.memory_space<vmem>>, vector<16xi32>,
      %get3A_1306 = vector.shape_cast %get3A_1305 : vector<16xi32> to vector<16xi32>
      %swap3A_1307 = arith.constant 48 : index
      %swap3A_1308 = tpu.vector_load %arg14[%swap3A_1307] {strides = array<i32>} : memref<128xi32, #tpu.memory_space<vmem>>, vector<16xi32>,
      %swap3A_1309 = vector.shape_cast %swap3A_1308 : vector<16xi32> to vector<16xi32>
      %swap3A_1310 = vector.shape_cast %get3A_1306 : vector<16xi32> to vector<16xi32>
      tpu.vector_store %arg14[%swap3A_1307], %swap3A_1310 {strides = array<i32>} : memref<128xi32, #tpu.memory_space<vmem>>, vector<16xi32>,
      %mul3A_1311 = arith.constant 128 : i32
      %mul3A_1312 = arith.muli %min3A_1222, %mul3A_1311 : i32
      %add3A_1313 = arith.constant 64 : i32
      %add3A_1314 = arith.addi %mul3A_1312, %add3A_1313 : i32
      %get3A_1315 = arith.index_cast %add3A_1314 : i32 to index
      %get3A_1316 = tpu.vector_load %arg7[%get3A_1315] {strides = array<i32>} : memref<6400xi32, #tpu.memory_space<vmem>>, vector<16xi32>,
      %get3A_1317 = vector.shape_cast %get3A_1316 : vector<16xi32> to vector<16xi32>
      %swap3A_1318 = arith.constant 64 : index
      %swap3A_1319 = tpu.vector_load %arg10[%swap3A_1318] {strides = array<i32>} : memref<128xi32, #tpu.memory_space<vmem>>, vector<16xi32>,
      %swap3A_1320 = vector.shape_cast %swap3A_1319 : vector<16xi32> to vector<16xi32>
      %swap3A_1321 = vector.shape_cast %get3A_1317 : vector<16xi32> to vector<16xi32>
      tpu.vector_store %arg10[%swap3A_1318], %swap3A_1321 {strides = array<i32>} : memref<128xi32, #tpu.memory_space<vmem>>, vector<16xi32>,
      %mul3A_1322 = arith.constant 128 : i32
      %mul3A_1323 = arith.muli %min3A_1222, %mul3A_1322 : i32
      %add3A_1324 = arith.constant 64 : i32
      %add3A_1325 = arith.addi %mul3A_1323, %add3A_1324 : i32
      %get3A_1326 = arith.index_cast %add3A_1325 : i32 to index
      %get3A_1327 = tpu.vector_load %arg8[%get3A_1326] {strides = array<i32>} : memref<6400xi32, #tpu.memory_space<vmem>>, vector<16xi32>,
      %get3A_1328 = vector.shape_cast %get3A_1327 : vector<16xi32> to vector<16xi32>
      %swap3A_1329 = arith.constant 64 : index
      %swap3A_1330 = tpu.vector_load %arg14[%swap3A_1329] {strides = array<i32>} : memref<128xi32, #tpu.memory_space<vmem>>, vector<16xi32>,
      %swap3A_1331 = vector.shape_cast %swap3A_1330 : vector<16xi32> to vector<16xi32>
      %swap3A_1332 = vector.shape_cast %get3A_1328 : vector<16xi32> to vector<16xi32>
      tpu.vector_store %arg14[%swap3A_1329], %swap3A_1332 {strides = array<i32>} : memref<128xi32, #tpu.memory_space<vmem>>, vector<16xi32>,
      %mul3A_1333 = arith.constant 128 : i32
      %mul3A_1334 = arith.muli %min3A_1222, %mul3A_1333 : i32
      %add3A_1335 = arith.constant 80 : i32
      %add3A_1336 = arith.addi %mul3A_1334, %add3A_1335 : i32
      %get3A_1337 = arith.index_cast %add3A_1336 : i32 to index
      %get3A_1338 = tpu.vector_load %arg7[%get3A_1337] {strides = array<i32>} : memref<6400xi32, #tpu.memory_space<vmem>>, vector<16xi32>,
      %get3A_1339 = vector.shape_cast %get3A_1338 : vector<16xi32> to vector<16xi32>
      %swap3A_1340 = arith.constant 80 : index
      %swap3A_1341 = tpu.vector_load %arg10[%swap3A_1340] {strides = array<i32>} : memref<128xi32, #tpu.memory_space<vmem>>, vector<16xi32>,
      %swap3A_1342 = vector.shape_cast %swap3A_1341 : vector<16xi32> to vector<16xi32>
      %swap3A_1343 = vector.shape_cast %get3A_1339 : vector<16xi32> to vector<16xi32>
      tpu.vector_store %arg10[%swap3A_1340], %swap3A_1343 {strides = array<i32>} : memref<128xi32, #tpu.memory_space<vmem>>, vector<16xi32>,
      %mul3A_1344 = arith.constant 128 : i32
      %mul3A_1345 = arith.muli %min3A_1222, %mul3A_1344 : i32
      %add3A_1346 = arith.constant 80 : i32
      %add3A_1347 = arith.addi %mul3A_1345, %add3A_1346 : i32
      %get3A_1348 = arith.index_cast %add3A_1347 : i32 to index
      %get3A_1349 = tpu.vector_load %arg8[%get3A_1348] {strides = array<i32>} : memref<6400xi32, #tpu.memory_space<vmem>>, vector<16xi32>,
      %get3A_1350 = vector.shape_cast %get3A_1349 : vector<16xi32> to vector<16xi32>
      %swap3A_1351 = arith.constant 80 : index
      %swap3A_1352 = tpu.vector_load %arg14[%swap3A_1351] {strides = array<i32>} : memref<128xi32, #tpu.memory_space<vmem>>, vector<16xi32>,
      %swap3A_1353 = vector.shape_cast %swap3A_1352 : vector<16xi32> to vector<16xi32>
      %swap3A_1354 = vector.shape_cast %get3A_1350 : vector<16xi32> to vector<16xi32>
      tpu.vector_store %arg14[%swap3A_1351], %swap3A_1354 {strides = array<i32>} : memref<128xi32, #tpu.memory_space<vmem>>, vector<16xi32>,
      %mul3A_1355 = arith.constant 128 : i32
      %mul3A_1356 = arith.muli %min3A_1222, %mul3A_1355 : i32
      %add3A_1357 = arith.constant 96 : i32
      %add3A_1358 = arith.addi %mul3A_1356, %add3A_1357 : i32
      %get3A_1359 = arith.index_cast %add3A_1358 : i32 to index
      %get3A_1360 = tpu.vector_load %arg7[%get3A_1359] {strides = array<i32>} : memref<6400xi32, #tpu.memory_space<vmem>>, vector<16xi32>,
      %get3A_1361 = vector.shape_cast %get3A_1360 : vector<16xi32> to vector<16xi32>
      %swap3A_1362 = arith.constant 96 : index
      %swap3A_1363 = tpu.vector_load %arg10[%swap3A_1362] {strides = array<i32>} : memref<128xi32, #tpu.memory_space<vmem>>, vector<16xi32>,
      %swap3A_1364 = vector.shape_cast %swap3A_1363 : vector<16xi32> to vector<16xi32>
      %swap3A_1365 = vector.shape_cast %get3A_1361 : vector<16xi32> to vector<16xi32>
      tpu.vector_store %arg10[%swap3A_1362], %swap3A_1365 {strides = array<i32>} : memref<128xi32, #tpu.memory_space<vmem>>, vector<16xi32>,
      %mul3A_1366 = arith.constant 128 : i32
      %mul3A_1367 = arith.muli %min3A_1222, %mul3A_1366 : i32
      %add3A_1368 = arith.constant 96 : i32
      %add3A_1369 = arith.addi %mul3A_1367, %add3A_1368 : i32
      %get3A_1370 = arith.index_cast %add3A_1369 : i32 to index
      %get3A_1371 = tpu.vector_load %arg8[%get3A_1370] {strides = array<i32>} : memref<6400xi32, #tpu.memory_space<vmem>>, vector<16xi32>,
      %get3A_1372 = vector.shape_cast %get3A_1371 : vector<16xi32> to vector<16xi32>
      %swap3A_1373 = arith.constant 96 : index
      %swap3A_1374 = tpu.vector_load %arg14[%swap3A_1373] {strides = array<i32>} : memref<128xi32, #tpu.memory_space<vmem>>, vector<16xi32>,
      %swap3A_1375 = vector.shape_cast %swap3A_1374 : vector<16xi32> to vector<16xi32>
      %swap3A_1376 = vector.shape_cast %get3A_1372 : vector<16xi32> to vector<16xi32>
      tpu.vector_store %arg14[%swap3A_1373], %swap3A_1376 {strides = array<i32>} : memref<128xi32, #tpu.memory_space<vmem>>, vector<16xi32>,
      %mul3A_1377 = arith.constant 128 : i32
      %mul3A_1378 = arith.muli %min3A_1222, %mul3A_1377 : i32
      %add3A_1379 = arith.constant 112 : i32
      %add3A_1380 = arith.addi %mul3A_1378, %add3A_1379 : i32
      %get3A_1381 = arith.index_cast %add3A_1380 : i32 to index
      %get3A_1382 = tpu.vector_load %arg7[%get3A_1381] {strides = array<i32>} : memref<6400xi32, #tpu.memory_space<vmem>>, vector<16xi32>,
      %get3A_1383 = vector.shape_cast %get3A_1382 : vector<16xi32> to vector<16xi32>
      %swap3A_1384 = arith.constant 112 : index
      %swap3A_1385 = tpu.vector_load %arg10[%swap3A_1384] {strides = array<i32>} : memref<128xi32, #tpu.memory_space<vmem>>, vector<16xi32>,
      %swap3A_1386 = vector.shape_cast %swap3A_1385 : vector<16xi32> to vector<16xi32>
      %swap3A_1387 = vector.shape_cast %get3A_1383 : vector<16xi32> to vector<16xi32>
      tpu.vector_store %arg10[%swap3A_1384], %swap3A_1387 {strides = array<i32>} : memref<128xi32, #tpu.memory_space<vmem>>, vector<16xi32>,
      %mul3A_1388 = arith.constant 128 : i32
      %mul3A_1389 = arith.muli %min3A_1222, %mul3A_1388 : i32
      %add3A_1390 = arith.constant 112 : i32
      %add3A_1391 = arith.addi %mul3A_1389, %add3A_1390 : i32
      %get3A_1392 = arith.index_cast %add3A_1391 : i32 to index
      %get3A_1393 = tpu.vector_load %arg8[%get3A_1392] {strides = array<i32>} : memref<6400xi32, #tpu.memory_space<vmem>>, vector<16xi32>,
      %get3A_1394 = vector.shape_cast %get3A_1393 : vector<16xi32> to vector<16xi32>
      %swap3A_1395 = arith.constant 112 : index
      %swap3A_1396 = tpu.vector_load %arg14[%swap3A_1395] {strides = array<i32>} : memref<128xi32, #tpu.memory_space<vmem>>, vector<16xi32>,
      %swap3A_1397 = vector.shape_cast %swap3A_1396 : vector<16xi32> to vector<16xi32>
      %swap3A_1398 = vector.shape_cast %get3A_1394 : vector<16xi32> to vector<16xi32>
      tpu.vector_store %arg14[%swap3A_1395], %swap3A_1398 {strides = array<i32>} : memref<128xi32, #tpu.memory_space<vmem>>, vector<16xi32>,
      %dma_wait3A_1399 = arith.constant 0 : i32
      %dma_wait3A_1400 = arith.constant 0 : i32
      %dma_wait3A_1401 = tpu.memref_slice %arg6[%mul3A_2, %dma_wait3A_1399, %dma_wait3A_1400] : memref<1600x128x64xf32, #tpu.memory_space<hbm>> -> memref<1x128x64xf32, #tpu.memory_space<hbm>>
      %dma_wait3A_1402 = tpu.memref_squeeze %dma_wait3A_1401 : memref<1x128x64xf32, #tpu.memory_space<hbm>> -> memref<128x64xf32, #tpu.memory_space<hbm>>
      %dma_wait3A_1403 = arith.constant 0 : i32
      %dma_wait3A_1404 = arith.constant 0 : i32
      %dma_wait3A_1405 = tpu.memref_slice %arg6[%mul3A_2, %dma_wait3A_1403, %dma_wait3A_1404] : memref<1600x128x64xf32, #tpu.memory_space<hbm>> -> memref<1x128x64xf32, #tpu.memory_space<hbm>>
      %dma_wait3A_1406 = tpu.memref_squeeze %dma_wait3A_1405 : memref<1x128x64xf32, #tpu.memory_space<hbm>> -> memref<128x64xf32, #tpu.memory_space<hbm>>
      tpu.wait_dma2 semaphore(%arg30 : memref<!tpu.dma_semaphore, #tpu.memory_space<semaphore_mem>>) src(%arg18 : memref<128x64xf32, #tpu.memory_space<vmem>>) dst(%dma_wait3A_1406 : memref<128x64xf32, #tpu.memory_space<hbm>>)
      %dma_start3A_1407 = arith.constant 0 : i32
      %dma_start3A_1408 = arith.constant 0 : i32
      %dma_start3A_1409 = tpu.memref_slice %arg4[%dma_start3A_1407, %dma_start3A_1408] : memref<1000x64xf32, #tpu.memory_space<hbm>> -> memref<1000x64xf32, #tpu.memory_space<hbm>>
      tpu.enqueue_indirect_dma source(%dma_start3A_1409 : memref<1000x64xf32, #tpu.memory_space<hbm>>) target(%arg18 : memref<128x64xf32, #tpu.memory_space<vmem>>) offsets(%arg10 : memref<128xi32, #tpu.memory_space<vmem>>) semaphore(%arg22 : memref<!tpu.dma_semaphore, #tpu.memory_space<semaphore_mem>>)
      %dma_wait3A_1410 = arith.constant 0 : i32
      %dma_wait3A_1411 = arith.constant 0 : i32
      %dma_wait3A_1412 = tpu.memref_slice %arg4[%dma_wait3A_1410, %dma_wait3A_1411] : memref<1000x64xf32, #tpu.memory_space<hbm>> -> memref<1000x64xf32, #tpu.memory_space<hbm>>
      tpu.wait_indirect_dma semaphore(%arg21 : memref<!tpu.dma_semaphore, #tpu.memory_space<semaphore_mem>>) src(%dma_wait3A_1412 : memref<1000x64xf32, #tpu.memory_space<hbm>>) dst(%arg17 : memref<128x64xf32, #tpu.memory_space<vmem>>)
      %dma_start3A_1413 = arith.constant 0 : i32
      %dma_start3A_1414 = arith.constant 0 : i32
      %dma_start3A_1415 = tpu.memref_slice %arg5[%dma_start3A_1413, %dma_start3A_1414] : memref<1000x64xf32, #tpu.memory_space<hbm>> -> memref<1000x64xf32, #tpu.memory_space<hbm>>
      tpu.enqueue_indirect_dma source(%dma_start3A_1415 : memref<1000x64xf32, #tpu.memory_space<hbm>>) target(%arg17 : memref<128x64xf32, #tpu.memory_space<vmem>>) offsets(%arg13 : memref<128xi32, #tpu.memory_space<vmem>>) semaphore(%arg25 : memref<!tpu.dma_semaphore, #tpu.memory_space<semaphore_mem>>) {add = true}
      %dma_wait3A_1416 = arith.constant 0 : i32
      %dma_wait3A_1417 = arith.constant 0 : i32
      %dma_wait3A_1418 = tpu.memref_slice %arg5[%dma_wait3A_1416, %dma_wait3A_1417] : memref<1000x64xf32, #tpu.memory_space<hbm>> -> memref<1000x64xf32, #tpu.memory_space<hbm>>
      tpu.wait_indirect_dma semaphore(%arg28 : memref<!tpu.dma_semaphore, #tpu.memory_space<semaphore_mem>>) src(%dma_wait3A_1418 : memref<1000x64xf32, #tpu.memory_space<hbm>>) dst(%arg20 : memref<128x64xf32, #tpu.memory_space<vmem>>)
      %add3A_1419 = arith.addi %mul3A_2, %add3A_1218 : i32
      %jit3A_1420 = arith.constant 64 : i32
      %div3A_1421 = arith.divsi %add3A_1419, %jit3A_1420 : i32
      %sign3A_1422 = arith.constant 0 : i32
      %sign3A_1423 = arith.cmpi sgt, %add3A_1419, %sign3A_1422 : i32
      %sign3A_1424 = arith.extui %sign3A_1423 : i1 to i32
      %sign3A_1425 = arith.constant 0 : i32
      %sign3A_1426 = arith.cmpi slt, %add3A_1419, %sign3A_1425 : i32
      %sign3A_1427 = arith.extui %sign3A_1426 : i1 to i32
      %sign3A_1428 = arith.subi %sign3A_1424, %sign3A_1427 : i32
      %sign3A_1429 = arith.constant 0 : i32
      %sign3A_1430 = arith.cmpi sgt, %jit3A_1420, %sign3A_1429 : i32
      %sign3A_1431 = arith.extui %sign3A_1430 : i1 to i32
      %sign3A_1432 = arith.constant 0 : i32
      %sign3A_1433 = arith.cmpi slt, %jit3A_1420, %sign3A_1432 : i32
      %sign3A_1434 = arith.extui %sign3A_1433 : i1 to i32
      %sign3A_1435 = arith.subi %sign3A_1431, %sign3A_1434 : i32
      %ne3A_1436 = arith.cmpi ne, %sign3A_1428, %sign3A_1435 : i32
      %rem3A_1437 = arith.remsi %add3A_1419, %jit3A_1420 : i32
      %ne3A_1438 = arith.constant 0 : i32
      %ne3A_1439 = arith.cmpi ne, %rem3A_1437, %ne3A_1438 : i32
      %and3A_1440 = arith.andi %ne3A_1436, %ne3A_1439 : i1
      %sub3A_1441 = arith.constant 1 : i32
      %sub3A_1442 = arith.subi %div3A_1421, %sub3A_1441 : i32
      %select_n3A_1443 = arith.select %and3A_1440, %sub3A_1442, %div3A_1421 : i32
      %mul3A_1444 = arith.constant 64 : i32
      %mul3A_1445 = arith.muli %select_n3A_1443, %mul3A_1444 : i32
      %sub3A_1446 = arith.subi %add3A_1419, %mul3A_1445 : i32
      %jit3A_1447 = arith.constant 8 : i32
      %div3A_1448 = arith.divsi %sub3A_1446, %jit3A_1447 : i32
      %sign3A_1449 = arith.constant 0 : i32
      %sign3A_1450 = arith.cmpi sgt, %sub3A_1446, %sign3A_1449 : i32
      %sign3A_1451 = arith.extui %sign3A_1450 : i1 to i32
      %sign3A_1452 = arith.constant 0 : i32
      %sign3A_1453 = arith.cmpi slt, %sub3A_1446, %sign3A_1452 : i32
      %sign3A_1454 = arith.extui %sign3A_1453 : i1 to i32
      %sign3A_1455 = arith.subi %sign3A_1451, %sign3A_1454 : i32
      %sign3A_1456 = arith.constant 0 : i32
      %sign3A_1457 = arith.cmpi sgt, %jit3A_1447, %sign3A_1456 : i32
      %sign3A_1458 = arith.extui %sign3A_1457 : i1 to i32
      %sign3A_1459 = arith.constant 0 : i32
      %sign3A_1460 = arith.cmpi slt, %jit3A_1447, %sign3A_1459 : i32
      %sign3A_1461 = arith.extui %sign3A_1460 : i1 to i32
      %sign3A_1462 = arith.subi %sign3A_1458, %sign3A_1461 : i32
      %ne3A_1463 = arith.cmpi ne, %sign3A_1455, %sign3A_1462 : i32
      %rem3A_1464 = arith.remsi %sub3A_1446, %jit3A_1447 : i32
      %ne3A_1465 = arith.constant 0 : i32
      %ne3A_1466 = arith.cmpi ne, %rem3A_1464, %ne3A_1465 : i32
      %and3A_1467 = arith.andi %ne3A_1463, %ne3A_1466 : i1
      %sub3A_1468 = arith.constant 1 : i32
      %sub3A_1469 = arith.subi %div3A_1448, %sub3A_1468 : i32
      %select_n3A_1470 = arith.select %and3A_1467, %sub3A_1469, %div3A_1448 : i32
      %mul3A_1471 = arith.constant 8 : i32
      %mul3A_1472 = arith.muli %select_n3A_1470, %mul3A_1471 : i32
      %sub3A_1473 = arith.subi %sub3A_1446, %mul3A_1472 : i32
      %mul3A_1474 = arith.constant 8 : i32
      %mul3A_1475 = arith.muli %select_n3A_1443, %mul3A_1474 : i32
      %add3A_1476 = arith.addi %mul3A_1475, %sub3A_1473 : i32
      %mul3A_1477 = arith.constant 8 : i32
      %mul3A_1478 = arith.muli %add3A_1476, %mul3A_1477 : i32
      %add3A_1479 = arith.addi %mul3A_1478, %select_n3A_1470 : i32
      %dma_start3A_1480 = arith.constant 0 : i32
      %dma_start3A_1481 = arith.constant 0 : i32
      %dma_start3A_1482 = tpu.memref_slice %arg6[%add3A_1479, %dma_start3A_1480, %dma_start3A_1481] : memref<1600x128x64xf32, #tpu.memory_space<hbm>> -> memref<1x128x64xf32, #tpu.memory_space<hbm>>
      %dma_start3A_1483 = tpu.memref_squeeze %dma_start3A_1482 : memref<1x128x64xf32, #tpu.memory_space<hbm>> -> memref<128x64xf32, #tpu.memory_space<hbm>>
      %dma_start3A_1484 = arith.constant 0 : i32
      %dma_start3A_1485 = arith.constant 0 : i32
      %dma_start3A_1486 = tpu.memref_slice %arg6[%add3A_1479, %dma_start3A_1484, %dma_start3A_1485] : memref<1600x128x64xf32, #tpu.memory_space<hbm>> -> memref<1x128x64xf32, #tpu.memory_space<hbm>>
      %dma_start3A_1487 = tpu.memref_squeeze %dma_start3A_1486 : memref<1x128x64xf32, #tpu.memory_space<hbm>> -> memref<128x64xf32, #tpu.memory_space<hbm>>
      tpu.enqueue_dma source(%arg20 : memref<128x64xf32, #tpu.memory_space<vmem>>) target(%dma_start3A_1487 : memref<128x64xf32, #tpu.memory_space<hbm>>) target_semaphore(%arg32 : memref<!tpu.dma_semaphore, #tpu.memory_space<semaphore_mem>>)
      %add3A_1488 = arith.constant 2 : i32
      %add3A_1489 = arith.addi %add3A_947, %add3A_1488 : i32
      %add3A_1490 = arith.constant 2 : i32
      %add3A_1491 = arith.addi %add3A_1489, %add3A_1490 : i32
      %min3A_1492 = arith.constant 49 : i32
      %min3A_1493 = arith.minsi %add3A_1491, %min3A_1492 : i32
      %mul3A_1494 = arith.constant 128 : i32
      %mul3A_1495 = arith.muli %min3A_1493, %mul3A_1494 : i32
      %add3A_1496 = arith.constant 0 : i32
      %add3A_1497 = arith.addi %mul3A_1495, %add3A_1496 : i32
      %get3A_1498 = arith.index_cast %add3A_1497 : i32 to index
      %get3A_1499 = tpu.vector_load %arg7[%get3A_1498] {strides = array<i32>} : memref<6400xi32, #tpu.memory_space<vmem>>, vector<16xi32>,
      %get3A_1500 = vector.shape_cast %get3A_1499 : vector<16xi32> to vector<16xi32>
      %swap3A_1501 = arith.constant 0 : index
      %swap3A_1502 = tpu.vector_load %arg11[%swap3A_1501] {strides = array<i32>} : memref<128xi32, #tpu.memory_space<vmem>>, vector<16xi32>,
      %swap3A_1503 = vector.shape_cast %swap3A_1502 : vector<16xi32> to vector<16xi32>
      %swap3A_1504 = vector.shape_cast %get3A_1500 : vector<16xi32> to vector<16xi32>
      tpu.vector_store %arg11[%swap3A_1501], %swap3A_1504 {strides = array<i32>} : memref<128xi32, #tpu.memory_space<vmem>>, vector<16xi32>,
      %mul3A_1505 = arith.constant 128 : i32
      %mul3A_1506 = arith.muli %min3A_1493, %mul3A_1505 : i32
      %add3A_1507 = arith.constant 0 : i32
      %add3A_1508 = arith.addi %mul3A_1506, %add3A_1507 : i32
      %get3A_1509 = arith.index_cast %add3A_1508 : i32 to index
      %get3A_1510 = tpu.vector_load %arg8[%get3A_1509] {strides = array<i32>} : memref<6400xi32, #tpu.memory_space<vmem>>, vector<16xi32>,
      %get3A_1511 = vector.shape_cast %get3A_1510 : vector<16xi32> to vector<16xi32>
      %swap3A_1512 = arith.constant 0 : index
      %swap3A_1513 = tpu.vector_load %arg15[%swap3A_1512] {strides = array<i32>} : memref<128xi32, #tpu.memory_space<vmem>>, vector<16xi32>,
      %swap3A_1514 = vector.shape_cast %swap3A_1513 : vector<16xi32> to vector<16xi32>
      %swap3A_1515 = vector.shape_cast %get3A_1511 : vector<16xi32> to vector<16xi32>
      tpu.vector_store %arg15[%swap3A_1512], %swap3A_1515 {strides = array<i32>} : memref<128xi32, #tpu.memory_space<vmem>>, vector<16xi32>,
      %mul3A_1516 = arith.constant 128 : i32
      %mul3A_1517 = arith.muli %min3A_1493, %mul3A_1516 : i32
      %add3A_1518 = arith.constant 16 : i32
      %add3A_1519 = arith.addi %mul3A_1517, %add3A_1518 : i32
      %get3A_1520 = arith.index_cast %add3A_1519 : i32 to index
      %get3A_1521 = tpu.vector_load %arg7[%get3A_1520] {strides = array<i32>} : memref<6400xi32, #tpu.memory_space<vmem>>, vector<16xi32>,
      %get3A_1522 = vector.shape_cast %get3A_1521 : vector<16xi32> to vector<16xi32>
      %swap3A_1523 = arith.constant 16 : index
      %swap3A_1524 = tpu.vector_load %arg11[%swap3A_1523] {strides = array<i32>} : memref<128xi32, #tpu.memory_space<vmem>>, vector<16xi32>,
      %swap3A_1525 = vector.shape_cast %swap3A_1524 : vector<16xi32> to vector<16xi32>
      %swap3A_1526 = vector.shape_cast %get3A_1522 : vector<16xi32> to vector<16xi32>
      tpu.vector_store %arg11[%swap3A_1523], %swap3A_1526 {strides = array<i32>} : memref<128xi32, #tpu.memory_space<vmem>>, vector<16xi32>,
      %mul3A_1527 = arith.constant 128 : i32
      %mul3A_1528 = arith.muli %min3A_1493, %mul3A_1527 : i32
      %add3A_1529 = arith.constant 16 : i32
      %add3A_1530 = arith.addi %mul3A_1528, %add3A_1529 : i32
      %get3A_1531 = arith.index_cast %add3A_1530 : i32 to index
      %get3A_1532 = tpu.vector_load %arg8[%get3A_1531] {strides = array<i32>} : memref<6400xi32, #tpu.memory_space<vmem>>, vector<16xi32>,
      %get3A_1533 = vector.shape_cast %get3A_1532 : vector<16xi32> to vector<16xi32>
      %swap3A_1534 = arith.constant 16 : index
      %swap3A_1535 = tpu.vector_load %arg15[%swap3A_1534] {strides = array<i32>} : memref<128xi32, #tpu.memory_space<vmem>>, vector<16xi32>,
      %swap3A_1536 = vector.shape_cast %swap3A_1535 : vector<16xi32> to vector<16xi32>
      %swap3A_1537 = vector.shape_cast %get3A_1533 : vector<16xi32> to vector<16xi32>
      tpu.vector_store %arg15[%swap3A_1534], %swap3A_1537 {strides = array<i32>} : memref<128xi32, #tpu.memory_space<vmem>>, vector<16xi32>,
      %mul3A_1538 = arith.constant 128 : i32
      %mul3A_1539 = arith.muli %min3A_1493, %mul3A_1538 : i32
      %add3A_1540 = arith.constant 32 : i32
      %add3A_1541 = arith.addi %mul3A_1539, %add3A_1540 : i32
      %get3A_1542 = arith.index_cast %add3A_1541 : i32 to index
      %get3A_1543 = tpu.vector_load %arg7[%get3A_1542] {strides = array<i32>} : memref<6400xi32, #tpu.memory_space<vmem>>, vector<16xi32>,
      %get3A_1544 = vector.shape_cast %get3A_1543 : vector<16xi32> to vector<16xi32>
      %swap3A_1545 = arith.constant 32 : index
      %swap3A_1546 = tpu.vector_load %arg11[%swap3A_1545] {strides = array<i32>} : memref<128xi32, #tpu.memory_space<vmem>>, vector<16xi32>,
      %swap3A_1547 = vector.shape_cast %swap3A_1546 : vector<16xi32> to vector<16xi32>
      %swap3A_1548 = vector.shape_cast %get3A_1544 : vector<16xi32> to vector<16xi32>
      tpu.vector_store %arg11[%swap3A_1545], %swap3A_1548 {strides = array<i32>} : memref<128xi32, #tpu.memory_space<vmem>>, vector<16xi32>,
      %mul3A_1549 = arith.constant 128 : i32
      %mul3A_1550 = arith.muli %min3A_1493, %mul3A_1549 : i32
      %add3A_1551 = arith.constant 32 : i32
      %add3A_1552 = arith.addi %mul3A_1550, %add3A_1551 : i32
      %get3A_1553 = arith.index_cast %add3A_1552 : i32 to index
      %get3A_1554 = tpu.vector_load %arg8[%get3A_1553] {strides = array<i32>} : memref<6400xi32, #tpu.memory_space<vmem>>, vector<16xi32>,
      %get3A_1555 = vector.shape_cast %get3A_1554 : vector<16xi32> to vector<16xi32>
      %swap3A_1556 = arith.constant 32 : index
      %swap3A_1557 = tpu.vector_load %arg15[%swap3A_1556] {strides = array<i32>} : memref<128xi32, #tpu.memory_space<vmem>>, vector<16xi32>,
      %swap3A_1558 = vector.shape_cast %swap3A_1557 : vector<16xi32> to vector<16xi32>
      %swap3A_1559 = vector.shape_cast %get3A_1555 : vector<16xi32> to vector<16xi32>
      tpu.vector_store %arg15[%swap3A_1556], %swap3A_1559 {strides = array<i32>} : memref<128xi32, #tpu.memory_space<vmem>>, vector<16xi32>,
      %mul3A_1560 = arith.constant 128 : i32
      %mul3A_1561 = arith.muli %min3A_1493, %mul3A_1560 : i32
      %add3A_1562 = arith.constant 48 : i32
      %add3A_1563 = arith.addi %mul3A_1561, %add3A_1562 : i32
      %get3A_1564 = arith.index_cast %add3A_1563 : i32 to index
      %get3A_1565 = tpu.vector_load %arg7[%get3A_1564] {strides = array<i32>} : memref<6400xi32, #tpu.memory_space<vmem>>, vector<16xi32>,
      %get3A_1566 = vector.shape_cast %get3A_1565 : vector<16xi32> to vector<16xi32>
      %swap3A_1567 = arith.constant 48 : index
      %swap3A_1568 = tpu.vector_load %arg11[%swap3A_1567] {strides = array<i32>} : memref<128xi32, #tpu.memory_space<vmem>>, vector<16xi32>,
      %swap3A_1569 = vector.shape_cast %swap3A_1568 : vector<16xi32> to vector<16xi32>
      %swap3A_1570 = vector.shape_cast %get3A_1566 : vector<16xi32> to vector<16xi32>
      tpu.vector_store %arg11[%swap3A_1567], %swap3A_1570 {strides = array<i32>} : memref<128xi32, #tpu.memory_space<vmem>>, vector<16xi32>,
      %mul3A_1571 = arith.constant 128 : i32
      %mul3A_1572 = arith.muli %min3A_1493, %mul3A_1571 : i32
      %add3A_1573 = arith.constant 48 : i32
      %add3A_1574 = arith.addi %mul3A_1572, %add3A_1573 : i32
      %get3A_1575 = arith.index_cast %add3A_1574 : i32 to index
      %get3A_1576 = tpu.vector_load %arg8[%get3A_1575] {strides = array<i32>} : memref<6400xi32, #tpu.memory_space<vmem>>, vector<16xi32>,
      %get3A_1577 = vector.shape_cast %get3A_1576 : vector<16xi32> to vector<16xi32>
      %swap3A_1578 = arith.constant 48 : index
      %swap3A_1579 = tpu.vector_load %arg15[%swap3A_1578] {strides = array<i32>} : memref<128xi32, #tpu.memory_space<vmem>>, vector<16xi32>,
      %swap3A_1580 = vector.shape_cast %swap3A_1579 : vector<16xi32> to vector<16xi32>
      %swap3A_1581 = vector.shape_cast %get3A_1577 : vector<16xi32> to vector<16xi32>
      tpu.vector_store %arg15[%swap3A_1578], %swap3A_1581 {strides = array<i32>} : memref<128xi32, #tpu.memory_space<vmem>>, vector<16xi32>,
      %mul3A_1582 = arith.constant 128 : i32
      %mul3A_1583 = arith.muli %min3A_1493, %mul3A_1582 : i32
      %add3A_1584 = arith.constant 64 : i32
      %add3A_1585 = arith.addi %mul3A_1583, %add3A_1584 : i32
      %get3A_1586 = arith.index_cast %add3A_1585 : i32 to index
      %get3A_1587 = tpu.vector_load %arg7[%get3A_1586] {strides = array<i32>} : memref<6400xi32, #tpu.memory_space<vmem>>, vector<16xi32>,
      %get3A_1588 = vector.shape_cast %get3A_1587 : vector<16xi32> to vector<16xi32>
      %swap3A_1589 = arith.constant 64 : index
      %swap3A_1590 = tpu.vector_load %arg11[%swap3A_1589] {strides = array<i32>} : memref<128xi32, #tpu.memory_space<vmem>>, vector<16xi32>,
      %swap3A_1591 = vector.shape_cast %swap3A_1590 : vector<16xi32> to vector<16xi32>
      %swap3A_1592 = vector.shape_cast %get3A_1588 : vector<16xi32> to vector<16xi32>
      tpu.vector_store %arg11[%swap3A_1589], %swap3A_1592 {strides = array<i32>} : memref<128xi32, #tpu.memory_space<vmem>>, vector<16xi32>,
      %mul3A_1593 = arith.constant 128 : i32
      %mul3A_1594 = arith.muli %min3A_1493, %mul3A_1593 : i32
      %add3A_1595 = arith.constant 64 : i32
      %add3A_1596 = arith.addi %mul3A_1594, %add3A_1595 : i32
      %get3A_1597 = arith.index_cast %add3A_1596 : i32 to index
      %get3A_1598 = tpu.vector_load %arg8[%get3A_1597] {strides = array<i32>} : memref<6400xi32, #tpu.memory_space<vmem>>, vector<16xi32>,
      %get3A_1599 = vector.shape_cast %get3A_1598 : vector<16xi32> to vector<16xi32>
      %swap3A_1600 = arith.constant 64 : index
      %swap3A_1601 = tpu.vector_load %arg15[%swap3A_1600] {strides = array<i32>} : memref<128xi32, #tpu.memory_space<vmem>>, vector<16xi32>,
      %swap3A_1602 = vector.shape_cast %swap3A_1601 : vector<16xi32> to vector<16xi32>
      %swap3A_1603 = vector.shape_cast %get3A_1599 : vector<16xi32> to vector<16xi32>
      tpu.vector_store %arg15[%swap3A_1600], %swap3A_1603 {strides = array<i32>} : memref<128xi32, #tpu.memory_space<vmem>>, vector<16xi32>,
      %mul3A_1604 = arith.constant 128 : i32
      %mul3A_1605 = arith.muli %min3A_1493, %mul3A_1604 : i32
      %add3A_1606 = arith.constant 80 : i32
      %add3A_1607 = arith.addi %mul3A_1605, %add3A_1606 : i32
      %get3A_1608 = arith.index_cast %add3A_1607 : i32 to index
      %get3A_1609 = tpu.vector_load %arg7[%get3A_1608] {strides = array<i32>} : memref<6400xi32, #tpu.memory_space<vmem>>, vector<16xi32>,
      %get3A_1610 = vector.shape_cast %get3A_1609 : vector<16xi32> to vector<16xi32>
      %swap3A_1611 = arith.constant 80 : index
      %swap3A_1612 = tpu.vector_load %arg11[%swap3A_1611] {strides = array<i32>} : memref<128xi32, #tpu.memory_space<vmem>>, vector<16xi32>,
      %swap3A_1613 = vector.shape_cast %swap3A_1612 : vector<16xi32> to vector<16xi32>
      %swap3A_1614 = vector.shape_cast %get3A_1610 : vector<16xi32> to vector<16xi32>
      tpu.vector_store %arg11[%swap3A_1611], %swap3A_1614 {strides = array<i32>} : memref<128xi32, #tpu.memory_space<vmem>>, vector<16xi32>,
      %mul3A_1615 = arith.constant 128 : i32
      %mul3A_1616 = arith.muli %min3A_1493, %mul3A_1615 : i32
      %add3A_1617 = arith.constant 80 : i32
      %add3A_1618 = arith.addi %mul3A_1616, %add3A_1617 : i32
      %get3A_1619 = arith.index_cast %add3A_1618 : i32 to index
      %get3A_1620 = tpu.vector_load %arg8[%get3A_1619] {strides = array<i32>} : memref<6400xi32, #tpu.memory_space<vmem>>, vector<16xi32>,
      %get3A_1621 = vector.shape_cast %get3A_1620 : vector<16xi32> to vector<16xi32>
      %swap3A_1622 = arith.constant 80 : index
      %swap3A_1623 = tpu.vector_load %arg15[%swap3A_1622] {strides = array<i32>} : memref<128xi32, #tpu.memory_space<vmem>>, vector<16xi32>,
      %swap3A_1624 = vector.shape_cast %swap3A_1623 : vector<16xi32> to vector<16xi32>
      %swap3A_1625 = vector.shape_cast %get3A_1621 : vector<16xi32> to vector<16xi32>
      tpu.vector_store %arg15[%swap3A_1622], %swap3A_1625 {strides = array<i32>} : memref<128xi32, #tpu.memory_space<vmem>>, vector<16xi32>,
      %mul3A_1626 = arith.constant 128 : i32
      %mul3A_1627 = arith.muli %min3A_1493, %mul3A_1626 : i32
      %add3A_1628 = arith.constant 96 : i32
      %add3A_1629 = arith.addi %mul3A_1627, %add3A_1628 : i32
      %get3A_1630 = arith.index_cast %add3A_1629 : i32 to index
      %get3A_1631 = tpu.vector_load %arg7[%get3A_1630] {strides = array<i32>} : memref<6400xi32, #tpu.memory_space<vmem>>, vector<16xi32>,
      %get3A_1632 = vector.shape_cast %get3A_1631 : vector<16xi32> to vector<16xi32>
      %swap3A_1633 = arith.constant 96 : index
      %swap3A_1634 = tpu.vector_load %arg11[%swap3A_1633] {strides = array<i32>} : memref<128xi32, #tpu.memory_space<vmem>>, vector<16xi32>,
      %swap3A_1635 = vector.shape_cast %swap3A_1634 : vector<16xi32> to vector<16xi32>
      %swap3A_1636 = vector.shape_cast %get3A_1632 : vector<16xi32> to vector<16xi32>
      tpu.vector_store %arg11[%swap3A_1633], %swap3A_1636 {strides = array<i32>} : memref<128xi32, #tpu.memory_space<vmem>>, vector<16xi32>,
      %mul3A_1637 = arith.constant 128 : i32
      %mul3A_1638 = arith.muli %min3A_1493, %mul3A_1637 : i32
      %add3A_1639 = arith.constant 96 : i32
      %add3A_1640 = arith.addi %mul3A_1638, %add3A_1639 : i32
      %get3A_1641 = arith.index_cast %add3A_1640 : i32 to index
      %get3A_1642 = tpu.vector_load %arg8[%get3A_1641] {strides = array<i32>} : memref<6400xi32, #tpu.memory_space<vmem>>, vector<16xi32>,
      %get3A_1643 = vector.shape_cast %get3A_1642 : vector<16xi32> to vector<16xi32>
      %swap3A_1644 = arith.constant 96 : index
      %swap3A_1645 = tpu.vector_load %arg15[%swap3A_1644] {strides = array<i32>} : memref<128xi32, #tpu.memory_space<vmem>>, vector<16xi32>,
      %swap3A_1646 = vector.shape_cast %swap3A_1645 : vector<16xi32> to vector<16xi32>
      %swap3A_1647 = vector.shape_cast %get3A_1643 : vector<16xi32> to vector<16xi32>
      tpu.vector_store %arg15[%swap3A_1644], %swap3A_1647 {strides = array<i32>} : memref<128xi32, #tpu.memory_space<vmem>>, vector<16xi32>,
      %mul3A_1648 = arith.constant 128 : i32
      %mul3A_1649 = arith.muli %min3A_1493, %mul3A_1648 : i32
      %add3A_1650 = arith.constant 112 : i32
      %add3A_1651 = arith.addi %mul3A_1649, %add3A_1650 : i32
      %get3A_1652 = arith.index_cast %add3A_1651 : i32 to index
      %get3A_1653 = tpu.vector_load %arg7[%get3A_1652] {strides = array<i32>} : memref<6400xi32, #tpu.memory_space<vmem>>, vector<16xi32>,
      %get3A_1654 = vector.shape_cast %get3A_1653 : vector<16xi32> to vector<16xi32>
      %swap3A_1655 = arith.constant 112 : index
      %swap3A_1656 = tpu.vector_load %arg11[%swap3A_1655] {strides = array<i32>} : memref<128xi32, #tpu.memory_space<vmem>>, vector<16xi32>,
      %swap3A_1657 = vector.shape_cast %swap3A_1656 : vector<16xi32> to vector<16xi32>
      %swap3A_1658 = vector.shape_cast %get3A_1654 : vector<16xi32> to vector<16xi32>
      tpu.vector_store %arg11[%swap3A_1655], %swap3A_1658 {strides = array<i32>} : memref<128xi32, #tpu.memory_space<vmem>>, vector<16xi32>,
      %mul3A_1659 = arith.constant 128 : i32
      %mul3A_1660 = arith.muli %min3A_1493, %mul3A_1659 : i32
      %add3A_1661 = arith.constant 112 : i32
      %add3A_1662 = arith.addi %mul3A_1660, %add3A_1661 : i32
      %get3A_1663 = arith.index_cast %add3A_1662 : i32 to index
      %get3A_1664 = tpu.vector_load %arg8[%get3A_1663] {strides = array<i32>} : memref<6400xi32, #tpu.memory_space<vmem>>, vector<16xi32>,
      %get3A_1665 = vector.shape_cast %get3A_1664 : vector<16xi32> to vector<16xi32>
      %swap3A_1666 = arith.constant 112 : index
      %swap3A_1667 = tpu.vector_load %arg15[%swap3A_1666] {strides = array<i32>} : memref<128xi32, #tpu.memory_space<vmem>>, vector<16xi32>,
      %swap3A_1668 = vector.shape_cast %swap3A_1667 : vector<16xi32> to vector<16xi32>
      %swap3A_1669 = vector.shape_cast %get3A_1665 : vector<16xi32> to vector<16xi32>
      tpu.vector_store %arg15[%swap3A_1666], %swap3A_1669 {strides = array<i32>} : memref<128xi32, #tpu.memory_space<vmem>>, vector<16xi32>,
      %dma_wait3A_1670 = arith.constant 0 : i32
      %dma_wait3A_1671 = arith.constant 0 : i32
      %dma_wait3A_1672 = tpu.memref_slice %arg6[%mul3A_2, %dma_wait3A_1670, %dma_wait3A_1671] : memref<1600x128x64xf32, #tpu.memory_space<hbm>> -> memref<1x128x64xf32, #tpu.memory_space<hbm>>
      %dma_wait3A_1673 = tpu.memref_squeeze %dma_wait3A_1672 : memref<1x128x64xf32, #tpu.memory_space<hbm>> -> memref<128x64xf32, #tpu.memory_space<hbm>>
      %dma_wait3A_1674 = arith.constant 0 : i32
      %dma_wait3A_1675 = arith.constant 0 : i32
      %dma_wait3A_1676 = tpu.memref_slice %arg6[%mul3A_2, %dma_wait3A_1674, %dma_wait3A_1675] : memref<1600x128x64xf32, #tpu.memory_space<hbm>> -> memref<1x128x64xf32, #tpu.memory_space<hbm>>
      %dma_wait3A_1677 = tpu.memref_squeeze %dma_wait3A_1676 : memref<1x128x64xf32, #tpu.memory_space<hbm>> -> memref<128x64xf32, #tpu.memory_space<hbm>>
      tpu.wait_dma2 semaphore(%arg31 : memref<!tpu.dma_semaphore, #tpu.memory_space<semaphore_mem>>) src(%arg19 : memref<128x64xf32, #tpu.memory_space<vmem>>) dst(%dma_wait3A_1677 : memref<128x64xf32, #tpu.memory_space<hbm>>)
      %dma_start3A_1678 = arith.constant 0 : i32
      %dma_start3A_1679 = arith.constant 0 : i32
      %dma_start3A_1680 = tpu.memref_slice %arg4[%dma_start3A_1678, %dma_start3A_1679] : memref<1000x64xf32, #tpu.memory_space<hbm>> -> memref<1000x64xf32, #tpu.memory_space<hbm>>
      tpu.enqueue_indirect_dma source(%dma_start3A_1680 : memref<1000x64xf32, #tpu.memory_space<hbm>>) target(%arg19 : memref<128x64xf32, #tpu.memory_space<vmem>>) offsets(%arg11 : memref<128xi32, #tpu.memory_space<vmem>>) semaphore(%arg23 : memref<!tpu.dma_semaphore, #tpu.memory_space<semaphore_mem>>)
      %dma_wait3A_1681 = arith.constant 0 : i32
      %dma_wait3A_1682 = arith.constant 0 : i32
      %dma_wait3A_1683 = tpu.memref_slice %arg4[%dma_wait3A_1681, %dma_wait3A_1682] : memref<1000x64xf32, #tpu.memory_space<hbm>> -> memref<1000x64xf32, #tpu.memory_space<hbm>>
      tpu.wait_indirect_dma semaphore(%arg22 : memref<!tpu.dma_semaphore, #tpu.memory_space<semaphore_mem>>) src(%dma_wait3A_1683 : memref<1000x64xf32, #tpu.memory_space<hbm>>) dst(%arg18 : memref<128x64xf32, #tpu.memory_space<vmem>>)
      %dma_start3A_1684 = arith.constant 0 : i32
      %dma_start3A_1685 = arith.constant 0 : i32
      %dma_start3A_1686 = tpu.memref_slice %arg5[%dma_start3A_1684, %dma_start3A_1685] : memref<1000x64xf32, #tpu.memory_space<hbm>> -> memref<1000x64xf32, #tpu.memory_space<hbm>>
      tpu.enqueue_indirect_dma source(%dma_start3A_1686 : memref<1000x64xf32, #tpu.memory_space<hbm>>) target(%arg18 : memref<128x64xf32, #tpu.memory_space<vmem>>) offsets(%arg14 : memref<128xi32, #tpu.memory_space<vmem>>) semaphore(%arg26 : memref<!tpu.dma_semaphore, #tpu.memory_space<semaphore_mem>>) {add = true}
      %dma_wait3A_1687 = arith.constant 0 : i32
      %dma_wait3A_1688 = arith.constant 0 : i32
      %dma_wait3A_1689 = tpu.memref_slice %arg5[%dma_wait3A_1687, %dma_wait3A_1688] : memref<1000x64xf32, #tpu.memory_space<hbm>> -> memref<1000x64xf32, #tpu.memory_space<hbm>>
      tpu.wait_indirect_dma semaphore(%arg25 : memref<!tpu.dma_semaphore, #tpu.memory_space<semaphore_mem>>) src(%dma_wait3A_1689 : memref<1000x64xf32, #tpu.memory_space<hbm>>) dst(%arg17 : memref<128x64xf32, #tpu.memory_space<vmem>>)
      %add3A_1690 = arith.addi %mul3A_2, %add3A_1489 : i32
      %jit3A_1691 = arith.constant 64 : i32
      %div3A_1692 = arith.divsi %add3A_1690, %jit3A_1691 : i32
      %sign3A_1693 = arith.constant 0 : i32
      %sign3A_1694 = arith.cmpi sgt, %add3A_1690, %sign3A_1693 : i32
      %sign3A_1695 = arith.extui %sign3A_1694 : i1 to i32
      %sign3A_1696 = arith.constant 0 : i32
      %sign3A_1697 = arith.cmpi slt, %add3A_1690, %sign3A_1696 : i32
      %sign3A_1698 = arith.extui %sign3A_1697 : i1 to i32
      %sign3A_1699 = arith.subi %sign3A_1695, %sign3A_1698 : i32
      %sign3A_1700 = arith.constant 0 : i32
      %sign3A_1701 = arith.cmpi sgt, %jit3A_1691, %sign3A_1700 : i32
      %sign3A_1702 = arith.extui %sign3A_1701 : i1 to i32
      %sign3A_1703 = arith.constant 0 : i32
      %sign3A_1704 = arith.cmpi slt, %jit3A_1691, %sign3A_1703 : i32
      %sign3A_1705 = arith.extui %sign3A_1704 : i1 to i32
      %sign3A_1706 = arith.subi %sign3A_1702, %sign3A_1705 : i32
      %ne3A_1707 = arith.cmpi ne, %sign3A_1699, %sign3A_1706 : i32
      %rem3A_1708 = arith.remsi %add3A_1690, %jit3A_1691 : i32
      %ne3A_1709 = arith.constant 0 : i32
      %ne3A_1710 = arith.cmpi ne, %rem3A_1708, %ne3A_1709 : i32
      %and3A_1711 = arith.andi %ne3A_1707, %ne3A_1710 : i1
      %sub3A_1712 = arith.constant 1 : i32
      %sub3A_1713 = arith.subi %div3A_1692, %sub3A_1712 : i32
      %select_n3A_1714 = arith.select %and3A_1711, %sub3A_1713, %div3A_1692 : i32
      %mul3A_1715 = arith.constant 64 : i32
      %mul3A_1716 = arith.muli %select_n3A_1714, %mul3A_1715 : i32
      %sub3A_1717 = arith.subi %add3A_1690, %mul3A_1716 : i32
      %jit3A_1718 = arith.constant 8 : i32
      %div3A_1719 = arith.divsi %sub3A_1717, %jit3A_1718 : i32
      %sign3A_1720 = arith.constant 0 : i32
      %sign3A_1721 = arith.cmpi sgt, %sub3A_1717, %sign3A_1720 : i32
      %sign3A_1722 = arith.extui %sign3A_1721 : i1 to i32
      %sign3A_1723 = arith.constant 0 : i32
      %sign3A_1724 = arith.cmpi slt, %sub3A_1717, %sign3A_1723 : i32
      %sign3A_1725 = arith.extui %sign3A_1724 : i1 to i32
      %sign3A_1726 = arith.subi %sign3A_1722, %sign3A_1725 : i32
      %sign3A_1727 = arith.constant 0 : i32
      %sign3A_1728 = arith.cmpi sgt, %jit3A_1718, %sign3A_1727 : i32
      %sign3A_1729 = arith.extui %sign3A_1728 : i1 to i32
      %sign3A_1730 = arith.constant 0 : i32
      %sign3A_1731 = arith.cmpi slt, %jit3A_1718, %sign3A_1730 : i32
      %sign3A_1732 = arith.extui %sign3A_1731 : i1 to i32
      %sign3A_1733 = arith.subi %sign3A_1729, %sign3A_1732 : i32
      %ne3A_1734 = arith.cmpi ne, %sign3A_1726, %sign3A_1733 : i32
      %rem3A_1735 = arith.remsi %sub3A_1717, %jit3A_1718 : i32
      %ne3A_1736 = arith.constant 0 : i32
      %ne3A_1737 = arith.cmpi ne, %rem3A_1735, %ne3A_1736 : i32
      %and3A_1738 = arith.andi %ne3A_1734, %ne3A_1737 : i1
      %sub3A_1739 = arith.constant 1 : i32
      %sub3A_1740 = arith.subi %div3A_1719, %sub3A_1739 : i32
      %select_n3A_1741 = arith.select %and3A_1738, %sub3A_1740, %div3A_1719 : i32
      %mul3A_1742 = arith.constant 8 : i32
      %mul3A_1743 = arith.muli %select_n3A_1741, %mul3A_1742 : i32
      %sub3A_1744 = arith.subi %sub3A_1717, %mul3A_1743 : i32
      %mul3A_1745 = arith.constant 8 : i32
      %mul3A_1746 = arith.muli %select_n3A_1714, %mul3A_1745 : i32
      %add3A_1747 = arith.addi %mul3A_1746, %sub3A_1744 : i32
      %mul3A_1748 = arith.constant 8 : i32
      %mul3A_1749 = arith.muli %add3A_1747, %mul3A_1748 : i32
      %add3A_1750 = arith.addi %mul3A_1749, %select_n3A_1741 : i32
      %dma_start3A_1751 = arith.constant 0 : i32
      %dma_start3A_1752 = arith.constant 0 : i32
      %dma_start3A_1753 = tpu.memref_slice %arg6[%add3A_1750, %dma_start3A_1751, %dma_start3A_1752] : memref<1600x128x64xf32, #tpu.memory_space<hbm>> -> memref<1x128x64xf32, #tpu.memory_space<hbm>>
      %dma_start3A_1754 = tpu.memref_squeeze %dma_start3A_1753 : memref<1x128x64xf32, #tpu.memory_space<hbm>> -> memref<128x64xf32, #tpu.memory_space<hbm>>
      %dma_start3A_1755 = arith.constant 0 : i32
      %dma_start3A_1756 = arith.constant 0 : i32
      %dma_start3A_1757 = tpu.memref_slice %arg6[%add3A_1750, %dma_start3A_1755, %dma_start3A_1756] : memref<1600x128x64xf32, #tpu.memory_space<hbm>> -> memref<1x128x64xf32, #tpu.memory_space<hbm>>
      %dma_start3A_1758 = tpu.memref_squeeze %dma_start3A_1757 : memref<1x128x64xf32, #tpu.memory_space<hbm>> -> memref<128x64xf32, #tpu.memory_space<hbm>>
      tpu.enqueue_dma source(%arg17 : memref<128x64xf32, #tpu.memory_space<vmem>>) target(%dma_start3A_1758 : memref<128x64xf32, #tpu.memory_space<hbm>>) target_semaphore(%arg29 : memref<!tpu.dma_semaphore, #tpu.memory_space<semaphore_mem>>)
      %add3A_1759 = arith.constant 3 : i32
      %add3A_1760 = arith.addi %add3A_947, %add3A_1759 : i32
      %add3A_1761 = arith.constant 2 : i32
      %add3A_1762 = arith.addi %add3A_1760, %add3A_1761 : i32
      %min3A_1763 = arith.constant 49 : i32
      %min3A_1764 = arith.minsi %add3A_1762, %min3A_1763 : i32
      %mul3A_1765 = arith.constant 128 : i32
      %mul3A_1766 = arith.muli %min3A_1764, %mul3A_1765 : i32
      %add3A_1767 = arith.constant 0 : i32
      %add3A_1768 = arith.addi %mul3A_1766, %add3A_1767 : i32
      %get3A_1769 = arith.index_cast %add3A_1768 : i32 to index
      %get3A_1770 = tpu.vector_load %arg7[%get3A_1769] {strides = array<i32>} : memref<6400xi32, #tpu.memory_space<vmem>>, vector<16xi32>,
      %get3A_1771 = vector.shape_cast %get3A_1770 : vector<16xi32> to vector<16xi32>
      %swap3A_1772 = arith.constant 0 : index
      %swap3A_1773 = tpu.vector_load %arg12[%swap3A_1772] {strides = array<i32>} : memref<128xi32, #tpu.memory_space<vmem>>, vector<16xi32>,
      %swap3A_1774 = vector.shape_cast %swap3A_1773 : vector<16xi32> to vector<16xi32>
      %swap3A_1775 = vector.shape_cast %get3A_1771 : vector<16xi32> to vector<16xi32>
      tpu.vector_store %arg12[%swap3A_1772], %swap3A_1775 {strides = array<i32>} : memref<128xi32, #tpu.memory_space<vmem>>, vector<16xi32>,
      %mul3A_1776 = arith.constant 128 : i32
      %mul3A_1777 = arith.muli %min3A_1764, %mul3A_1776 : i32
      %add3A_1778 = arith.constant 0 : i32
      %add3A_1779 = arith.addi %mul3A_1777, %add3A_1778 : i32
      %get3A_1780 = arith.index_cast %add3A_1779 : i32 to index
      %get3A_1781 = tpu.vector_load %arg8[%get3A_1780] {strides = array<i32>} : memref<6400xi32, #tpu.memory_space<vmem>>, vector<16xi32>,
      %get3A_1782 = vector.shape_cast %get3A_1781 : vector<16xi32> to vector<16xi32>
      %swap3A_1783 = arith.constant 0 : index
      %swap3A_1784 = tpu.vector_load %arg16[%swap3A_1783] {strides = array<i32>} : memref<128xi32, #tpu.memory_space<vmem>>, vector<16xi32>,
      %swap3A_1785 = vector.shape_cast %swap3A_1784 : vector<16xi32> to vector<16xi32>
      %swap3A_1786 = vector.shape_cast %get3A_1782 : vector<16xi32> to vector<16xi32>
      tpu.vector_store %arg16[%swap3A_1783], %swap3A_1786 {strides = array<i32>} : memref<128xi32, #tpu.memory_space<vmem>>, vector<16xi32>,
      %mul3A_1787 = arith.constant 128 : i32
      %mul3A_1788 = arith.muli %min3A_1764, %mul3A_1787 : i32
      %add3A_1789 = arith.constant 16 : i32
      %add3A_1790 = arith.addi %mul3A_1788, %add3A_1789 : i32
      %get3A_1791 = arith.index_cast %add3A_1790 : i32 to index
      %get3A_1792 = tpu.vector_load %arg7[%get3A_1791] {strides = array<i32>} : memref<6400xi32, #tpu.memory_space<vmem>>, vector<16xi32>,
      %get3A_1793 = vector.shape_cast %get3A_1792 : vector<16xi32> to vector<16xi32>
      %swap3A_1794 = arith.constant 16 : index
      %swap3A_1795 = tpu.vector_load %arg12[%swap3A_1794] {strides = array<i32>} : memref<128xi32, #tpu.memory_space<vmem>>, vector<16xi32>,
      %swap3A_1796 = vector.shape_cast %swap3A_1795 : vector<16xi32> to vector<16xi32>
      %swap3A_1797 = vector.shape_cast %get3A_1793 : vector<16xi32> to vector<16xi32>
      tpu.vector_store %arg12[%swap3A_1794], %swap3A_1797 {strides = array<i32>} : memref<128xi32, #tpu.memory_space<vmem>>, vector<16xi32>,
      %mul3A_1798 = arith.constant 128 : i32
      %mul3A_1799 = arith.muli %min3A_1764, %mul3A_1798 : i32
      %add3A_1800 = arith.constant 16 : i32
      %add3A_1801 = arith.addi %mul3A_1799, %add3A_1800 : i32
      %get3A_1802 = arith.index_cast %add3A_1801 : i32 to index
      %get3A_1803 = tpu.vector_load %arg8[%get3A_1802] {strides = array<i32>} : memref<6400xi32, #tpu.memory_space<vmem>>, vector<16xi32>,
      %get3A_1804 = vector.shape_cast %get3A_1803 : vector<16xi32> to vector<16xi32>
      %swap3A_1805 = arith.constant 16 : index
      %swap3A_1806 = tpu.vector_load %arg16[%swap3A_1805] {strides = array<i32>} : memref<128xi32, #tpu.memory_space<vmem>>, vector<16xi32>,
      %swap3A_1807 = vector.shape_cast %swap3A_1806 : vector<16xi32> to vector<16xi32>
      %swap3A_1808 = vector.shape_cast %get3A_1804 : vector<16xi32> to vector<16xi32>
      tpu.vector_store %arg16[%swap3A_1805], %swap3A_1808 {strides = array<i32>} : memref<128xi32, #tpu.memory_space<vmem>>, vector<16xi32>,
      %mul3A_1809 = arith.constant 128 : i32
      %mul3A_1810 = arith.muli %min3A_1764, %mul3A_1809 : i32
      %add3A_1811 = arith.constant 32 : i32
      %add3A_1812 = arith.addi %mul3A_1810, %add3A_1811 : i32
      %get3A_1813 = arith.index_cast %add3A_1812 : i32 to index
      %get3A_1814 = tpu.vector_load %arg7[%get3A_1813] {strides = array<i32>} : memref<6400xi32, #tpu.memory_space<vmem>>, vector<16xi32>,
      %get3A_1815 = vector.shape_cast %get3A_1814 : vector<16xi32> to vector<16xi32>
      %swap3A_1816 = arith.constant 32 : index
      %swap3A_1817 = tpu.vector_load %arg12[%swap3A_1816] {strides = array<i32>} : memref<128xi32, #tpu.memory_space<vmem>>, vector<16xi32>,
      %swap3A_1818 = vector.shape_cast %swap3A_1817 : vector<16xi32> to vector<16xi32>
      %swap3A_1819 = vector.shape_cast %get3A_1815 : vector<16xi32> to vector<16xi32>
      tpu.vector_store %arg12[%swap3A_1816], %swap3A_1819 {strides = array<i32>} : memref<128xi32, #tpu.memory_space<vmem>>, vector<16xi32>,
      %mul3A_1820 = arith.constant 128 : i32
      %mul3A_1821 = arith.muli %min3A_1764, %mul3A_1820 : i32
      %add3A_1822 = arith.constant 32 : i32
      %add3A_1823 = arith.addi %mul3A_1821, %add3A_1822 : i32
      %get3A_1824 = arith.index_cast %add3A_1823 : i32 to index
      %get3A_1825 = tpu.vector_load %arg8[%get3A_1824] {strides = array<i32>} : memref<6400xi32, #tpu.memory_space<vmem>>, vector<16xi32>,
      %get3A_1826 = vector.shape_cast %get3A_1825 : vector<16xi32> to vector<16xi32>
      %swap3A_1827 = arith.constant 32 : index
      %swap3A_1828 = tpu.vector_load %arg16[%swap3A_1827] {strides = array<i32>} : memref<128xi32, #tpu.memory_space<vmem>>, vector<16xi32>,
      %swap3A_1829 = vector.shape_cast %swap3A_1828 : vector<16xi32> to vector<16xi32>
      %swap3A_1830 = vector.shape_cast %get3A_1826 : vector<16xi32> to vector<16xi32>
      tpu.vector_store %arg16[%swap3A_1827], %swap3A_1830 {strides = array<i32>} : memref<128xi32, #tpu.memory_space<vmem>>, vector<16xi32>,
      %mul3A_1831 = arith.constant 128 : i32
      %mul3A_1832 = arith.muli %min3A_1764, %mul3A_1831 : i32
      %add3A_1833 = arith.constant 48 : i32
      %add3A_1834 = arith.addi %mul3A_1832, %add3A_1833 : i32
      %get3A_1835 = arith.index_cast %add3A_1834 : i32 to index
      %get3A_1836 = tpu.vector_load %arg7[%get3A_1835] {strides = array<i32>} : memref<6400xi32, #tpu.memory_space<vmem>>, vector<16xi32>,
      %get3A_1837 = vector.shape_cast %get3A_1836 : vector<16xi32> to vector<16xi32>
      %swap3A_1838 = arith.constant 48 : index
      %swap3A_1839 = tpu.vector_load %arg12[%swap3A_1838] {strides = array<i32>} : memref<128xi32, #tpu.memory_space<vmem>>, vector<16xi32>,
      %swap3A_1840 = vector.shape_cast %swap3A_1839 : vector<16xi32> to vector<16xi32>
      %swap3A_1841 = vector.shape_cast %get3A_1837 : vector<16xi32> to vector<16xi32>
      tpu.vector_store %arg12[%swap3A_1838], %swap3A_1841 {strides = array<i32>} : memref<128xi32, #tpu.memory_space<vmem>>, vector<16xi32>,
      %mul3A_1842 = arith.constant 128 : i32
      %mul3A_1843 = arith.muli %min3A_1764, %mul3A_1842 : i32
      %add3A_1844 = arith.constant 48 : i32
      %add3A_1845 = arith.addi %mul3A_1843, %add3A_1844 : i32
      %get3A_1846 = arith.index_cast %add3A_1845 : i32 to index
      %get3A_1847 = tpu.vector_load %arg8[%get3A_1846] {strides = array<i32>} : memref<6400xi32, #tpu.memory_space<vmem>>, vector<16xi32>,
      %get3A_1848 = vector.shape_cast %get3A_1847 : vector<16xi32> to vector<16xi32>
      %swap3A_1849 = arith.constant 48 : index
      %swap3A_1850 = tpu.vector_load %arg16[%swap3A_1849] {strides = array<i32>} : memref<128xi32, #tpu.memory_space<vmem>>, vector<16xi32>,
      %swap3A_1851 = vector.shape_cast %swap3A_1850 : vector<16xi32> to vector<16xi32>
      %swap3A_1852 = vector.shape_cast %get3A_1848 : vector<16xi32> to vector<16xi32>
      tpu.vector_store %arg16[%swap3A_1849], %swap3A_1852 {strides = array<i32>} : memref<128xi32, #tpu.memory_space<vmem>>, vector<16xi32>,
      %mul3A_1853 = arith.constant 128 : i32
      %mul3A_1854 = arith.muli %min3A_1764, %mul3A_1853 : i32
      %add3A_1855 = arith.constant 64 : i32
      %add3A_1856 = arith.addi %mul3A_1854, %add3A_1855 : i32
      %get3A_1857 = arith.index_cast %add3A_1856 : i32 to index
      %get3A_1858 = tpu.vector_load %arg7[%get3A_1857] {strides = array<i32>} : memref<6400xi32, #tpu.memory_space<vmem>>, vector<16xi32>,
      %get3A_1859 = vector.shape_cast %get3A_1858 : vector<16xi32> to vector<16xi32>
      %swap3A_1860 = arith.constant 64 : index
      %swap3A_1861 = tpu.vector_load %arg12[%swap3A_1860] {strides = array<i32>} : memref<128xi32, #tpu.memory_space<vmem>>, vector<16xi32>,
      %swap3A_1862 = vector.shape_cast %swap3A_1861 : vector<16xi32> to vector<16xi32>
      %swap3A_1863 = vector.shape_cast %get3A_1859 : vector<16xi32> to vector<16xi32>
      tpu.vector_store %arg12[%swap3A_1860], %swap3A_1863 {strides = array<i32>} : memref<128xi32, #tpu.memory_space<vmem>>, vector<16xi32>,
      %mul3A_1864 = arith.constant 128 : i32
      %mul3A_1865 = arith.muli %min3A_1764, %mul3A_1864 : i32
      %add3A_1866 = arith.constant 64 : i32
      %add3A_1867 = arith.addi %mul3A_1865, %add3A_1866 : i32
      %get3A_1868 = arith.index_cast %add3A_1867 : i32 to index
      %get3A_1869 = tpu.vector_load %arg8[%get3A_1868] {strides = array<i32>} : memref<6400xi32, #tpu.memory_space<vmem>>, vector<16xi32>,
      %get3A_1870 = vector.shape_cast %get3A_1869 : vector<16xi32> to vector<16xi32>
      %swap3A_1871 = arith.constant 64 : index
      %swap3A_1872 = tpu.vector_load %arg16[%swap3A_1871] {strides = array<i32>} : memref<128xi32, #tpu.memory_space<vmem>>, vector<16xi32>,
      %swap3A_1873 = vector.shape_cast %swap3A_1872 : vector<16xi32> to vector<16xi32>
      %swap3A_1874 = vector.shape_cast %get3A_1870 : vector<16xi32> to vector<16xi32>
      tpu.vector_store %arg16[%swap3A_1871], %swap3A_1874 {strides = array<i32>} : memref<128xi32, #tpu.memory_space<vmem>>, vector<16xi32>,
      %mul3A_1875 = arith.constant 128 : i32
      %mul3A_1876 = arith.muli %min3A_1764, %mul3A_1875 : i32
      %add3A_1877 = arith.constant 80 : i32
      %add3A_1878 = arith.addi %mul3A_1876, %add3A_1877 : i32
      %get3A_1879 = arith.index_cast %add3A_1878 : i32 to index
      %get3A_1880 = tpu.vector_load %arg7[%get3A_1879] {strides = array<i32>} : memref<6400xi32, #tpu.memory_space<vmem>>, vector<16xi32>,
      %get3A_1881 = vector.shape_cast %get3A_1880 : vector<16xi32> to vector<16xi32>
      %swap3A_1882 = arith.constant 80 : index
      %swap3A_1883 = tpu.vector_load %arg12[%swap3A_1882] {strides = array<i32>} : memref<128xi32, #tpu.memory_space<vmem>>, vector<16xi32>,
      %swap3A_1884 = vector.shape_cast %swap3A_1883 : vector<16xi32> to vector<16xi32>
      %swap3A_1885 = vector.shape_cast %get3A_1881 : vector<16xi32> to vector<16xi32>
      tpu.vector_store %arg12[%swap3A_1882], %swap3A_1885 {strides = array<i32>} : memref<128xi32, #tpu.memory_space<vmem>>, vector<16xi32>,
      %mul3A_1886 = arith.constant 128 : i32
      %mul3A_1887 = arith.muli %min3A_1764, %mul3A_1886 : i32
      %add3A_1888 = arith.constant 80 : i32
      %add3A_1889 = arith.addi %mul3A_1887, %add3A_1888 : i32
      %get3A_1890 = arith.index_cast %add3A_1889 : i32 to index
      %get3A_1891 = tpu.vector_load %arg8[%get3A_1890] {strides = array<i32>} : memref<6400xi32, #tpu.memory_space<vmem>>, vector<16xi32>,
      %get3A_1892 = vector.shape_cast %get3A_1891 : vector<16xi32> to vector<16xi32>
      %swap3A_1893 = arith.constant 80 : index
      %swap3A_1894 = tpu.vector_load %arg16[%swap3A_1893] {strides = array<i32>} : memref<128xi32, #tpu.memory_space<vmem>>, vector<16xi32>,
      %swap3A_1895 = vector.shape_cast %swap3A_1894 : vector<16xi32> to vector<16xi32>
      %swap3A_1896 = vector.shape_cast %get3A_1892 : vector<16xi32> to vector<16xi32>
      tpu.vector_store %arg16[%swap3A_1893], %swap3A_1896 {strides = array<i32>} : memref<128xi32, #tpu.memory_space<vmem>>, vector<16xi32>,
      %mul3A_1897 = arith.constant 128 : i32
      %mul3A_1898 = arith.muli %min3A_1764, %mul3A_1897 : i32
      %add3A_1899 = arith.constant 96 : i32
      %add3A_1900 = arith.addi %mul3A_1898, %add3A_1899 : i32
      %get3A_1901 = arith.index_cast %add3A_1900 : i32 to index
      %get3A_1902 = tpu.vector_load %arg7[%get3A_1901] {strides = array<i32>} : memref<6400xi32, #tpu.memory_space<vmem>>, vector<16xi32>,
      %get3A_1903 = vector.shape_cast %get3A_1902 : vector<16xi32> to vector<16xi32>
      %swap3A_1904 = arith.constant 96 : index
      %swap3A_1905 = tpu.vector_load %arg12[%swap3A_1904] {strides = array<i32>} : memref<128xi32, #tpu.memory_space<vmem>>, vector<16xi32>,
      %swap3A_1906 = vector.shape_cast %swap3A_1905 : vector<16xi32> to vector<16xi32>
      %swap3A_1907 = vector.shape_cast %get3A_1903 : vector<16xi32> to vector<16xi32>
      tpu.vector_store %arg12[%swap3A_1904], %swap3A_1907 {strides = array<i32>} : memref<128xi32, #tpu.memory_space<vmem>>, vector<16xi32>,
      %mul3A_1908 = arith.constant 128 : i32
      %mul3A_1909 = arith.muli %min3A_1764, %mul3A_1908 : i32
      %add3A_1910 = arith.constant 96 : i32
      %add3A_1911 = arith.addi %mul3A_1909, %add3A_1910 : i32
      %get3A_1912 = arith.index_cast %add3A_1911 : i32 to index
      %get3A_1913 = tpu.vector_load %arg8[%get3A_1912] {strides = array<i32>} : memref<6400xi32, #tpu.memory_space<vmem>>, vector<16xi32>,
      %get3A_1914 = vector.shape_cast %get3A_1913 : vector<16xi32> to vector<16xi32>
      %swap3A_1915 = arith.constant 96 : index
      %swap3A_1916 = tpu.vector_load %arg16[%swap3A_1915] {strides = array<i32>} : memref<128xi32, #tpu.memory_space<vmem>>, vector<16xi32>,
      %swap3A_1917 = vector.shape_cast %swap3A_1916 : vector<16xi32> to vector<16xi32>
      %swap3A_1918 = vector.shape_cast %get3A_1914 : vector<16xi32> to vector<16xi32>
      tpu.vector_store %arg16[%swap3A_1915], %swap3A_1918 {strides = array<i32>} : memref<128xi32, #tpu.memory_space<vmem>>, vector<16xi32>,
      %mul3A_1919 = arith.constant 128 : i32
      %mul3A_1920 = arith.muli %min3A_1764, %mul3A_1919 : i32
      %add3A_1921 = arith.constant 112 : i32
      %add3A_1922 = arith.addi %mul3A_1920, %add3A_1921 : i32
      %get3A_1923 = arith.index_cast %add3A_1922 : i32 to index
      %get3A_1924 = tpu.vector_load %arg7[%get3A_1923] {strides = array<i32>} : memref<6400xi32, #tpu.memory_space<vmem>>, vector<16xi32>,
      %get3A_1925 = vector.shape_cast %get3A_1924 : vector<16xi32> to vector<16xi32>
      %swap3A_1926 = arith.constant 112 : index
      %swap3A_1927 = tpu.vector_load %arg12[%swap3A_1926] {strides = array<i32>} : memref<128xi32, #tpu.memory_space<vmem>>, vector<16xi32>,
      %swap3A_1928 = vector.shape_cast %swap3A_1927 : vector<16xi32> to vector<16xi32>
      %swap3A_1929 = vector.shape_cast %get3A_1925 : vector<16xi32> to vector<16xi32>
      tpu.vector_store %arg12[%swap3A_1926], %swap3A_1929 {strides = array<i32>} : memref<128xi32, #tpu.memory_space<vmem>>, vector<16xi32>,
      %mul3A_1930 = arith.constant 128 : i32
      %mul3A_1931 = arith.muli %min3A_1764, %mul3A_1930 : i32
      %add3A_1932 = arith.constant 112 : i32
      %add3A_1933 = arith.addi %mul3A_1931, %add3A_1932 : i32
      %get3A_1934 = arith.index_cast %add3A_1933 : i32 to index
      %get3A_1935 = tpu.vector_load %arg8[%get3A_1934] {strides = array<i32>} : memref<6400xi32, #tpu.memory_space<vmem>>, vector<16xi32>,
      %get3A_1936 = vector.shape_cast %get3A_1935 : vector<16xi32> to vector<16xi32>
      %swap3A_1937 = arith.constant 112 : index
      %swap3A_1938 = tpu.vector_load %arg16[%swap3A_1937] {strides = array<i32>} : memref<128xi32, #tpu.memory_space<vmem>>, vector<16xi32>,
      %swap3A_1939 = vector.shape_cast %swap3A_1938 : vector<16xi32> to vector<16xi32>
      %swap3A_1940 = vector.shape_cast %get3A_1936 : vector<16xi32> to vector<16xi32>
      tpu.vector_store %arg16[%swap3A_1937], %swap3A_1940 {strides = array<i32>} : memref<128xi32, #tpu.memory_space<vmem>>, vector<16xi32>,
      %dma_wait3A_1941 = arith.constant 0 : i32
      %dma_wait3A_1942 = arith.constant 0 : i32
      %dma_wait3A_1943 = tpu.memref_slice %arg6[%mul3A_2, %dma_wait3A_1941, %dma_wait3A_1942] : memref<1600x128x64xf32, #tpu.memory_space<hbm>> -> memref<1x128x64xf32, #tpu.memory_space<hbm>>
      %dma_wait3A_1944 = tpu.memref_squeeze %dma_wait3A_1943 : memref<1x128x64xf32, #tpu.memory_space<hbm>> -> memref<128x64xf32, #tpu.memory_space<hbm>>
      %dma_wait3A_1945 = arith.constant 0 : i32
      %dma_wait3A_1946 = arith.constant 0 : i32
      %dma_wait3A_1947 = tpu.memref_slice %arg6[%mul3A_2, %dma_wait3A_1945, %dma_wait3A_1946] : memref<1600x128x64xf32, #tpu.memory_space<hbm>> -> memref<1x128x64xf32, #tpu.memory_space<hbm>>
      %dma_wait3A_1948 = tpu.memref_squeeze %dma_wait3A_1947 : memref<1x128x64xf32, #tpu.memory_space<hbm>> -> memref<128x64xf32, #tpu.memory_space<hbm>>
      tpu.wait_dma2 semaphore(%arg32 : memref<!tpu.dma_semaphore, #tpu.memory_space<semaphore_mem>>) src(%arg20 : memref<128x64xf32, #tpu.memory_space<vmem>>) dst(%dma_wait3A_1948 : memref<128x64xf32, #tpu.memory_space<hbm>>)
      %dma_start3A_1949 = arith.constant 0 : i32
      %dma_start3A_1950 = arith.constant 0 : i32
      %dma_start3A_1951 = tpu.memref_slice %arg4[%dma_start3A_1949, %dma_start3A_1950] : memref<1000x64xf32, #tpu.memory_space<hbm>> -> memref<1000x64xf32, #tpu.memory_space<hbm>>
      tpu.enqueue_indirect_dma source(%dma_start3A_1951 : memref<1000x64xf32, #tpu.memory_space<hbm>>) target(%arg20 : memref<128x64xf32, #tpu.memory_space<vmem>>) offsets(%arg12 : memref<128xi32, #tpu.memory_space<vmem>>) semaphore(%arg24 : memref<!tpu.dma_semaphore, #tpu.memory_space<semaphore_mem>>)
      %dma_wait3A_1952 = arith.constant 0 : i32
      %dma_wait3A_1953 = arith.constant 0 : i32
      %dma_wait3A_1954 = tpu.memref_slice %arg4[%dma_wait3A_1952, %dma_wait3A_1953] : memref<1000x64xf32, #tpu.memory_space<hbm>> -> memref<1000x64xf32, #tpu.memory_space<hbm>>
      tpu.wait_indirect_dma semaphore(%arg23 : memref<!tpu.dma_semaphore, #tpu.memory_space<semaphore_mem>>) src(%dma_wait3A_1954 : memref<1000x64xf32, #tpu.memory_space<hbm>>) dst(%arg19 : memref<128x64xf32, #tpu.memory_space<vmem>>)
      %dma_start3A_1955 = arith.constant 0 : i32
      %dma_start3A_1956 = arith.constant 0 : i32
      %dma_start3A_1957 = tpu.memref_slice %arg5[%dma_start3A_1955, %dma_start3A_1956] : memref<1000x64xf32, #tpu.memory_space<hbm>> -> memref<1000x64xf32, #tpu.memory_space<hbm>>
      tpu.enqueue_indirect_dma source(%dma_start3A_1957 : memref<1000x64xf32, #tpu.memory_space<hbm>>) target(%arg19 : memref<128x64xf32, #tpu.memory_space<vmem>>) offsets(%arg15 : memref<128xi32, #tpu.memory_space<vmem>>) semaphore(%arg27 : memref<!tpu.dma_semaphore, #tpu.memory_space<semaphore_mem>>) {add = true}
      %dma_wait3A_1958 = arith.constant 0 : i32
      %dma_wait3A_1959 = arith.constant 0 : i32
      %dma_wait3A_1960 = tpu.memref_slice %arg5[%dma_wait3A_1958, %dma_wait3A_1959] : memref<1000x64xf32, #tpu.memory_space<hbm>> -> memref<1000x64xf32, #tpu.memory_space<hbm>>
      tpu.wait_indirect_dma semaphore(%arg26 : memref<!tpu.dma_semaphore, #tpu.memory_space<semaphore_mem>>) src(%dma_wait3A_1960 : memref<1000x64xf32, #tpu.memory_space<hbm>>) dst(%arg18 : memref<128x64xf32, #tpu.memory_space<vmem>>)
      %add3A_1961 = arith.addi %mul3A_2, %add3A_1760 : i32
      %jit3A_1962 = arith.constant 64 : i32
      %div3A_1963 = arith.divsi %add3A_1961, %jit3A_1962 : i32
      %sign3A_1964 = arith.constant 0 : i32
      %sign3A_1965 = arith.cmpi sgt, %add3A_1961, %sign3A_1964 : i32
      %sign3A_1966 = arith.extui %sign3A_1965 : i1 to i32
      %sign3A_1967 = arith.constant 0 : i32
      %sign3A_1968 = arith.cmpi slt, %add3A_1961, %sign3A_1967 : i32
      %sign3A_1969 = arith.extui %sign3A_1968 : i1 to i32
      %sign3A_1970 = arith.subi %sign3A_1966, %sign3A_1969 : i32
      %sign3A_1971 = arith.constant 0 : i32
      %sign3A_1972 = arith.cmpi sgt, %jit3A_1962, %sign3A_1971 : i32
      %sign3A_1973 = arith.extui %sign3A_1972 : i1 to i32
      %sign3A_1974 = arith.constant 0 : i32
      %sign3A_1975 = arith.cmpi slt, %jit3A_1962, %sign3A_1974 : i32
      %sign3A_1976 = arith.extui %sign3A_1975 : i1 to i32
      %sign3A_1977 = arith.subi %sign3A_1973, %sign3A_1976 : i32
      %ne3A_1978 = arith.cmpi ne, %sign3A_1970, %sign3A_1977 : i32
      %rem3A_1979 = arith.remsi %add3A_1961, %jit3A_1962 : i32
      %ne3A_1980 = arith.constant 0 : i32
      %ne3A_1981 = arith.cmpi ne, %rem3A_1979, %ne3A_1980 : i32
      %and3A_1982 = arith.andi %ne3A_1978, %ne3A_1981 : i1
      %sub3A_1983 = arith.constant 1 : i32
      %sub3A_1984 = arith.subi %div3A_1963, %sub3A_1983 : i32
      %select_n3A_1985 = arith.select %and3A_1982, %sub3A_1984, %div3A_1963 : i32
      %mul3A_1986 = arith.constant 64 : i32
      %mul3A_1987 = arith.muli %select_n3A_1985, %mul3A_1986 : i32
      %sub3A_1988 = arith.subi %add3A_1961, %mul3A_1987 : i32
      %jit3A_1989 = arith.constant 8 : i32
      %div3A_1990 = arith.divsi %sub3A_1988, %jit3A_1989 : i32
      %sign3A_1991 = arith.constant 0 : i32
      %sign3A_1992 = arith.cmpi sgt, %sub3A_1988, %sign3A_1991 : i32
      %sign3A_1993 = arith.extui %sign3A_1992 : i1 to i32
      %sign3A_1994 = arith.constant 0 : i32
      %sign3A_1995 = arith.cmpi slt, %sub3A_1988, %sign3A_1994 : i32
      %sign3A_1996 = arith.extui %sign3A_1995 : i1 to i32
      %sign3A_1997 = arith.subi %sign3A_1993, %sign3A_1996 : i32
      %sign3A_1998 = arith.constant 0 : i32
      %sign3A_1999 = arith.cmpi sgt, %jit3A_1989, %sign3A_1998 : i32
      %sign3A_2000 = arith.extui %sign3A_1999 : i1 to i32
      %sign3A_2001 = arith.constant 0 : i32
      %sign3A_2002 = arith.cmpi slt, %jit3A_1989, %sign3A_2001 : i32
      %sign3A_2003 = arith.extui %sign3A_2002 : i1 to i32
      %sign3A_2004 = arith.subi %sign3A_2000, %sign3A_2003 : i32
      %ne3A_2005 = arith.cmpi ne, %sign3A_1997, %sign3A_2004 : i32
      %rem3A_2006 = arith.remsi %sub3A_1988, %jit3A_1989 : i32
      %ne3A_2007 = arith.constant 0 : i32
      %ne3A_2008 = arith.cmpi ne, %rem3A_2006, %ne3A_2007 : i32
      %and3A_2009 = arith.andi %ne3A_2005, %ne3A_2008 : i1
      %sub3A_2010 = arith.constant 1 : i32
      %sub3A_2011 = arith.subi %div3A_1990, %sub3A_2010 : i32
      %select_n3A_2012 = arith.select %and3A_2009, %sub3A_2011, %div3A_1990 : i32
      %mul3A_2013 = arith.constant 8 : i32
      %mul3A_2014 = arith.muli %select_n3A_2012, %mul3A_2013 : i32
      %sub3A_2015 = arith.subi %sub3A_1988, %mul3A_2014 : i32
      %mul3A_2016 = arith.constant 8 : i32
      %mul3A_2017 = arith.muli %select_n3A_1985, %mul3A_2016 : i32
      %add3A_2018 = arith.addi %mul3A_2017, %sub3A_2015 : i32
      %mul3A_2019 = arith.constant 8 : i32
      %mul3A_2020 = arith.muli %add3A_2018, %mul3A_2019 : i32
      %add3A_2021 = arith.addi %mul3A_2020, %select_n3A_2012 : i32
      %dma_start3A_2022 = arith.constant 0 : i32
      %dma_start3A_2023 = arith.constant 0 : i32
      %dma_start3A_2024 = tpu.memref_slice %arg6[%add3A_2021, %dma_start3A_2022, %dma_start3A_2023] : memref<1600x128x64xf32, #tpu.memory_space<hbm>> -> memref<1x128x64xf32, #tpu.memory_space<hbm>>
      %dma_start3A_2025 = tpu.memref_squeeze %dma_start3A_2024 : memref<1x128x64xf32, #tpu.memory_space<hbm>> -> memref<128x64xf32, #tpu.memory_space<hbm>>
      %dma_start3A_2026 = arith.constant 0 : i32
      %dma_start3A_2027 = arith.constant 0 : i32
      %dma_start3A_2028 = tpu.memref_slice %arg6[%add3A_2021, %dma_start3A_2026, %dma_start3A_2027] : memref<1600x128x64xf32, #tpu.memory_space<hbm>> -> memref<1x128x64xf32, #tpu.memory_space<hbm>>
      %dma_start3A_2029 = tpu.memref_squeeze %dma_start3A_2028 : memref<1x128x64xf32, #tpu.memory_space<hbm>> -> memref<128x64xf32, #tpu.memory_space<hbm>>
      tpu.enqueue_dma source(%arg18 : memref<128x64xf32, #tpu.memory_space<vmem>>) target(%dma_start3A_2029 : memref<128x64xf32, #tpu.memory_space<hbm>>) target_semaphore(%arg30 : memref<!tpu.dma_semaphore, #tpu.memory_space<semaphore_mem>>)
    }
    %scan3A_920 = arith.constant 12 : i32
    %dma_wait3A_921 = arith.constant 0 : i32
    %dma_wait3A_922 = arith.constant 0 : i32
    %dma_wait3A_923 = tpu.memref_slice %arg5[%dma_wait3A_921, %dma_wait3A_922] : memref<1000x64xf32, #tpu.memory_space<hbm>> -> memref<1000x64xf32, #tpu.memory_space<hbm>>
    tpu.wait_indirect_dma semaphore(%arg27 : memref<!tpu.dma_semaphore, #tpu.memory_space<semaphore_mem>>) src(%dma_wait3A_923 : memref<1000x64xf32, #tpu.memory_space<hbm>>) dst(%arg19 : memref<128x64xf32, #tpu.memory_space<vmem>>)
    %dma_wait3A_924 = arith.constant 0 : i32
    %dma_wait3A_925 = arith.constant 0 : i32
    %dma_wait3A_926 = tpu.memref_slice %arg4[%dma_wait3A_924, %dma_wait3A_925] : memref<1000x64xf32, #tpu.memory_space<hbm>> -> memref<1000x64xf32, #tpu.memory_space<hbm>>
    tpu.wait_indirect_dma semaphore(%arg24 : memref<!tpu.dma_semaphore, #tpu.memory_space<semaphore_mem>>) src(%dma_wait3A_926 : memref<1000x64xf32, #tpu.memory_space<hbm>>) dst(%arg20 : memref<128x64xf32, #tpu.memory_space<vmem>>)
    %dma_wait3A_927 = arith.constant 0 : i32
    %dma_wait3A_928 = arith.constant 0 : i32
    %dma_wait3A_929 = tpu.memref_slice %arg6[%mul3A_2, %dma_wait3A_927, %dma_wait3A_928] : memref<1600x128x64xf32, #tpu.memory_space<hbm>> -> memref<1x128x64xf32, #tpu.memory_space<hbm>>
    %dma_wait3A_930 = tpu.memref_squeeze %dma_wait3A_929 : memref<1x128x64xf32, #tpu.memory_space<hbm>> -> memref<128x64xf32, #tpu.memory_space<hbm>>
    %dma_wait3A_931 = arith.constant 0 : i32
    %dma_wait3A_932 = arith.constant 0 : i32
    %dma_wait3A_933 = tpu.memref_slice %arg6[%mul3A_2, %dma_wait3A_931, %dma_wait3A_932] : memref<1600x128x64xf32, #tpu.memory_space<hbm>> -> memref<1x128x64xf32, #tpu.memory_space<hbm>>
    %dma_wait3A_934 = tpu.memref_squeeze %dma_wait3A_933 : memref<1x128x64xf32, #tpu.memory_space<hbm>> -> memref<128x64xf32, #tpu.memory_space<hbm>>
    tpu.wait_dma2 semaphore(%arg29 : memref<!tpu.dma_semaphore, #tpu.memory_space<semaphore_mem>>) src(%arg17 : memref<128x64xf32, #tpu.memory_space<vmem>>) dst(%dma_wait3A_934 : memref<128x64xf32, #tpu.memory_space<hbm>>)
    %dma_wait3A_935 = arith.constant 0 : i32
    %dma_wait3A_936 = arith.constant 0 : i32
    %dma_wait3A_937 = tpu.memref_slice %arg6[%mul3A_2, %dma_wait3A_935, %dma_wait3A_936] : memref<1600x128x64xf32, #tpu.memory_space<hbm>> -> memref<1x128x64xf32, #tpu.memory_space<hbm>>
    %dma_wait3A_938 = tpu.memref_squeeze %dma_wait3A_937 : memref<1x128x64xf32, #tpu.memory_space<hbm>> -> memref<128x64xf32, #tpu.memory_space<hbm>>
    %dma_wait3A_939 = arith.constant 0 : i32
    %dma_wait3A_940 = arith.constant 0 : i32
    %dma_wait3A_941 = tpu.memref_slice %arg6[%mul3A_2, %dma_wait3A_939, %dma_wait3A_940] : memref<1600x128x64xf32, #tpu.memory_space<hbm>> -> memref<1x128x64xf32, #tpu.memory_space<hbm>>
    %dma_wait3A_942 = tpu.memref_squeeze %dma_wait3A_941 : memref<1x128x64xf32, #tpu.memory_space<hbm>> -> memref<128x64xf32, #tpu.memory_space<hbm>>
    tpu.wait_dma2 semaphore(%arg30 : memref<!tpu.dma_semaphore, #tpu.memory_space<semaphore_mem>>) src(%arg18 : memref<128x64xf32, #tpu.memory_space<vmem>>) dst(%dma_wait3A_942 : memref<128x64xf32, #tpu.memory_space<hbm>>)
    return
  }
}

</mosaic_0001>

<sc_bundles>
// kernel: _run.3.cloned.1.call-start
scs
__scs_entry_jumppad:
0x0: {  	(pc) =	sbr.rel $0x88, $3  }
0x1: {  	(tag) =	ssettag $0x0;
	lr =	simm.s32 $0x1  }
0x2: {  	[smem:$0x3F9D] =	sst lr;
	_ =	strace $0xD0000000  }
0x3: {  	_ = 	snop  }
0x4: {  	_ = 	snop  }
0x5: {  	_ = 	snop  }
0x6: {  	_ = 	snop  }
0x7: {  	_ = 	snop  }
__scs_overlays_trampoline_lowered:
0x8: {  	[smem:$0x3FAC] =	sst s0  }
0x9: {  	[smem:$0x3FAD] =	sst s1  }
0xa: {  	[smem:$0x3FAE] =	sst s2  }
0xb: {  	[smem:$0x3FAF] =	sst s3  }
0xc: {  	[smem:$0x3FB0] =	sst s4  }
0xd: {  	[smem:$0x3FB1] =	sst s5  }
0xe: {  	[smem:$0x3FB2] =	sst s6  }
0xf: {  	[smem:$0x3FB3] =	sst s7  }
0x10: {  	[smem:$0x3FB4] =	sst s8  }
0x11: {  	[smem:$0x3FB5] =	sst s9;
	s0 =	simm.s32 @!p0 $0x0  }
0x12: {  	s1 =	sld [smem:$0x3F9B];
	s0 =	simm.s32 @p0 $0x1  }
0x13: {  	[smem:$0x3FB6] =	sst s0;
	s0 =	simm.s32 @!p1 $0x0  }
0x14: {  	s2 =	sld [smem:$0x3F9A];
	s0 =	simm.s32 @p1 $0x1  }
0x15: {  	[smem:$0x3FB7] =	sst s0;
	s0 =	simm.s32 @!p2 $0x0  }
0x16: {  	s3 =	sld [smem:$0x3FDB];
	s0 =	simm.s32 @p2 $0x1  }
0x17: {  	s4 =	simm.s32 $0x1BF5;
	[smem:$0x3FB9] =	sst s0  }
0x18: {  	s0 =	sld [smem:$0x3F9C];
	_ =	swait.ge [sflag:s4], $0x0  }
0x19: {  	s7 =	sld [smem:$0x3F9D]  }
0x1a: {  	s8 =	sadd.s32 $0xFFFFE003, lr  }
0x1b: {  	s9 =	sadd.s32 $0xFFFFFEF7, lr;
	s5 =	simm.s32 $0xFFFFFFFF;
	p2 =	slt.u32 s8, $0xFFFFF086  }
0x1c: {  	p1 =	slt.u32 s9, $0xF7A;
	s5 =	simm.s32 @!p2 $0x0  }
0x1d: {  	s5 =	simm.s32 @p1 $0x1;
	p0 =	seq.s32 s7, s2  }
0x1e: {  	s7 =	smul.u32 @!p0 $0xF7A, s2;
	p2 =	seq.s32 @!p0 s5, $0x0  }
0x1f: {  	s9 =	smul.u32 $0xF7A, s1;
	s8 =	simm.s32 @!p0 $0x1BF5;
	p2 =	por !p2, p0  }
0x20: {  	[sflag:s8] =	ssyncset.s32 @!p0 $0xFFFFF086;
	s6 =	sadd.s32 @!p0 s3, s7;
	s7 =	simm.s32 @!p0 $0x108  }
0x21: {  	s3 =	sadd.s32 s3, s9;
	s6 =	sadd.s32 @!p0 $0x88, s6;
	s7 =	simm.s32 @p2 $0x1082  }
0x22: {  	[simem:s7], [sflag:s8] =	dma.local @!p0 [hbm:s6], $0xF7A  }
0x23: {  	s9 =	sor.u32 $0xD0000000, s2;
	s6 =	simm.s32 $0x108;
	_ =	swait.ge @!p0 [sflag:s8], $0x0  }
0x24: {  	s3 =	sadd.s32 $0x88, s3;
	s6 =	simm.s32 @!p1 $0x1082;
	[sflag:s4] =	ssyncset.s32 $0xFFFFF086  }
0x25: {  	[simem:s6], [sflag:s4] =	dma.local [hbm:s3], $0xF7A  }
0x26: {  	[smem:$0x3F9D] =	sst s1;
	(tag) =	ssettag s2;
	_ =	strace s9  }
0x27: {  	s1 =	sld [smem:$0x3FAD]  }
0x28: {  	s2 =	sld [smem:$0x3FAE]  }
0x29: {  	s4 =	sld [smem:$0x3FB0]  }
0x2a: {  	p0 =	seq.s32 s5, $0x0;
	s5 =	sld [smem:$0x3FB1]  }
0x2b: {  	s6 =	sld [smem:$0x3FB2]  }
0x2c: {  	s7 =	sld [smem:$0x3FB3]  }
0x2d: {  	s3 =	simm.s32 $0x108;
	s8 =	sld [smem:$0x3FB4]  }
0x2e: {  	s3 =	simm.s32 @!p0 $0x1082;
	s9 =	sld [smem:$0x3FB5]  }
0x2f: {  	lr =	sadd.s32 s0, s3;
	s0 =	sld [smem:$0x3FAC]  }
0x30: {  	s3 =	sld [smem:$0x3FAF]  }
0x31: {  	[smem:$0x3FB8] =	sst s10  }
0x32: {  	s10 =	sld [smem:$0x3FB6];
	_ =	sdelay $0x3  }
0x33: {  	p0 =	seq.s32 s10, $0x1;
	s10 =	sld [smem:$0x3FB8];
	_ =	sdelay $0x3  }
0x34: {  	[smem:$0x3FB8] =	sst s10  }
0x35: {  	s10 =	sld [smem:$0x3FB7];
	_ =	sdelay $0x3  }
0x36: {  	p1 =	seq.s32 s10, $0x1;
	s10 =	sld [smem:$0x3FB8];
	_ =	sdelay $0x3  }
0x37: {  	[smem:$0x3FB8] =	sst s10  }
0x38: {  	s10 =	sld [smem:$0x3FB9]  }
0x39: {  	_ = 	snop;
	(pc) =	sbr.ind lr, $3  }
0x3a: {  	_ = 	snop  }
0x3b: {  	_ = 	snop  }
0x3c: {  	p2 =	seq.s32 s10, $0x1;
	s10 =	sld [smem:$0x3FB8]  }
0x3d: {  	_ =	shalt  }
0x3e: {  	_ =	shalt  }
0x3f: {  	_ =	shalt  }
0x40: {  	_ =	shalt  }
0x41: {  	_ =	shalt  }
0x42: {  	_ =	shalt  }
0x43: {  	_ =	shalt  }
0x44: {  	_ =	shalt  }
0x45: {  	_ =	shalt  }
0x46: {  	_ =	shalt  }
0x47: {  	_ =	shalt  }
0x48: {  	_ =	shalt  }
0x49: {  	_ =	shalt  }
0x4a: {  	_ =	shalt  }
0x4b: {  	_ =	shalt  }
0x4c: {  	_ =	shalt  }
0x4d: {  	_ =	shalt  }
0x4e: {  	_ =	shalt  }
0x4f: {  	_ =	shalt  }
0x50: {  	_ =	shalt  }
0x51: {  	_ =	shalt  }
0x52: {  	_ =	shalt  }
0x53: {  	_ =	shalt  }
0x54: {  	_ =	shalt  }
0x55: {  	_ =	shalt  }
0x56: {  	_ =	shalt  }
0x57: {  	_ =	shalt  }
0x58: {  	_ =	shalt  }
0x59: {  	_ =	shalt  }
0x5a: {  	_ =	shalt  }
0x5b: {  	_ =	shalt  }
0x5c: {  	_ =	shalt  }
0x5d: {  	_ =	shalt  }
0x5e: {  	_ =	shalt  }
0x5f: {  	_ =	shalt  }
0x60: {  	_ =	shalt  }
0x61: {  	_ =	shalt  }
0x62: {  	_ =	shalt  }
0x63: {  	_ =	shalt  }
0x64: {  	_ =	shalt  }
0x65: {  	_ =	shalt  }
0x66: {  	_ =	shalt  }
0x67: {  	_ =	shalt  }
0x68: {  	_ =	shalt  }
0x69: {  	_ =	shalt  }
0x6a: {  	_ =	shalt  }
0x6b: {  	_ =	shalt  }
0x6c: {  	_ =	shalt  }
0x6d: {  	_ =	shalt  }
0x6e: {  	_ =	shalt  }
0x6f: {  	_ =	shalt  }
0x70: {  	_ =	shalt  }
0x71: {  	_ =	shalt  }
0x72: {  	_ =	shalt  }
0x73: {  	_ =	shalt  }
0x74: {  	_ =	shalt  }
0x75: {  	_ =	shalt  }
0x76: {  	_ =	shalt  }
0x77: {  	_ =	shalt  }
0x78: {  	_ =	shalt  }
0x79: {  	_ =	shalt  }
0x7a: {  	_ =	shalt  }
0x7b: {  	_ =	shalt  }
0x7c: {  	_ =	shalt  }
0x7d: {  	_ =	shalt  }
0x7e: {  	_ =	shalt  }
0x7f: {  	_ =	shalt  }
0x80: {  	_ =	shalt  }
0x81: {  	_ =	shalt  }
0x82: {  	_ =	shalt  }
0x83: {  	_ =	shalt  }
0x84: {  	_ =	shalt  }
0x85: {  	_ =	shalt  }
0x86: {  	_ =	shalt  }
0x87: {  	_ =	shalt  }
.Lfunc_end0:
.L_simem_size_0:
called_computation.1_lowered:
.L_overlay_start_0:
0x88: {  	s2 =	sld [smem:$0x3FD9]  }
0x89: {  	s3 =	sld [smem:$0x3FFE];
	_ =	sdelay $0x1  }
0x8a: {  	s1 =	srdreg.scid  }
0x8b: {  	s0 =	sand.u32 $0x1, s1  }
0x8c: {  	s17 =	sshll.u32 s0, $0xA;
	s2 =	sadd.s32 s3, s2  }
0x8d: {  	s2 =	sadd.s32 s2, s17  }
0x8e: {  	[smem:$0x3FC4] =	sst s2  }
0x8f: {  	_ = 	snop  }
0x90: {  	s2 =	sld [smem:$0x3FC9]  }
0x91: {  	s18 =	sld [smem:$0x3FC8]  }
0x92: {  	s4 =	sld [smem:$0x3FD0];
	(tm) =	ssettm $0x1  }
0x93: {  	s5 =	sld [smem:$0x3FFB];
	_ =	sdelay $0x3  }
0x94: {  	_ =	strace s5  }
0x95: {  	s5 =	sld [smem:$0x3FFC];
	_ =	sdelay $0x3  }
0x96: {  	_ =	strace s5  }
0x97: {  	s5 =	sld [smem:$0x3FFD];
	_ =	sdelay $0x3  }
0x98: {  	_ =	strace s5  }
0x99: {  	_ =	strace $0x8FFFFFFF  }
0x9a: {  	s19 =	sld [smem:$0x3FDB];
	_ =	sdelay $0x1  }
0x9b: {  	s6 =	simm.s32 $_scs_section_size  }
0x9c: {  	s7 =	simm.s32 $_size__tile_overlayer_lowered;
	s8 =	simm.s32 $_tile_overlayer_lowered  }
0x9d: {  	s22 =	simm.s32 $0x1BFF;
	s21 =	sshll.u32 s8, $0x1;
	s5 =	sadd.s32 s6, s19  }
0x9e: {  	s9 =	simm.s32 $0x0;
	s20 =	sshll.u32 s7, $0x1;
	s7 =	sadd.s32 s21, s5  }
0x9f: {  	[timem:s9], [sflag:s22] =	dma.local [hbm:s7], s20  }
0xa0: {  	_ =	swait.ge [sflag:s22], s20  }
0xa1: {  	s6 =	ssub.s32 $0x0, s20;
	[sflag:s22] =	ssyncset.done $0x0  }
0xa2: {  	[sflag:s22] =	ssyncadd.s32 s6;
	_ =	sdelay $0x1  }
0xa3: {  	s23 =	simm.s32 $0x1B8B  }
0xa4: {  	_ =	swait.ge [sflag:s23], $0x1  }
0xa5: {  	[sflag:s23] =	ssyncset.done $0x0  }
0xa6: {  	s25 =	simm.s32 $0x1B8E;
	s24 =	sld [smem:$0x3FFE];
	[sflag:s23] =	ssyncadd.s32 $0xFFFFFFFF  }
0xa7: {  	s26 =	simm.s32 $execute0_lowered;
	[smem:$0x3FD2] =	sst s25  }
0xa8: {  	s7 =	sshll.u32 s26, $0x1;
	_ =	strace $0x80000046;
	[dreg:$0x1] =	wrdreg $0xFFFFFFFF  }
0xa9: {  	s28 =	simm.s32 $_size_execute0_lowered;
	s5 =	sadd.s32 s5, s7;
	[dreg:$0x0] =	wrdreg $0x0  }
0xaa: {  	s7 =	sshll.u32 s28, $0x1;
	[dreg:$0x2] =	wrdreg s5  }
0xab: {  	[dreg:$0x3] =	wrdreg s7  }
0xac: {  	[dreg:$0x4] =	wrdreg $0xC0  }
0xad: {  	_ =	task [dreg:s9], $0x5FFFF  }
0xae: {  	[dreg:$0x1] =	wrdreg $0xFFFFFFFF  }
0xaf: {  	[dreg:$0x0] =	wrdreg $0x60  }
0xb0: {  	[dreg:$0x2] =	wrdreg s2  }
0xb1: {  	[dreg:$0x3] =	wrdreg s18  }
0xb2: {  	[dreg:$0x4] =	wrdreg s24  }
0xb3: {  	[dreg:$0x5] =	wrdreg s4  }
0xb4: {  	[dreg:$0x6] =	wrdreg $0x9  }
0xb5: {  	_ =	task.clear_ibuf [dreg:s9], $0x7FFFF;
	_ =	strace $0x90000046  }
0xb6: {  	s29 =	simm.s32 $0x9;
	_ =	strace $0x80000048  }
0xb7: {  	_ =	swait.ge [sflag:s29], $0x1  }
0xb8: {  	[sflag:s29] =	ssyncadd.s32 $0xFFFFFFFF  }
0xb9: {  	_ =	strace $0x90000048  }
0xba: {  	_ =	sfence  }
0xbb: {  	s30 =	sld [smem:$0x0];
	_ =	sdelay $0x2  }
0xbc: {  	s31 =	sshll.u32 s1, $0xD;
	s1 =	sshrl.u32 s1, $0x2  }
0xbd: {  	s3 =	sand.u32 $0x4000, s31;
	s1 =	sadd.s32 s1, s30  }
0xbe: {  	s0 =	sor.u32 s3, s0;
	s1 =	sshll.u32 s1, $0x11  }
0xbf: {  	s0 =	sor.u32 s1, s0  }
0xc0: {  	s0 =	sadd.s32 $0x8F2B, s0  }
0xc1: {  	[sflag:s0] =	ssyncadd.remote.s32 $0x1  }
0xc2: {  	_ =	sfence.sel $0xFFFF  }
0xc3: {  	[dreg:$0x0] =	wrdreg $0xFFFFFFFF;
	(pc) =	sbr.abs _section_cstart, $3  }
0xc4: {  	[dreg:$0x1] =	wrdreg $0xFFFFFFFF  }
0xc5: {  	_ =	task.clear_ibuf [dreg:s9], $0x2FFFF;
	_ =	strace $0x9FFFFFFF  }
0xc6: {  	(tm) =	ssettm $0x7FFFFFFF  }
0xc7: {  	_ =	shalt  }
tec
execute0_lowered:
.L_overlay_start_1:
0x0: {  	(tag) =	ssettag $0x1  }
0x1: {  	s0 =	rddreg [dreg:$0x0]  }
0x2: {  	s1 =	rddreg [dreg:$0x1]  }
0x3: {  	s5 =	rddreg [dreg:$0x2]  }
0x4: {  	s3 =	srdreg.scid;
	s15 =	stileid.u32  }
0x5: {  	s2 =	rddreg [dreg:$0x3];
	s16 =	simm.s32 $0x3280;
	s17 =	simm.s32 $0x5600  }
0x6: {  	s26 =	simm.s32 $0x3580;
	s28 =	simm.s32 $0x3;
	s29 =	simm.s32 $0x3500  }
0x7: {  	s30 =	simm.s32 $0x6;
	s31 =	simm.s32 $0x9;
	s6 =	sand.u32 $0x1, s3  }
0x8: {  	s4 =	sshll.u32 s15, $0x1;
	s3 =	simm.s32 $0x0;
	s22 =	smul.u32 $0x64, s15  }
0x9: {  	s15 =	simm.s32 $0x3600;
	s7 =	sor.u32 s6, s4;
	[smem:$0x7FF] =	sst s3  }
0xa: {  	s4 =	sadd.s32 $0x800, s5;
	s9 =	ssub.s32 $0x2, s6;
	s6 =	smul.u32 $0x32, s6  }
0xb: {  	s5 =	sadd.s32 $0x2800, s5;
	s8 =	smul.u32 $0x32, s7;
	_ =	strace $0x80000047  }
0xc: {  	s12 =	sshrl.u32 s9, $0x1;
	s7 =	smul.u32 $0x320, s7;
	[dreg:$0x6] =	wrdreg s26  }
0xd: {  	s26 =	simm.s32 $0x9600;
	s9 =	ssub.s32 s9, s12;
	s25 =	sadd.s32 s6, s22  }
0xe: {  	s22 =	simm.s32 $0x2;
	s6 =	simm.s32 $0x8;
	s10 =	sand.u32 $0x7C0, s8  }
0xf: {  	s11 =	sor.u32 $0x1, s8;
	s8 =	sand.u32 $0x3E, s8;
	s0 =	sadd.s32 s0, s7  }
0x10: {  	s1 =	sadd.s32 s1, s7;
	s24 =	smax.u32 s9, $0x1;
	[dreg:$0x5] =	wrdreg s25  }
0x11: {  	s25 =	simm.s32 $0x3380;
	s7 =	simm.s32 $0xB;
	[dreg:$0x7] =	wrdreg s0  }
0x12: {  	s11 =	ssub.s32 s11, s10;
	s13 =	sshll.u32 s8, $0x3;
	[dreg:$0x8] =	wrdreg s1  }
0x13: {  	s8 =	sshrl.u32 s8, $0x3;
	[dreg:$0xb] =	wrdreg s24;
	s24 =	simm.s32 $0x5  }
0x14: {  	s1 =	simm.s32 $0x4;
	s18 =	sshrl.u32 s11, $0x1C;
	s13 =	sadd.s32 s10, s13  }
0x15: {  	s14 =	sshll.u32 s11, $0x3;
	s12 =	sand.u32 $0x7, s18;
	s13 =	sor.u32 s8, s13  }
0x16: {  	s8 =	sshll.u32 s8, $0x10;
	s10 =	sadd.s32 s10, s14;
	s12 =	sadd.s32 s12, s11  }
0x17: {  	s14 =	simm.s32 $0x3200;
	s18 =	simm.s32 $0x1;
	s12 =	sshll.u32 s12, $0x10  }
0x18: {  	s11 =	sshra.s32 s11, $0x1F;
	s13 =	sshll.u32 s13, $0xA;
	s12 =	sshra.s32 s12, $0x13  }
0x19: {  	s19 =	ssub.s32 s13, s8;
	s13 =	simm.s32 $0x80;
	s11 =	sadd.s32 s12, s11  }
0x1a: {  	s0 =	sand.u32 $0x1FFFDC00, s19;
	s19 =	simm.s32 $0x3400;
	s20 =	sadd.s32 s11, s10  }
0x1b: {  	s0 =	sadd.s32 s2, s0;
	s21 =	sshll.u32 s11, $0x10;
	s8 =	sshll.u32 s20, $0xA  }
0x1c: {  	s12 =	simm.s32 $0xA;
	[dreg:$0x9] =	wrdreg s0;
	s8 =	ssub.s32 s8, s21  }
0x1d: {  	s10 =	simm.s32 $0x0;
	s20 =	simm.s32 $0x3300;
	s23 =	sand.u32 $0x1FFFFC00, s8  }
0x1e: {  	s21 =	simm.s32 $0x7600;
	s8 =	simm.s32 $0xC;
	s0 =	sadd.s32 s2, s23  }
0x1f: {  	s23 =	simm.s32 $0x3480;
	[dreg:$0xa] =	wrdreg s0;
	s0 =	simm.s32 $0x7  }
.LBB2_1:
0x20: {  	[dreg:$0xc] =	wrdreg s10  }
0x21: {  	s9 =	rddreg [dreg:$0x7];
	s10 =	simm.s32 $0xD  }
0x22: {  	[tilespmem:s3], [sflag:$0xD] =	stream.linear.gather [hbm4b:s9+s3], $0x1900, $0x38;
	[tilespmem:$0xB600] =	vst v63  }
0x23: {  	_ =	swait.ge [sflag:s10], $0x1900  }
0x24: {  	[sflag:s10] =	ssyncset.done $0x0  }
0x25: {  	s11 =	simm.s32 $0x1900;
	s9 =	rddreg [dreg:$0x8];
	[sflag:s10] =	ssyncadd.s32 $0xFFFFE700  }
0x26: {  	[tilespmem:s11], [sflag:$0xD] =	stream.linear.gather [hbm4b:s9+s3], $0x1900, $0x38;
	[tilespmem:$0xB600] =	vst v63  }
0x27: {  	_ =	swait.ge [sflag:s10], $0x1900  }
0x28: {  	[sflag:s10] =	ssyncset.done $0x0  }
0x29: {  	[sflag:s10] =	ssyncadd.s32 $0xFFFFE700  }
0x2a: {  	v0 =	vld [tilespmem:$0x0]  }
0x2b: {  	v1 =	vld [tilespmem:$0x1900]  }
0x2c: {  	v2 =	vld [tilespmem:$0x10]  }
0x2d: {  	v3 =	vld [tilespmem:$0x1910]  }
0x2e: {  	v4 =	vld [tilespmem:$0x20]  }
0x2f: {  	v61 =	vld [tilespmem:$0x1920];
	[tilespmem:$0x3200] =	vst v0  }
0x30: {  	v62 =	vld [tilespmem:$0x30];
	[tilespmem:$0x3400] =	vst v1  }
0x31: {  	v63 =	vld [tilespmem:$0x1930];
	[tilespmem:$0x3210] =	vst v2  }
0x32: {  	v8 =	vld [tilespmem:$0x40];
	[tilespmem:$0x3410] =	vst v3  }
0x33: {  	v9 =	vld [tilespmem:$0x1940];
	[tilespmem:$0x3220] =	vst v4  }
0x34: {  	v10 =	vld [tilespmem:$0x50];
	[tilespmem:$0x3420] =	vst v61  }
0x35: {  	v11 =	vld [tilespmem:$0x1950];
	[tilespmem:$0x3230] =	vst v62  }
0x36: {  	v12 =	vld [tilespmem:$0x60];
	[tilespmem:$0x3430] =	vst v63  }
0x37: {  	v13 =	vld [tilespmem:$0x1960];
	[tilespmem:$0x3240] =	vst v8  }
0x38: {  	v14 =	vld [tilespmem:$0x70];
	[tilespmem:$0x3440] =	vst v9  }
0x39: {  	v15 =	vld [tilespmem:$0x1970];
	[tilespmem:$0x3250] =	vst v10  }
0x3a: {  	[tilespmem:$0x3450] =	vst v11  }
0x3b: {  	[tilespmem:$0x3260] =	vst v12  }
0x3c: {  	[tilespmem:$0x3460] =	vst v13  }
0x3d: {  	[tilespmem:$0x3270] =	vst v14  }
0x3e: {  	[tilespmem:$0x3470] =	vst v15  }
0x3f: {  	[tilespmem:s15], [sflag:$0x1] =	stream.indirect.gather [hbm4b:s4+s13], $0x40, s14, s13, $0xb8;
	[tilespmem:$0xB600] =	vst v63  }
0x40: {  	v16 =	vld [tilespmem:$0x80]  }
0x41: {  	v17 =	vld [tilespmem:$0x1980]  }
0x42: {  	v18 =	vld [tilespmem:$0x90]  }
0x43: {  	v19 =	vld [tilespmem:$0x1990]  }
0x44: {  	v20 =	vld [tilespmem:$0xA0]  }
0x45: {  	v21 =	vld [tilespmem:$0x19A0];
	[tilespmem:$0x3280] =	vst v16  }
0x46: {  	v22 =	vld [tilespmem:$0xB0];
	[tilespmem:$0x3480] =	vst v17  }
0x47: {  	v23 =	vld [tilespmem:$0x19B0];
	[tilespmem:$0x3290] =	vst v18  }
0x48: {  	v24 =	vld [tilespmem:$0xC0];
	[tilespmem:$0x3490] =	vst v19  }
0x49: {  	v25 =	vld [tilespmem:$0x19C0];
	[tilespmem:$0x32A0] =	vst v20  }
0x4a: {  	v26 =	vld [tilespmem:$0xD0];
	[tilespmem:$0x34A0] =	vst v21  }
0x4b: {  	v27 =	vld [tilespmem:$0x19D0];
	[tilespmem:$0x32B0] =	vst v22  }
0x4c: {  	v28 =	vld [tilespmem:$0xE0];
	[tilespmem:$0x34B0] =	vst v23  }
0x4d: {  	v29 =	vld [tilespmem:$0x19E0];
	[tilespmem:$0x32C0] =	vst v24  }
0x4e: {  	v30 =	vld [tilespmem:$0xF0];
	[tilespmem:$0x34C0] =	vst v25  }
0x4f: {  	v31 =	vld [tilespmem:$0x19F0];
	[tilespmem:$0x32D0] =	vst v26  }
0x50: {  	[tilespmem:$0x34D0] =	vst v27  }
0x51: {  	[tilespmem:$0x32E0] =	vst v28  }
0x52: {  	[tilespmem:$0x34E0] =	vst v29  }
0x53: {  	[tilespmem:$0x32F0] =	vst v30  }
0x54: {  	[tilespmem:$0x34F0] =	vst v31  }
0x55: {  	[tilespmem:s17], [sflag:$0x2] =	stream.indirect.gather [hbm4b:s4+s13], $0x40, s16, s13, $0xb8;
	[tilespmem:$0xB600] =	vst v63  }
0x56: {  	_ =	swait.ge [sflag:s18], $0x2000  }
0x57: {  	[sflag:s18] =	ssyncset.done $0x0  }
0x58: {  	[sflag:s18] =	ssyncadd.s32 $0xFFFFE000  }
0x59: {  	[tilespmem:s15], [sflag:$0x5] =	stream.indirect.gather.add.f32 [hbm:s5], $0x40, s19, s13, $0xb8;
	[tilespmem:$0xB600] =	vst v63  }
0x5a: {  	v32 =	vld [tilespmem:$0x100]  }
0x5b: {  	v33 =	vld [tilespmem:$0x1A00]  }
0x5c: {  	v34 =	vld [tilespmem:$0x110]  }
0x5d: {  	v35 =	vld [tilespmem:$0x1A10]  }
0x5e: {  	v36 =	vld [tilespmem:$0x120]  }
0x5f: {  	v37 =	vld [tilespmem:$0x1A20];
	[tilespmem:$0x3300] =	vst v32  }
0x60: {  	v38 =	vld [tilespmem:$0x130];
	[tilespmem:$0x3500] =	vst v33  }
0x61: {  	v39 =	vld [tilespmem:$0x1A30];
	[tilespmem:$0x3310] =	vst v34  }
0x62: {  	v40 =	vld [tilespmem:$0x140];
	[tilespmem:$0x3510] =	vst v35  }
0x63: {  	v41 =	vld [tilespmem:$0x1A40];
	[tilespmem:$0x3320] =	vst v36  }
0x64: {  	v42 =	vld [tilespmem:$0x150];
	[tilespmem:$0x3520] =	vst v37  }
0x65: {  	v43 =	vld [tilespmem:$0x1A50];
	[tilespmem:$0x3330] =	vst v38  }
0x66: {  	v44 =	vld [tilespmem:$0x160];
	[tilespmem:$0x3530] =	vst v39  }
0x67: {  	v45 =	vld [tilespmem:$0x1A60];
	[tilespmem:$0x3340] =	vst v40  }
0x68: {  	v46 =	vld [tilespmem:$0x170];
	[tilespmem:$0x3540] =	vst v41  }
0x69: {  	v47 =	vld [tilespmem:$0x1A70];
	[tilespmem:$0x3350] =	vst v42  }
0x6a: {  	[tilespmem:$0x3550] =	vst v43  }
0x6b: {  	[tilespmem:$0x3360] =	vst v44  }
0x6c: {  	[tilespmem:$0x3560] =	vst v45  }
0x6d: {  	[tilespmem:$0x3370] =	vst v46  }
0x6e: {  	[tilespmem:$0x3570] =	vst v47  }
0x6f: {  	[tilespmem:s21], [sflag:$0x3] =	stream.indirect.gather [hbm4b:s4+s13], $0x40, s20, s13, $0xb8;
	[tilespmem:$0xB600] =	vst v63  }
0x70: {  	_ =	swait.ge [sflag:s22], $0x2000  }
0x71: {  	[sflag:s22] =	ssyncset.done $0x0  }
0x72: {  	[sflag:s22] =	ssyncadd.s32 $0xFFFFE000  }
0x73: {  	[tilespmem:s17], [sflag:$0x6] =	stream.indirect.gather.add.f32 [hbm:s5], $0x40, s23, s13, $0xb8;
	[tilespmem:$0xB600] =	vst v63  }
0x74: {  	_ =	swait.ge [sflag:s24], $0x2000  }
0x75: {  	[sflag:s24] =	ssyncset.done $0x0  }
0x76: {  	s23 =	rddreg [dreg:$0x9];
	[sflag:s24] =	ssyncadd.s32 $0xFFFFE000  }
0x77: {  	[hbm4b:s23+s3] =	stream.linear.scatter [tilespmem:s15], [sflag:$0x9], $0x2000, $0x38;
	[tilespmem:$0xB600] =	vst v63  }
0x78: {  	v48 =	vld [tilespmem:$0x180]  }
0x79: {  	v49 =	vld [tilespmem:$0x1A80]  }
0x7a: {  	v50 =	vld [tilespmem:$0x190]  }
0x7b: {  	v51 =	vld [tilespmem:$0x1A90]  }
0x7c: {  	v52 =	vld [tilespmem:$0x1A0]  }
0x7d: {  	v53 =	vld [tilespmem:$0x1AA0];
	[tilespmem:$0x3380] =	vst v48  }
0x7e: {  	v54 =	vld [tilespmem:$0x1B0];
	[tilespmem:$0x3580] =	vst v49  }
0x7f: {  	v55 =	vld [tilespmem:$0x1AB0];
	[tilespmem:$0x3390] =	vst v50  }
0x80: {  	v56 =	vld [tilespmem:$0x1C0];
	[tilespmem:$0x3590] =	vst v51  }
0x81: {  	v57 =	vld [tilespmem:$0x1AC0];
	[tilespmem:$0x33A0] =	vst v52  }
0x82: {  	v58 =	vld [tilespmem:$0x1D0];
	[tilespmem:$0x35A0] =	vst v53  }
0x83: {  	v59 =	vld [tilespmem:$0x1AD0];
	[tilespmem:$0x33B0] =	vst v54  }
0x84: {  	v60 =	vld [tilespmem:$0x1E0];
	[tilespmem:$0x35B0] =	vst v55  }
0x85: {  	v61 =	vld [tilespmem:$0x1AE0];
	[tilespmem:$0x33C0] =	vst v56  }
0x86: {  	v62 =	vld [tilespmem:$0x1F0];
	[tilespmem:$0x35C0] =	vst v57  }
0x87: {  	v63 =	vld [tilespmem:$0x1AF0];
	[tilespmem:$0x33D0] =	vst v58  }
0x88: {  	[tilespmem:$0x35D0] =	vst v59  }
0x89: {  	[tilespmem:$0x33E0] =	vst v60  }
0x8a: {  	[tilespmem:$0x35E0] =	vst v61  }
0x8b: {  	[tilespmem:$0x33F0] =	vst v62  }
0x8c: {  	[tilespmem:$0x35F0] =	vst v63  }
0x8d: {  	[tilespmem:s26], [sflag:$0x4] =	stream.indirect.gather [hbm4b:s4+s13], $0x40, s25, s13, $0xb8;
	[tilespmem:$0xB600] =	vst v63  }
0x8e: {  	_ =	swait.ge [sflag:s28], $0x2000  }
0x8f: {  	[sflag:s28] =	ssyncset.done $0x0  }
0x90: {  	[sflag:s28] =	ssyncadd.s32 $0xFFFFE000  }
0x91: {  	[tilespmem:s21], [sflag:$0x7] =	stream.indirect.gather.add.f32 [hbm:s5], $0x40, s29, s13, $0xb8;
	[tilespmem:$0xB600] =	vst v63  }
0x92: {  	_ =	swait.ge [sflag:s30], $0x2000  }
0x93: {  	s11 =	simm.s32 $0x2F0;
	s9 =	simm.s32 $0x0;
	[sflag:s30] =	ssyncset.done $0x0  }
0x94: {  	s10 =	simm.s32 $0x1BF0;
	s25 =	rddreg [dreg:$0xa];
	[sflag:s30] =	ssyncadd.s32 $0xFFFFE000  }
0x95: {  	[hbm4b:s25+s3] =	stream.linear.scatter [tilespmem:s17], [sflag:$0xA], $0x2000, $0x38;
	[tilespmem:$0xB600] =	vst v63  }
0x96: {  	s23 =	simm.s32 $0x3380;
	s29 =	simm.s32 $0x3300;
	s25 =	simm.s32 $0x3500  }
.LBB2_2:
0x97: {  	v0 =	vld [tilespmem:s11+$0xFFFFFF10];
	_ =	sdelay $0x4  }
0x98: {  	[tilespmem:$0x3200] =	vst v0  }
0x99: {  	v0 =	vld [tilespmem:s10+$0xFFFFFF10];
	_ =	sdelay $0x4  }
0x9a: {  	[tilespmem:$0x3400] =	vst v0  }
0x9b: {  	v0 =	vld [tilespmem:s11+$0xFFFFFF20];
	_ =	sdelay $0x4  }
0x9c: {  	[tilespmem:$0x3210] =	vst v0  }
0x9d: {  	v0 =	vld [tilespmem:s10+$0xFFFFFF20];
	_ =	sdelay $0x4  }
0x9e: {  	[tilespmem:$0x3410] =	vst v0  }
0x9f: {  	v0 =	vld [tilespmem:s11+$0xFFFFFF30];
	_ =	sdelay $0x4  }
0xa0: {  	[tilespmem:$0x3220] =	vst v0  }
0xa1: {  	v0 =	vld [tilespmem:s10+$0xFFFFFF30];
	_ =	sdelay $0x4  }
0xa2: {  	[tilespmem:$0x3420] =	vst v0  }
0xa3: {  	v0 =	vld [tilespmem:s11+$0xFFFFFF40];
	_ =	sdelay $0x4  }
0xa4: {  	[tilespmem:$0x3230] =	vst v0  }
0xa5: {  	v0 =	vld [tilespmem:s10+$0xFFFFFF40];
	_ =	sdelay $0x4  }
0xa6: {  	[tilespmem:$0x3430] =	vst v0  }
0xa7: {  	v0 =	vld [tilespmem:s11+$0xFFFFFF50];
	_ =	sdelay $0x4  }
0xa8: {  	[tilespmem:$0x3240] =	vst v0  }
0xa9: {  	v0 =	vld [tilespmem:s10+$0xFFFFFF50];
	_ =	sdelay $0x4  }
0xaa: {  	[tilespmem:$0x3440] =	vst v0  }
0xab: {  	v0 =	vld [tilespmem:s11+$0xFFFFFF60];
	_ =	sdelay $0x4  }
0xac: {  	[tilespmem:$0x3250] =	vst v0  }
0xad: {  	v0 =	vld [tilespmem:s10+$0xFFFFFF60];
	_ =	sdelay $0x4  }
0xae: {  	[tilespmem:$0x3450] =	vst v0  }
0xaf: {  	v0 =	vld [tilespmem:s11+$0xFFFFFF70];
	_ =	sdelay $0x4  }
0xb0: {  	[tilespmem:$0x3260] =	vst v0  }
0xb1: {  	v0 =	vld [tilespmem:s10+$0xFFFFFF70];
	_ =	sdelay $0x4  }
0xb2: {  	[tilespmem:$0x3460] =	vst v0  }
0xb3: {  	v0 =	vld [tilespmem:s11+$0xFFFFFF80];
	_ =	sdelay $0x4  }
0xb4: {  	[tilespmem:$0x3270] =	vst v0  }
0xb5: {  	v0 =	vld [tilespmem:s10+$0xFFFFFF80];
	_ =	sdelay $0x4  }
0xb6: {  	[tilespmem:$0x3470] =	vst v0  }
0xb7: {  	_ =	swait.ge [sflag:s31], $0x2000  }
0xb8: {  	[sflag:s31] =	ssyncset.done $0x0  }
0xb9: {  	[sflag:s31] =	ssyncadd.s32 $0xFFFFE000  }
0xba: {  	[tilespmem:s15], [sflag:$0x1] =	stream.indirect.gather [hbm4b:s4+s13], $0x40, s14, s13, $0xb8;
	[tilespmem:$0xB600] =	vst v63  }
0xbb: {  	_ =	swait.ge [sflag:s1], $0x2000  }
0xbc: {  	[sflag:s1] =	ssyncset.done $0x0  }
0xbd: {  	s16 =	rddreg [dreg:$0x6];
	[sflag:s1] =	ssyncadd.s32 $0xFFFFE000  }
0xbe: {  	[tilespmem:s26], [sflag:$0x8] =	stream.indirect.gather.add.f32 [hbm:s5], $0x40, s16, s13, $0xb8;
	[tilespmem:$0xB600] =	vst v63  }
0xbf: {  	_ =	swait.ge [sflag:s0], $0x2000  }
0xc0: {  	s19 =	rddreg [dreg:$0x5]  }
0xc1: {  	s14 =	sadd.s32 s9, s19  }
0xc2: {  	s16 =	sadd.s32 $0x2, s14  }
0xc3: {  	s19 =	sand.u32 $0x3E, s16  }
0xc4: {  	s16 =	sand.u32 $0xFC0, s16;
	s20 =	sshll.u32 s19, $0x3  }
0xc5: {  	s19 =	sshrl.u32 s19, $0x3;
	s16 =	sadd.s32 s16, s20  }
0xc6: {  	s16 =	sor.u32 s19, s16  }
0xc7: {  	s19 =	sshll.u32 s19, $0x10;
	s16 =	sshll.u32 s16, $0xA  }
0xc8: {  	s16 =	ssub.s32 s16, s19  }
0xc9: {  	[sflag:s0] =	ssyncset.done $0x0;
	s16 =	sand.u32 $0x1FFFDC00, s16  }
0xca: {  	[sflag:s0] =	ssyncadd.s32 $0xFFFFE000;
	s16 =	sadd.s32 s2, s16  }
0xcb: {  	[hbm4b:s16+s3] =	stream.linear.scatter [tilespmem:s21], [sflag:$0xB], $0x2000, $0x38;
	[tilespmem:$0xB600] =	vst v63  }
0xcc: {  	v61 =	vld [tilespmem:s11+$0xFFFFFF90];
	_ =	sdelay $0x4  }
0xcd: {  	[tilespmem:$0x3280] =	vst v61  }
0xce: {  	v0 =	vld [tilespmem:s10+$0xFFFFFF90];
	_ =	sdelay $0x4  }
0xcf: {  	[tilespmem:$0x3480] =	vst v0  }
0xd0: {  	v0 =	vld [tilespmem:s11+$0xFFFFFFA0];
	_ =	sdelay $0x4  }
0xd1: {  	[tilespmem:$0x3290] =	vst v0  }
0xd2: {  	v0 =	vld [tilespmem:s10+$0xFFFFFFA0];
	_ =	sdelay $0x4  }
0xd3: {  	[tilespmem:$0x3490] =	vst v0  }
0xd4: {  	v0 =	vld [tilespmem:s11+$0xFFFFFFB0];
	_ =	sdelay $0x4  }
0xd5: {  	[tilespmem:$0x32A0] =	vst v0  }
0xd6: {  	v0 =	vld [tilespmem:s10+$0xFFFFFFB0];
	_ =	sdelay $0x4  }
0xd7: {  	[tilespmem:$0x34A0] =	vst v0  }
0xd8: {  	v0 =	vld [tilespmem:s11+$0xFFFFFFC0];
	_ =	sdelay $0x4  }
0xd9: {  	[tilespmem:$0x32B0] =	vst v0  }
0xda: {  	v0 =	vld [tilespmem:s10+$0xFFFFFFC0];
	_ =	sdelay $0x4  }
0xdb: {  	[tilespmem:$0x34B0] =	vst v0  }
0xdc: {  	v0 =	vld [tilespmem:s11+$0xFFFFFFD0];
	_ =	sdelay $0x4  }
0xdd: {  	[tilespmem:$0x32C0] =	vst v0  }
0xde: {  	v0 =	vld [tilespmem:s10+$0xFFFFFFD0];
	_ =	sdelay $0x4  }
0xdf: {  	[tilespmem:$0x34C0] =	vst v0  }
0xe0: {  	v0 =	vld [tilespmem:s11+$0xFFFFFFE0];
	_ =	sdelay $0x4  }
0xe1: {  	[tilespmem:$0x32D0] =	vst v0  }
0xe2: {  	v0 =	vld [tilespmem:s10+$0xFFFFFFE0];
	_ =	sdelay $0x4  }
0xe3: {  	[tilespmem:$0x34D0] =	vst v0  }
0xe4: {  	v0 =	vld [tilespmem:s11+$0xFFFFFFF0];
	_ =	sdelay $0x4  }
0xe5: {  	[tilespmem:$0x32E0] =	vst v0  }
0xe6: {  	v0 =	vld [tilespmem:s10+$0xFFFFFFF0];
	_ =	sdelay $0x4  }
0xe7: {  	[tilespmem:$0x34E0] =	vst v0  }
0xe8: {  	v0 =	vld [tilespmem:s11+$0x0];
	_ =	sdelay $0x4  }
0xe9: {  	[tilespmem:$0x32F0] =	vst v0  }
0xea: {  	v0 =	vld [tilespmem:s10+$0x0];
	_ =	sdelay $0x4  }
0xeb: {  	[tilespmem:$0x34F0] =	vst v0  }
0xec: {  	_ =	swait.ge [sflag:s12], $0x2000  }
0xed: {  	[sflag:s12] =	ssyncset.done $0x0  }
0xee: {  	s20 =	simm.s32 $0x3280;
	[sflag:s12] =	ssyncadd.s32 $0xFFFFE000  }
0xef: {  	[tilespmem:s17], [sflag:$0x2] =	stream.indirect.gather [hbm4b:s4+s13], $0x40, s20, s13, $0xb8;
	[tilespmem:$0xB600] =	vst v63  }
0xf0: {  	_ =	swait.ge [sflag:s18], $0x2000  }
0xf1: {  	[sflag:s18] =	ssyncset.done $0x0  }
0xf2: {  	s19 =	simm.s32 $0x3400;
	s20 =	sadd.s32 $0x3, s14;
	[sflag:s18] =	ssyncadd.s32 $0xFFFFE000  }
0xf3: {  	[tilespmem:s15], [sflag:$0x5] =	stream.indirect.gather.add.f32 [hbm:s5], $0x40, s19, s13, $0xb8;
	[tilespmem:$0xB600] =	vst v63  }
0xf4: {  	s19 =	sand.u32 $0x3F, s20  }
0xf5: {  	s16 =	sand.u32 $0xFC0, s20;
	s20 =	sshll.u32 s19, $0x3  }
0xf6: {  	s19 =	sshrl.u32 s19, $0x3;
	s16 =	sadd.s32 s16, s20  }
0xf7: {  	s16 =	sor.u32 s19, s16  }
0xf8: {  	s19 =	sshll.u32 s19, $0x10;
	s16 =	sshll.u32 s16, $0xA  }
0xf9: {  	_ =	swait.ge [sflag:s6], $0x2000;
	s16 =	ssub.s32 s16, s19  }
0xfa: {  	[sflag:s6] =	ssyncset.done $0x0;
	s16 =	sand.u32 $0x1FFFFC00, s16  }
0xfb: {  	s20 =	smin.u32 s9, $0x2B;
	[sflag:s6] =	ssyncadd.s32 $0xFFFFE000;
	s16 =	sadd.s32 s2, s16  }
0xfc: {  	[hbm4b:s16+s3] =	stream.linear.scatter [tilespmem:s26], [sflag:$0xC], $0x2000, $0x38;
	[tilespmem:$0xB600] =	vst v63  }
0xfd: {  	s16 =	sshll.u32 s20, $0x7  }
0xfe: {  	v62 =	vld [tilespmem:s16+$0x300];
	_ =	sdelay $0x4  }
0xff: {  	[tilespmem:$0x3300] =	vst v62  }
0x100: {  	v0 =	vld [tilespmem:s16+$0x1C00];
	_ =	sdelay $0x4  }
0x101: {  	[tilespmem:$0x3500] =	vst v0  }
0x102: {  	v0 =	vld [tilespmem:s16+$0x310];
	_ =	sdelay $0x4  }
0x103: {  	[tilespmem:$0x3310] =	vst v0  }
0x104: {  	v0 =	vld [tilespmem:s16+$0x1C10];
	_ =	sdelay $0x4  }
0x105: {  	[tilespmem:$0x3510] =	vst v0  }
0x106: {  	v0 =	vld [tilespmem:s16+$0x320];
	_ =	sdelay $0x4  }
0x107: {  	[tilespmem:$0x3320] =	vst v0  }
0x108: {  	v0 =	vld [tilespmem:s16+$0x1C20];
	_ =	sdelay $0x4  }
0x109: {  	[tilespmem:$0x3520] =	vst v0  }
0x10a: {  	v0 =	vld [tilespmem:s16+$0x330];
	_ =	sdelay $0x4  }
0x10b: {  	[tilespmem:$0x3330] =	vst v0  }
0x10c: {  	v0 =	vld [tilespmem:s16+$0x1C30];
	_ =	sdelay $0x4  }
0x10d: {  	[tilespmem:$0x3530] =	vst v0  }
0x10e: {  	v0 =	vld [tilespmem:s16+$0x340];
	_ =	sdelay $0x4  }
0x10f: {  	[tilespmem:$0x3340] =	vst v0  }
0x110: {  	v0 =	vld [tilespmem:s16+$0x1C40];
	_ =	sdelay $0x4  }
0x111: {  	[tilespmem:$0x3540] =	vst v0  }
0x112: {  	v0 =	vld [tilespmem:s16+$0x350];
	_ =	sdelay $0x4  }
0x113: {  	[tilespmem:$0x3350] =	vst v0  }
0x114: {  	v0 =	vld [tilespmem:s16+$0x1C50];
	_ =	sdelay $0x4  }
0x115: {  	[tilespmem:$0x3550] =	vst v0  }
0x116: {  	v0 =	vld [tilespmem:s16+$0x360];
	_ =	sdelay $0x4  }
0x117: {  	[tilespmem:$0x3360] =	vst v0  }
0x118: {  	v0 =	vld [tilespmem:s16+$0x1C60];
	_ =	sdelay $0x4  }
0x119: {  	[tilespmem:$0x3560] =	vst v0  }
0x11a: {  	v0 =	vld [tilespmem:s16+$0x370];
	_ =	sdelay $0x4  }
0x11b: {  	[tilespmem:$0x3370] =	vst v0  }
0x11c: {  	v0 =	vld [tilespmem:s16+$0x1C70];
	_ =	sdelay $0x4  }
0x11d: {  	[tilespmem:$0x3570] =	vst v0  }
0x11e: {  	_ =	swait.ge [sflag:s7], $0x2000  }
0x11f: {  	[sflag:s7] =	ssyncset.done $0x0  }
0x120: {  	[sflag:s7] =	ssyncadd.s32 $0xFFFFE000  }
0x121: {  	[tilespmem:s21], [sflag:$0x3] =	stream.indirect.gather [hbm4b:s4+s13], $0x40, s29, s13, $0xb8;
	[tilespmem:$0xB600] =	vst v63  }
0x122: {  	_ =	swait.ge [sflag:s22], $0x2000  }
0x123: {  	[sflag:s22] =	ssyncset.done $0x0  }
0x124: {  	s19 =	simm.s32 $0x3480;
	s20 =	sadd.s32 $0x4, s14;
	[sflag:s22] =	ssyncadd.s32 $0xFFFFE000  }
0x125: {  	[tilespmem:s17], [sflag:$0x6] =	stream.indirect.gather.add.f32 [hbm:s5], $0x40, s19, s13, $0xb8;
	[tilespmem:$0xB600] =	vst v63  }
0x126: {  	s19 =	sand.u32 $0x3E, s20  }
0x127: {  	s16 =	sand.u32 $0xFC0, s20;
	s20 =	sshll.u32 s19, $0x3  }
0x128: {  	s19 =	sshrl.u32 s19, $0x3;
	s16 =	sadd.s32 s16, s20  }
0x129: {  	s16 =	sor.u32 s19, s16  }
0x12a: {  	s19 =	sshll.u32 s19, $0x10;
	s16 =	sshll.u32 s16, $0xA  }
0x12b: {  	_ =	swait.ge [sflag:s24], $0x2000;
	s16 =	ssub.s32 s16, s19  }
0x12c: {  	[sflag:s24] =	ssyncset.done $0x0;
	s16 =	sand.u32 $0x1FFFDC00, s16  }
0x12d: {  	[sflag:s24] =	ssyncadd.s32 $0xFFFFE000;
	s19 =	smin.u32 s9, $0x2A;
	s16 =	sadd.s32 s2, s16  }
0x12e: {  	[hbm4b:s16+s3] =	stream.linear.scatter [tilespmem:s15], [sflag:$0x9], $0x2000, $0x38;
	[tilespmem:$0xB600] =	vst v63  }
0x12f: {  	s16 =	sshll.u32 s19, $0x7  }
0x130: {  	v63 =	vld [tilespmem:s16+$0x380];
	_ =	sdelay $0x4  }
0x131: {  	[tilespmem:$0x3380] =	vst v63  }
0x132: {  	v0 =	vld [tilespmem:s16+$0x1C80];
	_ =	sdelay $0x4  }
0x133: {  	[tilespmem:$0x3580] =	vst v0  }
0x134: {  	v0 =	vld [tilespmem:s16+$0x390];
	_ =	sdelay $0x4  }
0x135: {  	[tilespmem:$0x3390] =	vst v0  }
0x136: {  	v0 =	vld [tilespmem:s16+$0x1C90];
	_ =	sdelay $0x4  }
0x137: {  	[tilespmem:$0x3590] =	vst v0  }
0x138: {  	v0 =	vld [tilespmem:s16+$0x3A0];
	_ =	sdelay $0x4  }
0x139: {  	[tilespmem:$0x33A0] =	vst v0  }
0x13a: {  	v0 =	vld [tilespmem:s16+$0x1CA0];
	_ =	sdelay $0x4  }
0x13b: {  	[tilespmem:$0x35A0] =	vst v0  }
0x13c: {  	v0 =	vld [tilespmem:s16+$0x3B0];
	_ =	sdelay $0x4  }
0x13d: {  	[tilespmem:$0x33B0] =	vst v0  }
0x13e: {  	v0 =	vld [tilespmem:s16+$0x1CB0];
	_ =	sdelay $0x4  }
0x13f: {  	[tilespmem:$0x35B0] =	vst v0  }
0x140: {  	v0 =	vld [tilespmem:s16+$0x3C0];
	_ =	sdelay $0x4  }
0x141: {  	[tilespmem:$0x33C0] =	vst v0  }
0x142: {  	v0 =	vld [tilespmem:s16+$0x1CC0];
	_ =	sdelay $0x4  }
0x143: {  	[tilespmem:$0x35C0] =	vst v0  }
0x144: {  	v0 =	vld [tilespmem:s16+$0x3D0];
	_ =	sdelay $0x4  }
0x145: {  	[tilespmem:$0x33D0] =	vst v0  }
0x146: {  	v0 =	vld [tilespmem:s16+$0x1CD0];
	_ =	sdelay $0x4  }
0x147: {  	[tilespmem:$0x35D0] =	vst v0  }
0x148: {  	v0 =	vld [tilespmem:s16+$0x3E0];
	_ =	sdelay $0x4  }
0x149: {  	[tilespmem:$0x33E0] =	vst v0  }
0x14a: {  	v0 =	vld [tilespmem:s16+$0x1CE0];
	_ =	sdelay $0x4  }
0x14b: {  	[tilespmem:$0x35E0] =	vst v0  }
0x14c: {  	v0 =	vld [tilespmem:s16+$0x3F0];
	_ =	sdelay $0x4  }
0x14d: {  	[tilespmem:$0x33F0] =	vst v0  }
0x14e: {  	v0 =	vld [tilespmem:s16+$0x1CF0];
	_ =	sdelay $0x4  }
0x14f: {  	[tilespmem:$0x35F0] =	vst v0  }
0x150: {  	s14 =	sadd.s32 $0x5, s14;
	_ =	swait.ge [sflag:s8], $0x2000  }
0x151: {  	s16 =	sand.u32 $0x3F, s14;
	[sflag:s8] =	ssyncset.done $0x0  }
0x152: {  	s14 =	sand.u32 $0xFC0, s14;
	s20 =	sshll.u32 s16, $0x3;
	[sflag:s8] =	ssyncadd.s32 $0xFFFFE000  }
0x153: {  	[tilespmem:s26], [sflag:$0x4] =	stream.indirect.gather [hbm4b:s4+s13], $0x40, s23, s13, $0xb8;
	[tilespmem:$0xB600] =	vst v63  }
0x154: {  	s16 =	sshrl.u32 s16, $0x3;
	s14 =	sadd.s32 s14, s20;
	_ =	swait.ge [sflag:s28], $0x2000  }
0x155: {  	p0 =	sne.s32 s9, $0x2C;
	s14 =	sor.u32 s16, s14;
	[sflag:s28] =	ssyncset.done $0x0  }
0x156: {  	s16 =	sshll.u32 s16, $0x10;
	s14 =	sshll.u32 s14, $0xA;
	[sflag:s28] =	ssyncadd.s32 $0xFFFFE000  }
0x157: {  	[tilespmem:s21], [sflag:$0x7] =	stream.indirect.gather.add.f32 [hbm:s5], $0x40, s25, s13, $0xb8;
	[tilespmem:$0xB600] =	vst v63  }
.Ltmp0:
0x158: {  	s14 =	ssub.s32 s14, s16;
	_ =	swait.ge [sflag:s30], $0x2000;
	(pc) =	sbr.rel @p0 .LBB2_2-.Ltmp0, $4  }
0x159: {  	s14 =	sand.u32 $0x1FFFFC00, s14;
	[sflag:s30] =	ssyncset.done $0x0  }
0x15a: {  	s11 =	sadd.s32 $0x200, s11;
	s14 =	sadd.s32 s2, s14;
	[sflag:s30] =	ssyncadd.s32 $0xFFFFE000  }
0x15b: {  	[hbm4b:s14+s3] =	stream.linear.scatter [tilespmem:s17], [sflag:$0xA], $0x2000, $0x38;
	[tilespmem:$0xB600] =	vst v63  }
0x15c: {  	s10 =	sadd.s32 $0x200, s10;
	s9 =	sadd.s32 $0x4, s9;
	s14 =	simm.s32 $0x3200  }
0x15d: {  	_ =	swait.ge [sflag:s0], $0x2000  }
0x15e: {  	[sflag:s0] =	ssyncset.done $0x0  }
0x15f: {  	[sflag:s0] =	ssyncadd.s32 $0xFFFFE000  }
0x160: {  	_ =	swait.ge [sflag:s1], $0x2000  }
0x161: {  	[sflag:s1] =	ssyncset.done $0x0  }
0x162: {  	[sflag:s1] =	ssyncadd.s32 $0xFFFFE000  }
0x163: {  	_ =	swait.ge [sflag:s31], $0x2000  }
0x164: {  	[sflag:s31] =	ssyncset.done $0x0  }
0x165: {  	[sflag:s31] =	ssyncadd.s32 $0xFFFFE000  }
0x166: {  	_ =	swait.ge [sflag:s12], $0x2000  }
0x167: {  	s10 =	rddreg [dreg:$0xc]  }
0x168: {  	s9 =	rddreg [dreg:$0xb];
	s10 =	sadd.s32 $0x1, s10  }
0x169: {  	p0 =	sne.s32 s10, s9  }
.Ltmp1:
0x16a: {  	_ = 	snop;
	(pc) =	sbr.rel @p0 .LBB2_1-.Ltmp1, $4  }
0x16b: {  	_ = 	snop  }
0x16c: {  	s16 =	simm.s32 $0x3280;
	s19 =	simm.s32 $0x3400  }
0x16d: {  	s20 =	simm.s32 $0x3300;
	s23 =	simm.s32 $0x3480;
	[sflag:s12] =	ssyncset.done $0x0  }
0x16e: {  	s25 =	simm.s32 $0x3380;
	s29 =	simm.s32 $0x3500;
	[sflag:s12] =	ssyncadd.s32 $0xFFFFE000  }
0x16f: {  	_ =	sfence.sel $0x180000  }
0x170: {  	[bflag:$0x0] =	sbarrier.arrive $0xFFFF  }
0x171: {  	_ =	strace $0x90000047  }
0x172: {  	s0 =	stileid.u32;
	[bflag:$0x2] =	sbarrier.arrive $0xFFFF  }
0x173: {  	p0 =	sne.s32 s0, $0x0;
	s0 =	rddreg [dreg:$0x4]  }
0x174: {  	s0 =	sadd.s32 @!p0 $0x100000, s0  }
0x175: {  	[sflag:s0] =	ssyncadd.tile.s32 @!p0 $0x1;
	_ =	shalt  }
.Lfunc_end2:
_tile_overlayer_lowered:
.L_overlay_start_2:
0x176: {  	(tag) =	ssettag $0x2  }
0x177: {  	s0 =	rddreg [dreg:$0x0];
	s2 =	stileid.u32  }
0x178: {  	s1 =	rddreg [dreg:$0x1];
	p0 =	sne.s32 s2, $0x0  }
0x179: {  	s3 =	rddreg [dreg:$0x2];
	[bflag:$0x3] =	sbarrier.arrive $0xFFFF;
	s2 =	simm.s32 @!p0 $0x1C0D  }
0x17a: {  	[timem:s3], [sflag:s2] =	dma.local @!p0 [hbm:s0], s1  }
0x17b: {  	s0 =	simm.s32 @!p0 $0xD  }
0x17c: {  	_ =	swait.ge @!p0 [sflag:s0], s1  }
0x17d: {  	s1 =	ssub.s32 @!p0 $0x0, s1;
	[sflag:s0] =	ssyncset.done @!p0 $0x0  }
0x17e: {  	[sflag:s0] =	ssyncadd.s32 @!p0 s1  }
0x17f: {  	[bflag:$0x3] =	sbarrier.arrive $0xFFFF  }
0x180: {  	_ =	shalt  }

// kernel: sparse-core-data-format-call.cloned.1.call-start
scs
called_computation_lowered:
.L_overlay_start_0:
0x0: {  	s2 =	sld [smem:$0x3FD9]  }
0x1: {  	s3 =	sld [smem:$0x3FFE];
	_ =	sdelay $0x1  }
0x2: {  	s1 =	srdreg.scid  }
0x3: {  	s0 =	sand.u32 $0x1, s1  }
0x4: {  	s18 =	sshll.u32 s0, $0xA;
	s2 =	sadd.s32 s3, s2  }
0x5: {  	s2 =	sadd.s32 s2, s18  }
0x6: {  	[smem:$0x3FC4] =	sst s2  }
0x7: {  	_ = 	snop  }
0x8: {  	s2 =	sld [smem:$0x3FD0];
	(tm) =	ssettm $0x1  }
0x9: {  	s19 =	sld [smem:$0x3FFB];
	_ =	sdelay $0x3  }
0xa: {  	_ =	strace s19  }
0xb: {  	s3 =	sld [smem:$0x3FFC];
	_ =	sdelay $0x3  }
0xc: {  	_ =	strace s3  }
0xd: {  	s3 =	sld [smem:$0x3FFD];
	_ =	sdelay $0x3  }
0xe: {  	_ =	strace s3  }
0xf: {  	_ =	strace $0x8FFFFFFF  }
0x10: {  	s20 =	sld [smem:$0x3FDB];
	_ =	sdelay $0x1  }
0x11: {  	s4 =	simm.s32 $_scs_section_size  }
0x12: {  	s5 =	simm.s32 $_size__tile_overlayer_lowered;
	s6 =	simm.s32 $_tile_overlayer_lowered  }
0x13: {  	s23 =	simm.s32 $0x1BFF;
	s22 =	sshll.u32 s6, $0x1;
	s3 =	sadd.s32 s4, s20  }
0x14: {  	s7 =	simm.s32 $0x0;
	s21 =	sshll.u32 s5, $0x1;
	s5 =	sadd.s32 s22, s3  }
0x15: {  	[timem:s7], [sflag:s23] =	dma.local [hbm:s5], s21  }
0x16: {  	_ =	swait.ge [sflag:s23], s21  }
0x17: {  	s4 =	ssub.s32 $0x0, s21;
	[sflag:s23] =	ssyncset.done $0x0  }
0x18: {  	[sflag:s23] =	ssyncadd.s32 s4;
	_ =	sdelay $0x1  }
0x19: {  	s24 =	simm.s32 $0x1B8B  }
0x1a: {  	_ =	swait.ge [sflag:s24], $0x1  }
0x1b: {  	[sflag:s24] =	ssyncset.done $0x0  }
0x1c: {  	s26 =	simm.s32 $0x1B8E;
	s25 =	sld [smem:$0x3FFE];
	[sflag:s24] =	ssyncadd.s32 $0xFFFFFFFF  }
0x1d: {  	s27 =	simm.s32 $execute0_lowered;
	[smem:$0x3FD2] =	sst s26  }
0x1e: {  	s5 =	sshll.u32 s27, $0x1;
	_ =	strace $0x80000049;
	[dreg:$0x1] =	wrdreg $0xFFFFFFFF  }
0x1f: {  	s28 =	simm.s32 $_size_execute0_lowered;
	s3 =	sadd.s32 s3, s5;
	[dreg:$0x0] =	wrdreg $0x0  }
0x20: {  	s5 =	sshll.u32 s28, $0x1;
	[dreg:$0x2] =	wrdreg s3  }
0x21: {  	[dreg:$0x3] =	wrdreg s5  }
0x22: {  	[dreg:$0x4] =	wrdreg $0xC0  }
0x23: {  	_ =	task [dreg:s7], $0x5FFFF  }
0x24: {  	[dreg:$0x1] =	wrdreg $0xFFFFFFFF  }
0x25: {  	[dreg:$0x0] =	wrdreg $0x60  }
0x26: {  	[dreg:$0x2] =	wrdreg s25  }
0x27: {  	[dreg:$0x3] =	wrdreg s2  }
0x28: {  	[dreg:$0x4] =	wrdreg $0x9  }
0x29: {  	_ =	task.clear_ibuf [dreg:s7], $0x5FFFF;
	_ =	strace $0x90000049  }
0x2a: {  	s29 =	simm.s32 $0x9;
	_ =	strace $0x8000004B  }
0x2b: {  	_ =	swait.ge [sflag:s29], $0x1  }
0x2c: {  	[sflag:s29] =	ssyncadd.s32 $0xFFFFFFFF  }
0x2d: {  	_ =	strace $0x9000004B  }
0x2e: {  	_ =	sfence  }
0x2f: {  	s30 =	sld [smem:$0x0];
	_ =	sdelay $0x2  }
0x30: {  	s31 =	sshll.u32 s1, $0xD;
	s1 =	sshrl.u32 s1, $0x2  }
0x31: {  	s3 =	sand.u32 $0x4000, s31;
	s1 =	sadd.s32 s1, s30  }
0x32: {  	s0 =	sor.u32 s3, s0;
	s1 =	sshll.u32 s1, $0x11  }
0x33: {  	s0 =	sor.u32 s1, s0  }
0x34: {  	s0 =	sadd.s32 $0x8F2B, s0  }
0x35: {  	[sflag:s0] =	ssyncadd.remote.s32 $0x1  }
0x36: {  	_ =	sfence.sel $0xFFFF  }
0x37: {  	[dreg:$0x0] =	wrdreg $0xFFFFFFFF;
	(pc) =	sbr.abs _section_cstart, $3  }
0x38: {  	[dreg:$0x1] =	wrdreg $0xFFFFFFFF  }
0x39: {  	_ =	task.clear_ibuf [dreg:s7], $0x2FFFF;
	_ =	strace $0x9FFFFFFF  }
0x3a: {  	(tm) =	ssettm $0x7FFFFFFF  }
0x3b: {  	_ =	shalt  }
tec
execute0_lowered:
.L_overlay_start_1:
0x0: {  	(tag) =	ssettag $0x1  }
0x1: {  	s0 =	srdreg.scid  }
0x2: {  	s1 =	sshll.u32 s0, $0x4  }
0x3: {  	s4 =	rddreg [dreg:$0x0];
	s0 =	stileid.u32;
	s1 =	sand.u32 $0x10, s1  }
0x4: {  	s2 =	rddreg [dreg:$0x1];
	s7 =	simm.s32 $0x1;
	s1 =	sor.u32 s0, s1  }
0x5: {  	s8 =	simm.s32 $0x2;
	s11 =	simm.s32 $0x0;
	s3 =	sshll.u32 s1, $0x1  }
0x6: {  	s10 =	simm.s32 $0x0;
	s4 =	sadd.s32 $0x800, s4;
	s6 =	ssub.s32 $0x640, s3  }
.Ltmp0:
0x7: {  	s1 =	rddreg [dreg:$0x2];
	s5 =	sand.u32 $0x3E, s6;
	(pc) =	sbr.rel .LBB1_1-.Ltmp0, $4  }
0x8: {  	_ =	strace $0x8000004A;
	s9 =	smov.u32 s3;
	p0 =	sne.s32 s5, $0x0  }
0x9: {  	s6 =	sshrl.u32 s6, $0x6;
	s5 =	simm.s32 $0x1;
	s7 =	simm.s32 @!p0 $0x0  }
0xa: {  	[sflag:s5] =	ssyncpa.u1 $0x0;
	p0 =	por $0x0, $0x0;
	s6 =	sadd.s32 s7, s6  }
0xb: {  	[sflag:s8] =	ssyncpa.u1 $0x0;
	s8 =	simm.s32 $0x0;
	s7 =	sadd.s32 $0x1, s6  }
.LBB1_7:
0xc: {  	s13 =	sadd.s32 $0x40, s9  }
0xd: {  	p2 =	sgt.s32 s13, $0x63F  }
0xe: {  	s13 =	smov.u32 @p2 s3;
	p2 =	sne.s32 s10, s7  }
.Ltmp1:
0xf: {  	p1 =	slt.u32 s10, $0x2;
	(pc) =	sbr.rel @!p2 .LBB1_8-.Ltmp1, $4  }
0x10: {  	s12 =	simm.s32 @!p1 $0x2  }
0x11: {  	s14 =	sadd.s32 $0x1, s10;
	_ =	swait.ge @!p1 [sflag:s12], $0x4000  }
0x12: {  	s11 =	smov.u32 s9;
	p0 =	por !p0, !p0;
	[sflag:s12] =	ssyncset.done @!p1 $0x0  }
0x13: {  	s10 =	smov.u32 s14;
	s9 =	smov.u32 s13;
	[sflag:s12] =	ssyncadd.s32 @!p1 $0xFFFFC000  }
.LBB1_1:
0x14: {  	p1 =	sge.u32 s10, s6  }
0x15: {  	s31 =	sadd.s32 $0xFFFFFFFF, s10;
	s12 =	sxor.u32 @!p1 $0xFFFFFFFF, s10  }
0x16: {  	s13 =	sshll.u32 @!p1 s9, $0xB;
	s14 =	simm.s32 @!p1 $0x40;
	s12 =	sshll.u32 @!p1 s12, $0xE  }
0x17: {  	s15 =	simm.s32 @!p1 $0x80;
	s13 =	sadd.s32 @!p1 s4, s13;
	s12 =	sand.u32 @!p1 $0x4000, s12  }
0x18: {  	[tilespmem:s12], [sflag:$0x1] =	stream.strided.gather @!p1 [hbm4b:s13+s14], $0x4000, s15, s14, $0x38;
	[tilespmem:$0x10100] =	vst v63  }
0x19: {  	p1 =	sge.u32 s31, s6  }
.Ltmp2:
0x1a: {  	_ = 	snop;
	(pc) =	sbr.rel @p1 .LBB1_7-.Ltmp2, $1  }
0x1b: {  	_ =	sdelay $0x3  }
0x1c: {  	s12 =	simm.s32 $0x1;
	s14 =	sand.u32 $0x1, s10  }
0x1d: {  	_ =	swait.ge [sflag:s5], $0x4000;
	s12 =	simm.s32 @!p0 $0x0;
	s14 =	smul.u32 $0x10200, s14  }
0x1e: {  	p2 =	por $0x1, $0x1;
	[sflag:s5] =	ssyncset.done $0x0;
	s13 =	smul.u32 $0x10200, s12  }
0x1f: {  	s15 =	sshll.u32 s12, $0x10;
	[sflag:s5] =	ssyncadd.s32 $0xFFFFC000;
	s30 =	sshrl.u32 s14, $0x2  }
0x20: {  	s31 =	sshrl.u32 s15, $0x2;
	s15 =	simm.s32 $0x0;
	s13 =	sshrl.u32 s13, $0x2  }
0x21: {  	s12 =	sor.u32 $0x8000, s30;
	s14 =	sadd.s32 $0x20, s31;
	s13 =	sor.u32 $0x8000, s13  }
.LBB1_3:
0x22: {  	s16 =	sshll.u32 s15, $0xD  }
0x23: {  	s16 =	sand.u32 $0x3FFFE000, s16  }
0x24: {  	s18 =	sadd.s32 s16, s14  }
0x25: {  	s31 =	smul.u32 $0x8100, s15;
	v3 =	vld [tilespmem:s18+$0x10]  }
0x26: {  	v1 =	vld [tilespmem:s18+$0xFFFFFFF0]  }
0x27: {  	s15 =	sshra.s32 s31, $0x2;
	v0 =	vld [tilespmem:s18+$0x0]  }
0x28: {  	s15 =	sadd.s32 s15, s13;
	v2 =	vld [tilespmem:s18+$0xFFFFFFE0]  }
0x29: {  	s16 =	sadd.s32 $0x0, s15  }
0x2a: {  	p1 =	por p2, p2;
	s17 =	simm.s32 $0x4;
	s18 =	sadd.s32 $0x40, s18;
	[tilespmem:s16+$0x1830 ss:$0x81] =	vst.msk $0xffff, v3  }
.LBB1_4:
0x2b: {  	v3 =	vld [tilespmem:s18+$0x10];
	p2 =	sne.s32 s17, $0x1FC;
	[tilespmem:s16+$0x810 ss:$0x81] =	vst.msk $0xffff, v1;
	s19 =	smov.u32 s17;
	s17 =	sadd.s32 $0x4, s17  }
.Ltmp3:
0x2c: {  	v1 =	vld [tilespmem:s18+$0xFFFFFFF0];
	[tilespmem:s16+$0x1020 ss:$0x81] =	vst.msk $0xffff, v0;
	(pc) =	sbr.rel @p2 .LBB1_4-.Ltmp3, $4  }
0x2d: {  	v0 =	vld [tilespmem:s18+$0x0];
	[tilespmem:s16+$0x0 ss:$0x81] =	vst.msk $0xffff, v2  }
0x2e: {  	s16 =	sshra.s32 s19, $0x2;
	v2 =	vld [tilespmem:s18+$0xFFFFFFE0]  }
0x2f: {  	s16 =	sadd.s32 s16, s15  }
0x30: {  	s18 =	sadd.s32 $0x40, s18;
	[tilespmem:s16+$0x1830 ss:$0x81] =	vst.msk $0xffff, v3  }
.Ltmp4:
0x31: {  	(pc) =	sbr.rel @p1 .LBB1_3-.Ltmp4, $4  }
0x32: {  	_ = 	snop  }
0x33: {  	[tilespmem:s16+$0x810 ss:$0x81] =	vst.msk $0xffff, v1  }
0x34: {  	[tilespmem:s16+$0x1020 ss:$0x81] =	vst.msk $0xffff, v0  }
0x35: {  	s15 =	simm.s32 $0x1;
	p2 =	por $0x0, $0x0;
	[tilespmem:s16+$0x0 ss:$0x81] =	vst.msk $0xffff, v2  }
.Ltmp5:
0x36: {  	(pc) =	sbr.rel .LBB1_7-.Ltmp5, $4  }
0x37: {  	_ = 	snop  }
0x38: {  	s11 =	sshll.u32 s11, $0xA  }
0x39: {  	s11 =	sadd.s32 s2, s11  }
0x3a: {  	[hbm4b:s11+s8] =	stream.linear.scatter [tilespmem:s12], [sflag:$0x2], $0x4000, $0x20;
	[tilespmem:$0x10100] =	vst v63  }
.LBB1_8:
0x3b: {  	_ =	sfence.sel $0x180000  }
0x3c: {  	s2 =	simm.s32 $0x1;
	[bflag:$0x0] =	sbarrier.arrive $0xFFFF  }
0x3d: {  	s31 =	simm.s32 $0x2;
	[sflag:s2] =	ssyncpa.u1 $0x1  }
0x3e: {  	[sflag:s31] =	ssyncpa.u1 $0x1  }
0x3f: {  	p0 =	sne.s32 s0, $0x0;
	_ =	strace $0x9000004A  }
0x40: {  	s0 =	sadd.s32 @!p0 $0x100000, s1;
	[bflag:$0x2] =	sbarrier.arrive $0xFFFF  }
0x41: {  	[sflag:s0] =	ssyncadd.tile.s32 @!p0 $0x1;
	_ =	shalt  }
.Lfunc_end1:
_tile_overlayer_lowered:
.L_overlay_start_2:
0x42: {  	(tag) =	ssettag $0x2  }
0x43: {  	s0 =	rddreg [dreg:$0x0];
	s2 =	stileid.u32  }
0x44: {  	s1 =	rddreg [dreg:$0x1];
	p0 =	sne.s32 s2, $0x0  }
0x45: {  	s3 =	rddreg [dreg:$0x2];
	[bflag:$0x3] =	sbarrier.arrive $0xFFFF;
	s2 =	simm.s32 @!p0 $0x1C01  }
0x46: {  	[timem:s3], [sflag:s2] =	dma.local @!p0 [hbm:s0], s1  }
0x47: {  	s0 =	simm.s32 @!p0 $0x1  }
0x48: {  	_ =	swait.ge @!p0 [sflag:s0], s1  }
0x49: {  	s1 =	ssub.s32 @!p0 $0x0, s1;
	[sflag:s0] =	ssyncset.done @!p0 $0x0  }
0x4a: {  	[sflag:s0] =	ssyncadd.s32 @!p0 s1  }
0x4b: {  	[bflag:$0x3] =	sbarrier.arrive $0xFFFF  }
0x4c: {  	_ =	shalt  }

</sc_bundles>
